<compile_context>
chip_gen: v7x
topology: tpu7x:2x2x1
jax: 0.10.2.dev20260603
libtpu: 0.0.44.dev20260713+nightly
codegen_flags: <defaults>
</compile_context>

<pallas_src>
import jax
import jax.numpy as jnp
from jax import lax
from jax.experimental import pallas as pl
from jax.experimental.pallas import tpu as pltpu
from jax.experimental.pallas import tpu_sc as plsc

B = 4096
H = 128
NT = 73
ROWS = B * NT
NW = 32
RPT = ROWS // NW
BPT = B // NW

OFF_PIECE = 0
OFF_SIDE = 13
OFF_CASTLE = 15
OFF_NOC = 19
OFF_POS = 20
OFF_NOEP = 84
OFF_HALF = 85
OFF_FULL = 185
OFF_REP = 441
ZERO_ROW = 444
TROWS = 448
PACK = 65536


def _sc_body(table_hbm, piece_hbm, side_hbm, castle_hbm, ep_hbm, hm_hbm,
             fm_hbm, rep_hbm, out_hbm,
             table_v, idxp_v, piece_v, side_v, castle_v, ep_v, hm_v, rep_v,
             fm_v, rows0, rows1, rows2, rows3, ss0, ss1, ss2, ss3):
    wid = lax.axis_index("s") * 2 + lax.axis_index("c")

    tcopy = pltpu.async_copy(table_hbm, table_v, ss0)
    pcopy = pltpu.async_copy(
        piece_hbm.at[pl.ds(wid * (BPT * 64), BPT * 64)], piece_v, ss1)
    pltpu.sync_copy(castle_hbm.at[pl.ds(wid * (BPT * 4), BPT * 4)], castle_v)
    pltpu.sync_copy(side_hbm.at[pl.ds(wid * BPT, BPT)], side_v)
    pltpu.sync_copy(ep_hbm.at[pl.ds(wid * BPT, BPT)], ep_v)
    pltpu.sync_copy(hm_hbm.at[pl.ds(wid * BPT, BPT)], hm_v)
    pltpu.sync_copy(fm_hbm.at[pl.ds(wid * BPT, BPT)], fm_v)
    pltpu.sync_copy(rep_hbm.at[pl.ds(wid * BPT, BPT)], rep_v)
    pcopy.wait()

    iota16 = jnp.arange(16, dtype=jnp.int32)

    @plsc.parallel_loop(0, BPT, unroll=4)
    def board_idx(bd):
        for v in range(4):
            p = piece_v[pl.ds(bd * 64 + v * 16, 16)]
            idxp_v[pl.ds(bd * NT + v * 16, 16)] = (
                p * PACK + (OFF_POS + v * 16) + iota16)

    @plsc.parallel_loop(0, BPT // 16, unroll=2)
    def extra_idx(g):
        bsel = pl.ds(g * 16, 16)
        pos0 = (g * 16 + iota16) * NT
        side_t = (side_v[bsel] + OFF_SIDE) * PACK + ZERO_ROW
        plsc.store_scatter(idxp_v, [pos0 + 64], side_t)
        for i in range(4):
            cf = plsc.load_gather(castle_v, [(g * 16 + iota16) * 4 + i])
            ct = jnp.where(cf > 0, OFF_CASTLE + i, OFF_NOC) * PACK + ZERO_ROW
            plsc.store_scatter(idxp_v, [pos0 + 65 + i], ct)
        ep = ep_v[bsel]
        ep_t = jnp.where(ep < 64, ep + OFF_POS, OFF_NOEP) * PACK + ZERO_ROW
        plsc.store_scatter(idxp_v, [pos0 + 69], ep_t)
        hm_t = (jnp.clip(hm_v[bsel], 0, 99) + OFF_HALF) * PACK + ZERO_ROW
        plsc.store_scatter(idxp_v, [pos0 + 70], hm_t)
        fm_t = (jnp.clip(fm_v[bsel], 1, 256) - 1 + OFF_FULL) * PACK + ZERO_ROW
        plsc.store_scatter(idxp_v, [pos0 + 71], fm_t)
        rep_t = (jnp.clip(rep_v[bsel] - 1, 0, 2) + OFF_REP) * PACK + ZERO_ROW
        plsc.store_scatter(idxp_v, [pos0 + 72], rep_t)

    tcopy.wait()

    def compute_board(bd, buf):
        @plsc.parallel_loop(0, NT, unroll=4)
        def row(i):
            vp = idxp_v[pl.ds(bd * NT + i, 16)]
            p = vp[0]
            a = (p >> 16) * H
            b = (p & 0xFFFF) * H
            sums = [table_v[pl.ds(a + j * 16, 16)]
                    + table_v[pl.ds(b + j * 16, 16)]
                    for j in range(H // 16)]
            for j in range(H // 16):
                buf[i, pl.ds(j * 16, 16)] = sums[j]

    def store(bd, buf, sem):
        return pltpu.async_copy(buf, out_hbm.at[wid * BPT + bd], sem)

    def quad(g, carry):
        b0 = 4 * g
        compute_board(b0, rows0)
        sa = store(b0, rows0, ss0)
        compute_board(b0 + 1, rows1)
        sb = store(b0 + 1, rows1, ss1)
        compute_board(b0 + 2, rows2)
        sa.wait()
        sc = store(b0 + 2, rows2, ss2)
        compute_board(b0 + 3, rows3)
        sb.wait()
        sd = store(b0 + 3, rows3, ss3)
        sc.wait()
        sd.wait()
        return carry

    lax.fori_loop(0, BPT // 4, quad, 0)


_sc_gather = pl.kernel(
    _sc_body,
    out_type=jax.ShapeDtypeStruct((B, NT, H), jnp.float32),
    mesh=plsc.VectorSubcoreMesh(core_axis_name="c", subcore_axis_name="s"),
    compiler_params=pltpu.CompilerParams(needs_layout_passes=False),
    scratch_types=(
        pltpu.VMEM((TROWS * H,), jnp.float32),
        pltpu.VMEM((RPT + 16,), jnp.int32),
        pltpu.VMEM((BPT * 64,), jnp.int32),
        pltpu.VMEM((BPT,), jnp.int32),
        pltpu.VMEM((BPT * 4,), jnp.int32),
        pltpu.VMEM((BPT,), jnp.int32),
        pltpu.VMEM((BPT,), jnp.int32),
        pltpu.VMEM((BPT,), jnp.int32),
        pltpu.VMEM((BPT,), jnp.int32),
        pltpu.VMEM((NT, H), jnp.float32),
        pltpu.VMEM((NT, H), jnp.float32),
        pltpu.VMEM((NT, H), jnp.float32),
        pltpu.VMEM((NT, H), jnp.float32),
        pltpu.SemaphoreType.DMA,
        pltpu.SemaphoreType.DMA,
        pltpu.SemaphoreType.DMA,
        pltpu.SemaphoreType.DMA,
    ),
)


def kernel(piece_indices, side_idx, castling_flags, en_passant_idx, halfmove,
           fullmove, repetitions, side_embed, castling_embed_K, castling_embed_Q,
           castling_embed_k, castling_embed_q, no_castling_embed, piece_embed,
           no_en_passant_embed, half_move_embed, full_move_embed,
           repetition_embed, pos_embed):
    i32 = jnp.int32

    table = jnp.concatenate([
        piece_embed,
        side_embed,
        castling_embed_K.reshape(1, H),
        castling_embed_Q.reshape(1, H),
        castling_embed_k.reshape(1, H),
        castling_embed_q.reshape(1, H),
        no_castling_embed.reshape(1, H),
        pos_embed,
        no_en_passant_embed.reshape(1, H),
        half_move_embed,
        full_move_embed,
        repetition_embed,
        jnp.zeros((TROWS - ZERO_ROW, H), jnp.float32),
    ], axis=0)

    return _sc_gather(
        table.reshape(TROWS * H),
        piece_indices.astype(i32).reshape(B * 64),
        side_idx.astype(i32),
        castling_flags.astype(i32).reshape(B * 4),
        en_passant_idx.astype(i32),
        halfmove.astype(i32),
        fullmove.astype(i32),
        repetitions.astype(i32))

# --- scband reference (transcript-rebuilt; emitter-appended) ---
"""Pipeline reference for scband-fentokenizer-72129680769094 (READ-ONLY COPY).

The authoritative reference and input builder live on the scoring server;
editing this copy changes nothing except your own understanding.
"""

import jax, jax.numpy as jnp
import numpy as np

MAX_HALFMOVES = 100
MAX_FULLMOVES = 256
B = 4096
H = 128


def setup_inputs(seed: int = 0) -> dict:
    key = jax.random.key(seed)
    ks = jax.random.split(key, 20)
    inp = {}
    inp["piece_indices"] = jax.random.randint(ks[0], (B, 64), 0, 13)
    inp["side_idx"] = jax.random.randint(ks[1], (B,), 0, 2)
    inp["castling_flags"] = jax.random.randint(ks[2], (B, 4), 0, 2)
    inp["en_passant_idx"] = jax.random.randint(ks[3], (B,), 0, 65)  # 64 encodes '-'
    inp["halfmove"] = jax.random.randint(ks[4], (B,), 0, MAX_HALFMOVES)
    inp["fullmove"] = jax.random.randint(ks[5], (B,), 0, MAX_FULLMOVES)
    inp["repetitions"] = jax.random.randint(ks[6], (B,), 0, 3)
    # learned parameters
    inp["side_embed"] = jax.random.normal(ks[7], (2, H), jnp.float32)
    inp["castling_embed_K"] = jax.random.normal(ks[8], (H,), jnp.float32)
    inp["castling_embed_Q"] = jax.random.normal(ks[9], (H,), jnp.float32)
    inp["castling_embed_k"] = jax.random.normal(ks[10], (H,), jnp.float32)
    inp["castling_embed_q"] = jax.random.normal(ks[11], (H,), jnp.float32)
    inp["no_castling_embed"] = jax.random.normal(ks[12], (H,), jnp.float32)
    inp["piece_embed"] = jax.random.normal(ks[13], (13, H), jnp.float32)
    inp["no_en_passant_embed"] = jax.random.normal(ks[14], (H,), jnp.float32)
    inp["half_move_embed"] = jax.random.normal(ks[15], (MAX_HALFMOVES, H), jnp.float32)
    inp["full_move_embed"] = jax.random.normal(ks[16], (MAX_FULLMOVES, H), jnp.float32)
    inp["repetition_embed"] = jax.random.normal(ks[17], (3, H), jnp.float32)
    inp["pos_embed"] = jax.random.normal(ks[18], (64, H), jnp.float32)
    return inp


def reference(piece_indices, side_idx, castling_flags, en_passant_idx, halfmove,
              fullmove, repetitions, side_embed, castling_embed_K, castling_embed_Q,
              castling_embed_k, castling_embed_q, no_castling_embed, piece_embed,
              no_en_passant_embed, half_move_embed, full_move_embed,
              repetition_embed, pos_embed):
    # 64 board tokens: piece embedding + positional embedding per square
    all_pos_embeds = jnp.take(pos_embed, jnp.arange(64), axis=0)          # [64, H]
    piece_embeds = jnp.take(piece_embed, piece_indices, axis=0)          # [B, 64, H]
    board_tokens = piece_embeds + all_pos_embeds[None, :, :]             # [B, 64, H]
    # 1 side-to-move token
    side_token = jnp.take(side_embed, side_idx, axis=0)[:, None, :]      # [B, 1, H]
    # 4 castling tokens: flag selects the specific right embedding, else no-castling
    castle_stack = jnp.stack([castling_embed_K, castling_embed_Q,
                              castling_embed_k, castling_embed_q], axis=0)  # [4, H]
    flags = (castling_flags > 0)[..., None]                              # [B, 4, 1]
    castling_tokens = jnp.where(flags, castle_stack[None, :, :],
                                no_castling_embed[None, None, :])        # [B, 4, H]
    # 1 en-passant token: idx 64 means '-'
    has_ep = (en_passant_idx < 64)[:, None]                              # [B, 1]
    ep_sq = jnp.clip(en_passant_idx, 0, 63)
    ep_token = jnp.where(has_ep, jnp.take(pos_embed, ep_sq, axis=0),
                         no_en_passant_embed[None, :])[:, None, :]       # [B, 1, H]
    # 1 halfmove clock token
    hm = jnp.clip(halfmove, 0, MAX_HALFMOVES - 1)
    half_move_token = jnp.take(half_move_embed, hm, axis=0)[:, None, :]  # [B, 1, H]
    # 1 fullmove number token
    fm = jnp.clip(fullmove, 1, MAX_FULLMOVES) - 1
    full_move_token = jnp.take(full_move_embed, fm, axis=0)[:, None, :]  # [B, 1, H]
    # 1 repetition token
    rep = jnp.clip(repetitions - 1, 0, 2)
    repetition_tokens = jnp.take(repetition_embed, rep, axis=0)[:, None, :]  # [B, 1, H]
    return jnp.concatenate([board_tokens, side_token, castling_tokens, ep_token,
                            half_move_token, full_move_token, repetition_tokens],
                           axis=1)                                       # [B, 73, H]

if __name__ == "__main__":
    import jax
    _d = setup_inputs()
    print(jax.jit(kernel)(*tuple(_d.values())))

</pallas_src>

<mosaic_0001>
#map = affine_map<(d0, d1) -> (0)>
#map1 = affine_map<(d0, d1) -> (0, 0, 0)>
module attributes {stable_mosaic.version = 14 : i64} {
  func.func @_sc_body(%arg0: i32, %arg1: i32, %arg2: memref<57344xf32, #tpu.memory_space<hbm>>, %arg3: memref<262144xi32, #tpu.memory_space<hbm>>, %arg4: memref<4096xi32, #tpu.memory_space<hbm>>, %arg5: memref<16384xi32, #tpu.memory_space<hbm>>, %arg6: memref<4096xi32, #tpu.memory_space<hbm>>, %arg7: memref<4096xi32, #tpu.memory_space<hbm>>, %arg8: memref<4096xi32, #tpu.memory_space<hbm>>, %arg9: memref<4096xi32, #tpu.memory_space<hbm>>, %arg10: memref<4096x73x128xf32, #tpu.memory_space<hbm>>, %arg11: memref<57344xf32, #tpu.memory_space<vmem>>, %arg12: memref<9360xi32, #tpu.memory_space<vmem>>, %arg13: memref<8192xi32, #tpu.memory_space<vmem>>, %arg14: memref<128xi32, #tpu.memory_space<vmem>>, %arg15: memref<512xi32, #tpu.memory_space<vmem>>, %arg16: memref<128xi32, #tpu.memory_space<vmem>>, %arg17: memref<128xi32, #tpu.memory_space<vmem>>, %arg18: memref<128xi32, #tpu.memory_space<vmem>>, %arg19: memref<128xi32, #tpu.memory_space<vmem>>, %arg20: memref<73x128xf32, #tpu.memory_space<vmem>>, %arg21: memref<73x128xf32, #tpu.memory_space<vmem>>, %arg22: memref<73x128xf32, #tpu.memory_space<vmem>>, %arg23: memref<73x128xf32, #tpu.memory_space<vmem>>, %arg24: memref<!tpu.dma_semaphore, #tpu.memory_space<semaphore_mem>>, %arg25: memref<!tpu.dma_semaphore, #tpu.memory_space<semaphore_mem>>, %arg26: memref<!tpu.dma_semaphore, #tpu.memory_space<semaphore_mem>>, %arg27: memref<!tpu.dma_semaphore, #tpu.memory_space<semaphore_mem>>) attributes {dimension_semantics = [#tpu.dimension_semantics<core_parallel>, #tpu.dimension_semantics<subcore_parallel>], iteration_bounds = array<i64: 2, 16>, scalar_prefetch = 0 : i64, scratch_operands = 17 : i64, tpu.core_type = #tpu.core_type<sc_vector_subcore>, window_params = [{transform_indices = #map}, {transform_indices = #map}, {transform_indices = #map}, {transform_indices = #map}, {transform_indices = #map}, {transform_indices = #map}, {transform_indices = #map}, {transform_indices = #map}, {transform_indices = #map1}]} {
    %mul3A = arith.constant 2 : i32
    %mul3A_0 = arith.muli %arg1, %mul3A : i32
    %add3A = arith.addi %mul3A_0, %arg0 : i32
    tpu.enqueue_dma source(%arg2 : memref<57344xf32, #tpu.memory_space<hbm>>) target(%arg11 : memref<57344xf32, #tpu.memory_space<vmem>>) target_semaphore(%arg24 : memref<!tpu.dma_semaphore, #tpu.memory_space<semaphore_mem>>)
    %mul3A_1 = arith.constant 8192 : i32
    %mul3A_2 = arith.muli %add3A, %mul3A_1 : i32
    %dma_start3A = tpu.memref_slice %arg3[%mul3A_2] : memref<262144xi32, #tpu.memory_space<hbm>> -> memref<8192xi32, #tpu.memory_space<hbm>>
    %dma_start3A_3 = tpu.memref_slice %arg3[%mul3A_2] : memref<262144xi32, #tpu.memory_space<hbm>> -> memref<8192xi32, #tpu.memory_space<hbm>>
    tpu.enqueue_dma source(%dma_start3A_3 : memref<8192xi32, #tpu.memory_space<hbm>>) target(%arg13 : memref<8192xi32, #tpu.memory_space<vmem>>) target_semaphore(%arg25 : memref<!tpu.dma_semaphore, #tpu.memory_space<semaphore_mem>>)
    %mul3A_4 = arith.constant 512 : i32
    %mul3A_5 = arith.muli %add3A, %mul3A_4 : i32
    "tpu.region"() ({
      %run_scoped3A = tpu.sem_alloc : memref<!tpu.dma_semaphore, #tpu.memory_space<semaphore_mem>>
      %dma_start3A_27 = tpu.memref_slice %arg5[%mul3A_5] : memref<16384xi32, #tpu.memory_space<hbm>> -> memref<512xi32, #tpu.memory_space<hbm>>
      %dma_start3A_28 = tpu.memref_slice %arg5[%mul3A_5] : memref<16384xi32, #tpu.memory_space<hbm>> -> memref<512xi32, #tpu.memory_space<hbm>>
      tpu.enqueue_dma source(%dma_start3A_28 : memref<512xi32, #tpu.memory_space<hbm>>) target(%arg15 : memref<512xi32, #tpu.memory_space<vmem>>) target_semaphore(%run_scoped3A : memref<!tpu.dma_semaphore, #tpu.memory_space<semaphore_mem>>)
      %dma_wait3A_29 = tpu.memref_slice %arg5[%mul3A_5] : memref<16384xi32, #tpu.memory_space<hbm>> -> memref<512xi32, #tpu.memory_space<hbm>>
      %dma_wait3A_30 = tpu.memref_slice %arg5[%mul3A_5] : memref<16384xi32, #tpu.memory_space<hbm>> -> memref<512xi32, #tpu.memory_space<hbm>>
      tpu.wait_dma2 semaphore(%run_scoped3A : memref<!tpu.dma_semaphore, #tpu.memory_space<semaphore_mem>>) src(%dma_wait3A_30 : memref<512xi32, #tpu.memory_space<hbm>>) dst(%arg15 : memref<512xi32, #tpu.memory_space<vmem>>)
      tpu.yield
    }) : () -> ()
    %mul3A_6 = arith.constant 128 : i32
    %mul3A_7 = arith.muli %add3A, %mul3A_6 : i32
    "tpu.region"() ({
      %run_scoped3A = tpu.sem_alloc : memref<!tpu.dma_semaphore, #tpu.memory_space<semaphore_mem>>
      %dma_start3A_27 = tpu.memref_slice %arg4[%mul3A_7] : memref<4096xi32, #tpu.memory_space<hbm>> -> memref<128xi32, #tpu.memory_space<hbm>>
      %dma_start3A_28 = tpu.memref_slice %arg4[%mul3A_7] : memref<4096xi32, #tpu.memory_space<hbm>> -> memref<128xi32, #tpu.memory_space<hbm>>
      tpu.enqueue_dma source(%dma_start3A_28 : memref<128xi32, #tpu.memory_space<hbm>>) target(%arg14 : memref<128xi32, #tpu.memory_space<vmem>>) target_semaphore(%run_scoped3A : memref<!tpu.dma_semaphore, #tpu.memory_space<semaphore_mem>>)
      %dma_wait3A_29 = tpu.memref_slice %arg4[%mul3A_7] : memref<4096xi32, #tpu.memory_space<hbm>> -> memref<128xi32, #tpu.memory_space<hbm>>
      %dma_wait3A_30 = tpu.memref_slice %arg4[%mul3A_7] : memref<4096xi32, #tpu.memory_space<hbm>> -> memref<128xi32, #tpu.memory_space<hbm>>
      tpu.wait_dma2 semaphore(%run_scoped3A : memref<!tpu.dma_semaphore, #tpu.memory_space<semaphore_mem>>) src(%dma_wait3A_30 : memref<128xi32, #tpu.memory_space<hbm>>) dst(%arg14 : memref<128xi32, #tpu.memory_space<vmem>>)
      tpu.yield
    }) : () -> ()
    %mul3A_8 = arith.constant 128 : i32
    %mul3A_9 = arith.muli %add3A, %mul3A_8 : i32
    "tpu.region"() ({
      %run_scoped3A = tpu.sem_alloc : memref<!tpu.dma_semaphore, #tpu.memory_space<semaphore_mem>>
      %dma_start3A_27 = tpu.memref_slice %arg6[%mul3A_9] : memref<4096xi32, #tpu.memory_space<hbm>> -> memref<128xi32, #tpu.memory_space<hbm>>
      %dma_start3A_28 = tpu.memref_slice %arg6[%mul3A_9] : memref<4096xi32, #tpu.memory_space<hbm>> -> memref<128xi32, #tpu.memory_space<hbm>>
      tpu.enqueue_dma source(%dma_start3A_28 : memref<128xi32, #tpu.memory_space<hbm>>) target(%arg16 : memref<128xi32, #tpu.memory_space<vmem>>) target_semaphore(%run_scoped3A : memref<!tpu.dma_semaphore, #tpu.memory_space<semaphore_mem>>)
      %dma_wait3A_29 = tpu.memref_slice %arg6[%mul3A_9] : memref<4096xi32, #tpu.memory_space<hbm>> -> memref<128xi32, #tpu.memory_space<hbm>>
      %dma_wait3A_30 = tpu.memref_slice %arg6[%mul3A_9] : memref<4096xi32, #tpu.memory_space<hbm>> -> memref<128xi32, #tpu.memory_space<hbm>>
      tpu.wait_dma2 semaphore(%run_scoped3A : memref<!tpu.dma_semaphore, #tpu.memory_space<semaphore_mem>>) src(%dma_wait3A_30 : memref<128xi32, #tpu.memory_space<hbm>>) dst(%arg16 : memref<128xi32, #tpu.memory_space<vmem>>)
      tpu.yield
    }) : () -> ()
    %mul3A_10 = arith.constant 128 : i32
    %mul3A_11 = arith.muli %add3A, %mul3A_10 : i32
    "tpu.region"() ({
      %run_scoped3A = tpu.sem_alloc : memref<!tpu.dma_semaphore, #tpu.memory_space<semaphore_mem>>
      %dma_start3A_27 = tpu.memref_slice %arg7[%mul3A_11] : memref<4096xi32, #tpu.memory_space<hbm>> -> memref<128xi32, #tpu.memory_space<hbm>>
      %dma_start3A_28 = tpu.memref_slice %arg7[%mul3A_11] : memref<4096xi32, #tpu.memory_space<hbm>> -> memref<128xi32, #tpu.memory_space<hbm>>
      tpu.enqueue_dma source(%dma_start3A_28 : memref<128xi32, #tpu.memory_space<hbm>>) target(%arg17 : memref<128xi32, #tpu.memory_space<vmem>>) target_semaphore(%run_scoped3A : memref<!tpu.dma_semaphore, #tpu.memory_space<semaphore_mem>>)
      %dma_wait3A_29 = tpu.memref_slice %arg7[%mul3A_11] : memref<4096xi32, #tpu.memory_space<hbm>> -> memref<128xi32, #tpu.memory_space<hbm>>
      %dma_wait3A_30 = tpu.memref_slice %arg7[%mul3A_11] : memref<4096xi32, #tpu.memory_space<hbm>> -> memref<128xi32, #tpu.memory_space<hbm>>
      tpu.wait_dma2 semaphore(%run_scoped3A : memref<!tpu.dma_semaphore, #tpu.memory_space<semaphore_mem>>) src(%dma_wait3A_30 : memref<128xi32, #tpu.memory_space<hbm>>) dst(%arg17 : memref<128xi32, #tpu.memory_space<vmem>>)
      tpu.yield
    }) : () -> ()
    %mul3A_12 = arith.constant 128 : i32
    %mul3A_13 = arith.muli %add3A, %mul3A_12 : i32
    "tpu.region"() ({
      %run_scoped3A = tpu.sem_alloc : memref<!tpu.dma_semaphore, #tpu.memory_space<semaphore_mem>>
      %dma_start3A_27 = tpu.memref_slice %arg8[%mul3A_13] : memref<4096xi32, #tpu.memory_space<hbm>> -> memref<128xi32, #tpu.memory_space<hbm>>
      %dma_start3A_28 = tpu.memref_slice %arg8[%mul3A_13] : memref<4096xi32, #tpu.memory_space<hbm>> -> memref<128xi32, #tpu.memory_space<hbm>>
      tpu.enqueue_dma source(%dma_start3A_28 : memref<128xi32, #tpu.memory_space<hbm>>) target(%arg19 : memref<128xi32, #tpu.memory_space<vmem>>) target_semaphore(%run_scoped3A : memref<!tpu.dma_semaphore, #tpu.memory_space<semaphore_mem>>)
      %dma_wait3A_29 = tpu.memref_slice %arg8[%mul3A_13] : memref<4096xi32, #tpu.memory_space<hbm>> -> memref<128xi32, #tpu.memory_space<hbm>>
      %dma_wait3A_30 = tpu.memref_slice %arg8[%mul3A_13] : memref<4096xi32, #tpu.memory_space<hbm>> -> memref<128xi32, #tpu.memory_space<hbm>>
      tpu.wait_dma2 semaphore(%run_scoped3A : memref<!tpu.dma_semaphore, #tpu.memory_space<semaphore_mem>>) src(%dma_wait3A_30 : memref<128xi32, #tpu.memory_space<hbm>>) dst(%arg19 : memref<128xi32, #tpu.memory_space<vmem>>)
      tpu.yield
    }) : () -> ()
    %mul3A_14 = arith.constant 128 : i32
    %mul3A_15 = arith.muli %add3A, %mul3A_14 : i32
    "tpu.region"() ({
      %run_scoped3A = tpu.sem_alloc : memref<!tpu.dma_semaphore, #tpu.memory_space<semaphore_mem>>
      %dma_start3A_27 = tpu.memref_slice %arg9[%mul3A_15] : memref<4096xi32, #tpu.memory_space<hbm>> -> memref<128xi32, #tpu.memory_space<hbm>>
      %dma_start3A_28 = tpu.memref_slice %arg9[%mul3A_15] : memref<4096xi32, #tpu.memory_space<hbm>> -> memref<128xi32, #tpu.memory_space<hbm>>
      tpu.enqueue_dma source(%dma_start3A_28 : memref<128xi32, #tpu.memory_space<hbm>>) target(%arg18 : memref<128xi32, #tpu.memory_space<vmem>>) target_semaphore(%run_scoped3A : memref<!tpu.dma_semaphore, #tpu.memory_space<semaphore_mem>>)
      %dma_wait3A_29 = tpu.memref_slice %arg9[%mul3A_15] : memref<4096xi32, #tpu.memory_space<hbm>> -> memref<128xi32, #tpu.memory_space<hbm>>
      %dma_wait3A_30 = tpu.memref_slice %arg9[%mul3A_15] : memref<4096xi32, #tpu.memory_space<hbm>> -> memref<128xi32, #tpu.memory_space<hbm>>
      tpu.wait_dma2 semaphore(%run_scoped3A : memref<!tpu.dma_semaphore, #tpu.memory_space<semaphore_mem>>) src(%dma_wait3A_30 : memref<128xi32, #tpu.memory_space<hbm>>) dst(%arg18 : memref<128xi32, #tpu.memory_space<vmem>>)
      tpu.yield
    }) : () -> ()
    %dma_wait3A = tpu.memref_slice %arg3[%mul3A_2] : memref<262144xi32, #tpu.memory_space<hbm>> -> memref<8192xi32, #tpu.memory_space<hbm>>
    %dma_wait3A_16 = tpu.memref_slice %arg3[%mul3A_2] : memref<262144xi32, #tpu.memory_space<hbm>> -> memref<8192xi32, #tpu.memory_space<hbm>>
    tpu.wait_dma2 semaphore(%arg25 : memref<!tpu.dma_semaphore, #tpu.memory_space<semaphore_mem>>) src(%dma_wait3A_16 : memref<8192xi32, #tpu.memory_space<hbm>>) dst(%arg13 : memref<8192xi32, #tpu.memory_space<vmem>>)
    %iota3A = tpu.iota {dimensions = array<i32: 0>} : vector<16xi32>
    %parallel_loop3A = arith.constant 0 : i32
    %parallel_loop3A_17 = arith.constant 128 : i32
    %parallel_loop3A_18 = arith.constant 1 : i32
    scf.for %parallel_loop3A_27 = %parallel_loop3A to %parallel_loop3A_17 step %parallel_loop3A_18  : i32 {
      %parallel_loop3A_28 = arith.constant 64 : i32
      %parallel_loop3A_29 = arith.muli %parallel_loop3A_27, %parallel_loop3A_28 : i32
      %parallel_loop3A_30 = arith.constant 0 : i32
      %parallel_loop3A_31 = arith.addi %parallel_loop3A_29, %parallel_loop3A_30 : i32
      %parallel_loop3A_32 = arith.index_cast %parallel_loop3A_31 : i32 to index
      %parallel_loop3A_33 = tpu.vector_load %arg13[%parallel_loop3A_32] {strides = array<i32>} : memref<8192xi32, #tpu.memory_space<vmem>>, vector<16xi32>,
      %parallel_loop3A_34 = arith.constant 65536 : i32
      %parallel_loop3A_35 = vector.broadcast %parallel_loop3A_34 : i32 to vector<16xi32>
      %parallel_loop3A_36 = arith.muli %parallel_loop3A_33, %parallel_loop3A_35 : vector<16xi32>
      %parallel_loop3A_37 = arith.constant 20 : i32
      %parallel_loop3A_38 = vector.broadcast %parallel_loop3A_37 : i32 to vector<16xi32>
      %parallel_loop3A_39 = arith.addi %parallel_loop3A_36, %parallel_loop3A_38 : vector<16xi32>
      %parallel_loop3A_40 = arith.addi %parallel_loop3A_39, %iota3A : vector<16xi32>
      %parallel_loop3A_41 = arith.constant 73 : i32
      %parallel_loop3A_42 = arith.muli %parallel_loop3A_27, %parallel_loop3A_41 : i32
      %parallel_loop3A_43 = arith.constant 0 : i32
      %parallel_loop3A_44 = arith.addi %parallel_loop3A_42, %parallel_loop3A_43 : i32
      %parallel_loop3A_45 = arith.index_cast %parallel_loop3A_44 : i32 to index
      %parallel_loop3A_46 = tpu.vector_load %arg12[%parallel_loop3A_45] {strides = array<i32>} : memref<9360xi32, #tpu.memory_space<vmem>>, vector<16xi32>,
      tpu.vector_store %arg12[%parallel_loop3A_45], %parallel_loop3A_40 {strides = array<i32>} : memref<9360xi32, #tpu.memory_space<vmem>>, vector<16xi32>,
      %parallel_loop3A_47 = arith.constant 64 : i32
      %parallel_loop3A_48 = arith.muli %parallel_loop3A_27, %parallel_loop3A_47 : i32
      %parallel_loop3A_49 = arith.constant 16 : i32
      %parallel_loop3A_50 = arith.addi %parallel_loop3A_48, %parallel_loop3A_49 : i32
      %parallel_loop3A_51 = arith.index_cast %parallel_loop3A_50 : i32 to index
      %parallel_loop3A_52 = tpu.vector_load %arg13[%parallel_loop3A_51] {strides = array<i32>} : memref<8192xi32, #tpu.memory_space<vmem>>, vector<16xi32>,
      %parallel_loop3A_53 = arith.constant 65536 : i32
      %parallel_loop3A_54 = vector.broadcast %parallel_loop3A_53 : i32 to vector<16xi32>
      %parallel_loop3A_55 = arith.muli %parallel_loop3A_52, %parallel_loop3A_54 : vector<16xi32>
      %parallel_loop3A_56 = arith.constant 36 : i32
      %parallel_loop3A_57 = vector.broadcast %parallel_loop3A_56 : i32 to vector<16xi32>
      %parallel_loop3A_58 = arith.addi %parallel_loop3A_55, %parallel_loop3A_57 : vector<16xi32>
      %parallel_loop3A_59 = arith.addi %parallel_loop3A_58, %iota3A : vector<16xi32>
      %parallel_loop3A_60 = arith.constant 73 : i32
      %parallel_loop3A_61 = arith.muli %parallel_loop3A_27, %parallel_loop3A_60 : i32
      %parallel_loop3A_62 = arith.constant 16 : i32
      %parallel_loop3A_63 = arith.addi %parallel_loop3A_61, %parallel_loop3A_62 : i32
      %parallel_loop3A_64 = arith.index_cast %parallel_loop3A_63 : i32 to index
      %parallel_loop3A_65 = tpu.vector_load %arg12[%parallel_loop3A_64] {strides = array<i32>} : memref<9360xi32, #tpu.memory_space<vmem>>, vector<16xi32>,
      tpu.vector_store %arg12[%parallel_loop3A_64], %parallel_loop3A_59 {strides = array<i32>} : memref<9360xi32, #tpu.memory_space<vmem>>, vector<16xi32>,
      %parallel_loop3A_66 = arith.constant 64 : i32
      %parallel_loop3A_67 = arith.muli %parallel_loop3A_27, %parallel_loop3A_66 : i32
      %parallel_loop3A_68 = arith.constant 32 : i32
      %parallel_loop3A_69 = arith.addi %parallel_loop3A_67, %parallel_loop3A_68 : i32
      %parallel_loop3A_70 = arith.index_cast %parallel_loop3A_69 : i32 to index
      %parallel_loop3A_71 = tpu.vector_load %arg13[%parallel_loop3A_70] {strides = array<i32>} : memref<8192xi32, #tpu.memory_space<vmem>>, vector<16xi32>,
      %parallel_loop3A_72 = arith.constant 65536 : i32
      %parallel_loop3A_73 = vector.broadcast %parallel_loop3A_72 : i32 to vector<16xi32>
      %parallel_loop3A_74 = arith.muli %parallel_loop3A_71, %parallel_loop3A_73 : vector<16xi32>
      %parallel_loop3A_75 = arith.constant 52 : i32
      %parallel_loop3A_76 = vector.broadcast %parallel_loop3A_75 : i32 to vector<16xi32>
      %parallel_loop3A_77 = arith.addi %parallel_loop3A_74, %parallel_loop3A_76 : vector<16xi32>
      %parallel_loop3A_78 = arith.addi %parallel_loop3A_77, %iota3A : vector<16xi32>
      %parallel_loop3A_79 = arith.constant 73 : i32
      %parallel_loop3A_80 = arith.muli %parallel_loop3A_27, %parallel_loop3A_79 : i32
      %parallel_loop3A_81 = arith.constant 32 : i32
      %parallel_loop3A_82 = arith.addi %parallel_loop3A_80, %parallel_loop3A_81 : i32
      %parallel_loop3A_83 = arith.index_cast %parallel_loop3A_82 : i32 to index
      %parallel_loop3A_84 = tpu.vector_load %arg12[%parallel_loop3A_83] {strides = array<i32>} : memref<9360xi32, #tpu.memory_space<vmem>>, vector<16xi32>,
      tpu.vector_store %arg12[%parallel_loop3A_83], %parallel_loop3A_78 {strides = array<i32>} : memref<9360xi32, #tpu.memory_space<vmem>>, vector<16xi32>,
      %parallel_loop3A_85 = arith.constant 64 : i32
      %parallel_loop3A_86 = arith.muli %parallel_loop3A_27, %parallel_loop3A_85 : i32
      %parallel_loop3A_87 = arith.constant 48 : i32
      %parallel_loop3A_88 = arith.addi %parallel_loop3A_86, %parallel_loop3A_87 : i32
      %parallel_loop3A_89 = arith.index_cast %parallel_loop3A_88 : i32 to index
      %parallel_loop3A_90 = tpu.vector_load %arg13[%parallel_loop3A_89] {strides = array<i32>} : memref<8192xi32, #tpu.memory_space<vmem>>, vector<16xi32>,
      %parallel_loop3A_91 = arith.constant 65536 : i32
      %parallel_loop3A_92 = vector.broadcast %parallel_loop3A_91 : i32 to vector<16xi32>
      %parallel_loop3A_93 = arith.muli %parallel_loop3A_90, %parallel_loop3A_92 : vector<16xi32>
      %parallel_loop3A_94 = arith.constant 68 : i32
      %parallel_loop3A_95 = vector.broadcast %parallel_loop3A_94 : i32 to vector<16xi32>
      %parallel_loop3A_96 = arith.addi %parallel_loop3A_93, %parallel_loop3A_95 : vector<16xi32>
      %parallel_loop3A_97 = arith.addi %parallel_loop3A_96, %iota3A : vector<16xi32>
      %parallel_loop3A_98 = arith.constant 73 : i32
      %parallel_loop3A_99 = arith.muli %parallel_loop3A_27, %parallel_loop3A_98 : i32
      %parallel_loop3A_100 = arith.constant 48 : i32
      %parallel_loop3A_101 = arith.addi %parallel_loop3A_99, %parallel_loop3A_100 : i32
      %parallel_loop3A_102 = arith.index_cast %parallel_loop3A_101 : i32 to index
      %parallel_loop3A_103 = tpu.vector_load %arg12[%parallel_loop3A_102] {strides = array<i32>} : memref<9360xi32, #tpu.memory_space<vmem>>, vector<16xi32>,
      tpu.vector_store %arg12[%parallel_loop3A_102], %parallel_loop3A_97 {strides = array<i32>} : memref<9360xi32, #tpu.memory_space<vmem>>, vector<16xi32>,
    } {sc.loop_unroll_factor = 4 : i64, sc.parallel_access}
    %parallel_loop3A_19 = arith.constant 0 : i32
    %parallel_loop3A_20 = arith.constant 8 : i32
    %parallel_loop3A_21 = arith.constant 1 : i32
    scf.for %parallel_loop3A_27 = %parallel_loop3A_19 to %parallel_loop3A_20 step %parallel_loop3A_21  : i32 {
      %parallel_loop3A_28 = arith.constant 16 : i32
      %parallel_loop3A_29 = arith.muli %parallel_loop3A_27, %parallel_loop3A_28 : i32
      %parallel_loop3A_30 = arith.constant 16 : i32
      %parallel_loop3A_31 = arith.muli %parallel_loop3A_27, %parallel_loop3A_30 : i32
      %parallel_loop3A_32 = vector.broadcast %parallel_loop3A_31 : i32 to vector<16xi32>
      %parallel_loop3A_33 = arith.addi %parallel_loop3A_32, %iota3A : vector<16xi32>
      %parallel_loop3A_34 = arith.constant 73 : i32
      %parallel_loop3A_35 = vector.broadcast %parallel_loop3A_34 : i32 to vector<16xi32>
      %parallel_loop3A_36 = arith.muli %parallel_loop3A_33, %parallel_loop3A_35 : vector<16xi32>
      %parallel_loop3A_37 = arith.index_cast %parallel_loop3A_29 : i32 to index
      %parallel_loop3A_38 = tpu.vector_load %arg14[%parallel_loop3A_37] {strides = array<i32>} : memref<128xi32, #tpu.memory_space<vmem>>, vector<16xi32>,
      %parallel_loop3A_39 = arith.constant 13 : i32
      %parallel_loop3A_40 = vector.broadcast %parallel_loop3A_39 : i32 to vector<16xi32>
      %parallel_loop3A_41 = arith.addi %parallel_loop3A_38, %parallel_loop3A_40 : vector<16xi32>
      %parallel_loop3A_42 = arith.constant 65536 : i32
      %parallel_loop3A_43 = vector.broadcast %parallel_loop3A_42 : i32 to vector<16xi32>
      %parallel_loop3A_44 = arith.muli %parallel_loop3A_41, %parallel_loop3A_43 : vector<16xi32>
      %parallel_loop3A_45 = arith.constant 444 : i32
      %parallel_loop3A_46 = vector.broadcast %parallel_loop3A_45 : i32 to vector<16xi32>
      %parallel_loop3A_47 = arith.addi %parallel_loop3A_44, %parallel_loop3A_46 : vector<16xi32>
      %parallel_loop3A_48 = arith.constant 64 : i32
      %parallel_loop3A_49 = vector.broadcast %parallel_loop3A_48 : i32 to vector<16xi32>
      %parallel_loop3A_50 = arith.addi %parallel_loop3A_36, %parallel_loop3A_49 : vector<16xi32>
      tpu.vector_store_idx %arg12[%parallel_loop3A_50], %parallel_loop3A_47 : memref<9360xi32, #tpu.memory_space<vmem>>[vector<16xi32>], vector<16xi32>,
      %parallel_loop3A_51 = arith.constant 16 : i32
      %parallel_loop3A_52 = arith.muli %parallel_loop3A_27, %parallel_loop3A_51 : i32
      %parallel_loop3A_53 = vector.broadcast %parallel_loop3A_52 : i32 to vector<16xi32>
      %parallel_loop3A_54 = arith.addi %parallel_loop3A_53, %iota3A : vector<16xi32>
      %parallel_loop3A_55 = arith.constant 4 : i32
      %parallel_loop3A_56 = vector.broadcast %parallel_loop3A_55 : i32 to vector<16xi32>
      %parallel_loop3A_57 = arith.muli %parallel_loop3A_54, %parallel_loop3A_56 : vector<16xi32>
      %parallel_loop3A_58 = arith.constant 0 : i32
      %parallel_loop3A_59 = vector.broadcast %parallel_loop3A_58 : i32 to vector<16xi32>
      %parallel_loop3A_60 = arith.addi %parallel_loop3A_57, %parallel_loop3A_59 : vector<16xi32>
      %parallel_loop3A_61 = tpu.vector_load_idx %arg15[%parallel_loop3A_60] : memref<512xi32, #tpu.memory_space<vmem>>[vector<16xi32>], vector<16xi32>,
      %parallel_loop3A_62 = arith.constant 0 : i32
      %parallel_loop3A_63 = vector.broadcast %parallel_loop3A_62 : i32 to vector<16xi32>
      %parallel_loop3A_64 = arith.cmpi sgt, %parallel_loop3A_61, %parallel_loop3A_63 : vector<16xi32>
      %parallel_loop3A_65 = arith.constant 15 : i32
      %parallel_loop3A_66 = arith.constant 19 : i32
      %parallel_loop3A_67 = vector.broadcast %parallel_loop3A_65 : i32 to vector<16xi32>
      %parallel_loop3A_68 = vector.broadcast %parallel_loop3A_66 : i32 to vector<16xi32>
      %parallel_loop3A_69 = arith.select %parallel_loop3A_64, %parallel_loop3A_67, %parallel_loop3A_68 : vector<16xi1>, vector<16xi32>
      %parallel_loop3A_70 = arith.constant 65536 : i32
      %parallel_loop3A_71 = vector.broadcast %parallel_loop3A_70 : i32 to vector<16xi32>
      %parallel_loop3A_72 = arith.muli %parallel_loop3A_69, %parallel_loop3A_71 : vector<16xi32>
      %parallel_loop3A_73 = arith.constant 444 : i32
      %parallel_loop3A_74 = vector.broadcast %parallel_loop3A_73 : i32 to vector<16xi32>
      %parallel_loop3A_75 = arith.addi %parallel_loop3A_72, %parallel_loop3A_74 : vector<16xi32>
      %parallel_loop3A_76 = arith.constant 65 : i32
      %parallel_loop3A_77 = vector.broadcast %parallel_loop3A_76 : i32 to vector<16xi32>
      %parallel_loop3A_78 = arith.addi %parallel_loop3A_36, %parallel_loop3A_77 : vector<16xi32>
      %parallel_loop3A_79 = arith.constant 0 : i32
      %parallel_loop3A_80 = vector.broadcast %parallel_loop3A_79 : i32 to vector<16xi32>
      %parallel_loop3A_81 = arith.addi %parallel_loop3A_78, %parallel_loop3A_80 : vector<16xi32>
      tpu.vector_store_idx %arg12[%parallel_loop3A_81], %parallel_loop3A_75 : memref<9360xi32, #tpu.memory_space<vmem>>[vector<16xi32>], vector<16xi32>,
      %parallel_loop3A_82 = arith.constant 16 : i32
      %parallel_loop3A_83 = arith.muli %parallel_loop3A_27, %parallel_loop3A_82 : i32
      %parallel_loop3A_84 = vector.broadcast %parallel_loop3A_83 : i32 to vector<16xi32>
      %parallel_loop3A_85 = arith.addi %parallel_loop3A_84, %iota3A : vector<16xi32>
      %parallel_loop3A_86 = arith.constant 4 : i32
      %parallel_loop3A_87 = vector.broadcast %parallel_loop3A_86 : i32 to vector<16xi32>
      %parallel_loop3A_88 = arith.muli %parallel_loop3A_85, %parallel_loop3A_87 : vector<16xi32>
      %parallel_loop3A_89 = arith.constant 1 : i32
      %parallel_loop3A_90 = vector.broadcast %parallel_loop3A_89 : i32 to vector<16xi32>
      %parallel_loop3A_91 = arith.addi %parallel_loop3A_88, %parallel_loop3A_90 : vector<16xi32>
      %parallel_loop3A_92 = tpu.vector_load_idx %arg15[%parallel_loop3A_91] : memref<512xi32, #tpu.memory_space<vmem>>[vector<16xi32>], vector<16xi32>,
      %parallel_loop3A_93 = arith.constant 0 : i32
      %parallel_loop3A_94 = vector.broadcast %parallel_loop3A_93 : i32 to vector<16xi32>
      %parallel_loop3A_95 = arith.cmpi sgt, %parallel_loop3A_92, %parallel_loop3A_94 : vector<16xi32>
      %parallel_loop3A_96 = arith.constant 16 : i32
      %parallel_loop3A_97 = arith.constant 19 : i32
      %parallel_loop3A_98 = vector.broadcast %parallel_loop3A_96 : i32 to vector<16xi32>
      %parallel_loop3A_99 = vector.broadcast %parallel_loop3A_97 : i32 to vector<16xi32>
      %parallel_loop3A_100 = arith.select %parallel_loop3A_95, %parallel_loop3A_98, %parallel_loop3A_99 : vector<16xi1>, vector<16xi32>
      %parallel_loop3A_101 = arith.constant 65536 : i32
      %parallel_loop3A_102 = vector.broadcast %parallel_loop3A_101 : i32 to vector<16xi32>
      %parallel_loop3A_103 = arith.muli %parallel_loop3A_100, %parallel_loop3A_102 : vector<16xi32>
      %parallel_loop3A_104 = arith.constant 444 : i32
      %parallel_loop3A_105 = vector.broadcast %parallel_loop3A_104 : i32 to vector<16xi32>
      %parallel_loop3A_106 = arith.addi %parallel_loop3A_103, %parallel_loop3A_105 : vector<16xi32>
      %parallel_loop3A_107 = arith.constant 65 : i32
      %parallel_loop3A_108 = vector.broadcast %parallel_loop3A_107 : i32 to vector<16xi32>
      %parallel_loop3A_109 = arith.addi %parallel_loop3A_36, %parallel_loop3A_108 : vector<16xi32>
      %parallel_loop3A_110 = arith.constant 1 : i32
      %parallel_loop3A_111 = vector.broadcast %parallel_loop3A_110 : i32 to vector<16xi32>
      %parallel_loop3A_112 = arith.addi %parallel_loop3A_109, %parallel_loop3A_111 : vector<16xi32>
      tpu.vector_store_idx %arg12[%parallel_loop3A_112], %parallel_loop3A_106 : memref<9360xi32, #tpu.memory_space<vmem>>[vector<16xi32>], vector<16xi32>,
      %parallel_loop3A_113 = arith.constant 16 : i32
      %parallel_loop3A_114 = arith.muli %parallel_loop3A_27, %parallel_loop3A_113 : i32
      %parallel_loop3A_115 = vector.broadcast %parallel_loop3A_114 : i32 to vector<16xi32>
      %parallel_loop3A_116 = arith.addi %parallel_loop3A_115, %iota3A : vector<16xi32>
      %parallel_loop3A_117 = arith.constant 4 : i32
      %parallel_loop3A_118 = vector.broadcast %parallel_loop3A_117 : i32 to vector<16xi32>
      %parallel_loop3A_119 = arith.muli %parallel_loop3A_116, %parallel_loop3A_118 : vector<16xi32>
      %parallel_loop3A_120 = arith.constant 2 : i32
      %parallel_loop3A_121 = vector.broadcast %parallel_loop3A_120 : i32 to vector<16xi32>
      %parallel_loop3A_122 = arith.addi %parallel_loop3A_119, %parallel_loop3A_121 : vector<16xi32>
      %parallel_loop3A_123 = tpu.vector_load_idx %arg15[%parallel_loop3A_122] : memref<512xi32, #tpu.memory_space<vmem>>[vector<16xi32>], vector<16xi32>,
      %parallel_loop3A_124 = arith.constant 0 : i32
      %parallel_loop3A_125 = vector.broadcast %parallel_loop3A_124 : i32 to vector<16xi32>
      %parallel_loop3A_126 = arith.cmpi sgt, %parallel_loop3A_123, %parallel_loop3A_125 : vector<16xi32>
      %parallel_loop3A_127 = arith.constant 17 : i32
      %parallel_loop3A_128 = arith.constant 19 : i32
      %parallel_loop3A_129 = vector.broadcast %parallel_loop3A_127 : i32 to vector<16xi32>
      %parallel_loop3A_130 = vector.broadcast %parallel_loop3A_128 : i32 to vector<16xi32>
      %parallel_loop3A_131 = arith.select %parallel_loop3A_126, %parallel_loop3A_129, %parallel_loop3A_130 : vector<16xi1>, vector<16xi32>
      %parallel_loop3A_132 = arith.constant 65536 : i32
      %parallel_loop3A_133 = vector.broadcast %parallel_loop3A_132 : i32 to vector<16xi32>
      %parallel_loop3A_134 = arith.muli %parallel_loop3A_131, %parallel_loop3A_133 : vector<16xi32>
      %parallel_loop3A_135 = arith.constant 444 : i32
      %parallel_loop3A_136 = vector.broadcast %parallel_loop3A_135 : i32 to vector<16xi32>
      %parallel_loop3A_137 = arith.addi %parallel_loop3A_134, %parallel_loop3A_136 : vector<16xi32>
      %parallel_loop3A_138 = arith.constant 65 : i32
      %parallel_loop3A_139 = vector.broadcast %parallel_loop3A_138 : i32 to vector<16xi32>
      %parallel_loop3A_140 = arith.addi %parallel_loop3A_36, %parallel_loop3A_139 : vector<16xi32>
      %parallel_loop3A_141 = arith.constant 2 : i32
      %parallel_loop3A_142 = vector.broadcast %parallel_loop3A_141 : i32 to vector<16xi32>
      %parallel_loop3A_143 = arith.addi %parallel_loop3A_140, %parallel_loop3A_142 : vector<16xi32>
      tpu.vector_store_idx %arg12[%parallel_loop3A_143], %parallel_loop3A_137 : memref<9360xi32, #tpu.memory_space<vmem>>[vector<16xi32>], vector<16xi32>,
      %parallel_loop3A_144 = arith.constant 16 : i32
      %parallel_loop3A_145 = arith.muli %parallel_loop3A_27, %parallel_loop3A_144 : i32
      %parallel_loop3A_146 = vector.broadcast %parallel_loop3A_145 : i32 to vector<16xi32>
      %parallel_loop3A_147 = arith.addi %parallel_loop3A_146, %iota3A : vector<16xi32>
      %parallel_loop3A_148 = arith.constant 4 : i32
      %parallel_loop3A_149 = vector.broadcast %parallel_loop3A_148 : i32 to vector<16xi32>
      %parallel_loop3A_150 = arith.muli %parallel_loop3A_147, %parallel_loop3A_149 : vector<16xi32>
      %parallel_loop3A_151 = arith.constant 3 : i32
      %parallel_loop3A_152 = vector.broadcast %parallel_loop3A_151 : i32 to vector<16xi32>
      %parallel_loop3A_153 = arith.addi %parallel_loop3A_150, %parallel_loop3A_152 : vector<16xi32>
      %parallel_loop3A_154 = tpu.vector_load_idx %arg15[%parallel_loop3A_153] : memref<512xi32, #tpu.memory_space<vmem>>[vector<16xi32>], vector<16xi32>,
      %parallel_loop3A_155 = arith.constant 0 : i32
      %parallel_loop3A_156 = vector.broadcast %parallel_loop3A_155 : i32 to vector<16xi32>
      %parallel_loop3A_157 = arith.cmpi sgt, %parallel_loop3A_154, %parallel_loop3A_156 : vector<16xi32>
      %parallel_loop3A_158 = arith.constant 18 : i32
      %parallel_loop3A_159 = arith.constant 19 : i32
      %parallel_loop3A_160 = vector.broadcast %parallel_loop3A_158 : i32 to vector<16xi32>
      %parallel_loop3A_161 = vector.broadcast %parallel_loop3A_159 : i32 to vector<16xi32>
      %parallel_loop3A_162 = arith.select %parallel_loop3A_157, %parallel_loop3A_160, %parallel_loop3A_161 : vector<16xi1>, vector<16xi32>
      %parallel_loop3A_163 = arith.constant 65536 : i32
      %parallel_loop3A_164 = vector.broadcast %parallel_loop3A_163 : i32 to vector<16xi32>
      %parallel_loop3A_165 = arith.muli %parallel_loop3A_162, %parallel_loop3A_164 : vector<16xi32>
      %parallel_loop3A_166 = arith.constant 444 : i32
      %parallel_loop3A_167 = vector.broadcast %parallel_loop3A_166 : i32 to vector<16xi32>
      %parallel_loop3A_168 = arith.addi %parallel_loop3A_165, %parallel_loop3A_167 : vector<16xi32>
      %parallel_loop3A_169 = arith.constant 65 : i32
      %parallel_loop3A_170 = vector.broadcast %parallel_loop3A_169 : i32 to vector<16xi32>
      %parallel_loop3A_171 = arith.addi %parallel_loop3A_36, %parallel_loop3A_170 : vector<16xi32>
      %parallel_loop3A_172 = arith.constant 3 : i32
      %parallel_loop3A_173 = vector.broadcast %parallel_loop3A_172 : i32 to vector<16xi32>
      %parallel_loop3A_174 = arith.addi %parallel_loop3A_171, %parallel_loop3A_173 : vector<16xi32>
      tpu.vector_store_idx %arg12[%parallel_loop3A_174], %parallel_loop3A_168 : memref<9360xi32, #tpu.memory_space<vmem>>[vector<16xi32>], vector<16xi32>,
      %parallel_loop3A_175 = arith.index_cast %parallel_loop3A_29 : i32 to index
      %parallel_loop3A_176 = tpu.vector_load %arg16[%parallel_loop3A_175] {strides = array<i32>} : memref<128xi32, #tpu.memory_space<vmem>>, vector<16xi32>,
      %parallel_loop3A_177 = arith.constant 64 : i32
      %parallel_loop3A_178 = vector.broadcast %parallel_loop3A_177 : i32 to vector<16xi32>
      %parallel_loop3A_179 = arith.cmpi slt, %parallel_loop3A_176, %parallel_loop3A_178 : vector<16xi32>
      %parallel_loop3A_180 = arith.constant 20 : i32
      %parallel_loop3A_181 = vector.broadcast %parallel_loop3A_180 : i32 to vector<16xi32>
      %parallel_loop3A_182 = arith.addi %parallel_loop3A_176, %parallel_loop3A_181 : vector<16xi32>
      %parallel_loop3A_183 = arith.constant 84 : i32
      %parallel_loop3A_184 = vector.broadcast %parallel_loop3A_183 : i32 to vector<16xi32>
      %parallel_loop3A_185 = arith.select %parallel_loop3A_179, %parallel_loop3A_182, %parallel_loop3A_184 : vector<16xi1>, vector<16xi32>
      %parallel_loop3A_186 = arith.constant 65536 : i32
      %parallel_loop3A_187 = vector.broadcast %parallel_loop3A_186 : i32 to vector<16xi32>
      %parallel_loop3A_188 = arith.muli %parallel_loop3A_185, %parallel_loop3A_187 : vector<16xi32>
      %parallel_loop3A_189 = arith.constant 444 : i32
      %parallel_loop3A_190 = vector.broadcast %parallel_loop3A_189 : i32 to vector<16xi32>
      %parallel_loop3A_191 = arith.addi %parallel_loop3A_188, %parallel_loop3A_190 : vector<16xi32>
      %parallel_loop3A_192 = arith.constant 69 : i32
      %parallel_loop3A_193 = vector.broadcast %parallel_loop3A_192 : i32 to vector<16xi32>
      %parallel_loop3A_194 = arith.addi %parallel_loop3A_36, %parallel_loop3A_193 : vector<16xi32>
      tpu.vector_store_idx %arg12[%parallel_loop3A_194], %parallel_loop3A_191 : memref<9360xi32, #tpu.memory_space<vmem>>[vector<16xi32>], vector<16xi32>,
      %parallel_loop3A_195 = arith.index_cast %parallel_loop3A_29 : i32 to index
      %parallel_loop3A_196 = tpu.vector_load %arg17[%parallel_loop3A_195] {strides = array<i32>} : memref<128xi32, #tpu.memory_space<vmem>>, vector<16xi32>,
      %parallel_loop3A_197 = arith.constant 0 : i32
      %parallel_loop3A_198 = arith.constant 99 : i32
      %parallel_loop3A_199 = vector.broadcast %parallel_loop3A_197 : i32 to vector<16xi32>
      %parallel_loop3A_200 = arith.maxsi %parallel_loop3A_199, %parallel_loop3A_196 : vector<16xi32>
      %parallel_loop3A_201 = vector.broadcast %parallel_loop3A_198 : i32 to vector<16xi32>
      %parallel_loop3A_202 = arith.minsi %parallel_loop3A_201, %parallel_loop3A_200 : vector<16xi32>
      %parallel_loop3A_203 = arith.constant 85 : i32
      %parallel_loop3A_204 = vector.broadcast %parallel_loop3A_203 : i32 to vector<16xi32>
      %parallel_loop3A_205 = arith.addi %parallel_loop3A_202, %parallel_loop3A_204 : vector<16xi32>
      %parallel_loop3A_206 = arith.constant 65536 : i32
      %parallel_loop3A_207 = vector.broadcast %parallel_loop3A_206 : i32 to vector<16xi32>
      %parallel_loop3A_208 = arith.muli %parallel_loop3A_205, %parallel_loop3A_207 : vector<16xi32>
      %parallel_loop3A_209 = arith.constant 444 : i32
      %parallel_loop3A_210 = vector.broadcast %parallel_loop3A_209 : i32 to vector<16xi32>
      %parallel_loop3A_211 = arith.addi %parallel_loop3A_208, %parallel_loop3A_210 : vector<16xi32>
      %parallel_loop3A_212 = arith.constant 70 : i32
      %parallel_loop3A_213 = vector.broadcast %parallel_loop3A_212 : i32 to vector<16xi32>
      %parallel_loop3A_214 = arith.addi %parallel_loop3A_36, %parallel_loop3A_213 : vector<16xi32>
      tpu.vector_store_idx %arg12[%parallel_loop3A_214], %parallel_loop3A_211 : memref<9360xi32, #tpu.memory_space<vmem>>[vector<16xi32>], vector<16xi32>,
      %parallel_loop3A_215 = arith.index_cast %parallel_loop3A_29 : i32 to index
      %parallel_loop3A_216 = tpu.vector_load %arg19[%parallel_loop3A_215] {strides = array<i32>} : memref<128xi32, #tpu.memory_space<vmem>>, vector<16xi32>,
      %parallel_loop3A_217 = arith.constant 1 : i32
      %parallel_loop3A_218 = arith.constant 256 : i32
      %parallel_loop3A_219 = vector.broadcast %parallel_loop3A_217 : i32 to vector<16xi32>
      %parallel_loop3A_220 = arith.maxsi %parallel_loop3A_219, %parallel_loop3A_216 : vector<16xi32>
      %parallel_loop3A_221 = vector.broadcast %parallel_loop3A_218 : i32 to vector<16xi32>
      %parallel_loop3A_222 = arith.minsi %parallel_loop3A_221, %parallel_loop3A_220 : vector<16xi32>
      %parallel_loop3A_223 = arith.constant 1 : i32
      %parallel_loop3A_224 = vector.broadcast %parallel_loop3A_223 : i32 to vector<16xi32>
      %parallel_loop3A_225 = arith.subi %parallel_loop3A_222, %parallel_loop3A_224 : vector<16xi32>
      %parallel_loop3A_226 = arith.constant 185 : i32
      %parallel_loop3A_227 = vector.broadcast %parallel_loop3A_226 : i32 to vector<16xi32>
      %parallel_loop3A_228 = arith.addi %parallel_loop3A_225, %parallel_loop3A_227 : vector<16xi32>
      %parallel_loop3A_229 = arith.constant 65536 : i32
      %parallel_loop3A_230 = vector.broadcast %parallel_loop3A_229 : i32 to vector<16xi32>
      %parallel_loop3A_231 = arith.muli %parallel_loop3A_228, %parallel_loop3A_230 : vector<16xi32>
      %parallel_loop3A_232 = arith.constant 444 : i32
      %parallel_loop3A_233 = vector.broadcast %parallel_loop3A_232 : i32 to vector<16xi32>
      %parallel_loop3A_234 = arith.addi %parallel_loop3A_231, %parallel_loop3A_233 : vector<16xi32>
      %parallel_loop3A_235 = arith.constant 71 : i32
      %parallel_loop3A_236 = vector.broadcast %parallel_loop3A_235 : i32 to vector<16xi32>
      %parallel_loop3A_237 = arith.addi %parallel_loop3A_36, %parallel_loop3A_236 : vector<16xi32>
      tpu.vector_store_idx %arg12[%parallel_loop3A_237], %parallel_loop3A_234 : memref<9360xi32, #tpu.memory_space<vmem>>[vector<16xi32>], vector<16xi32>,
      %parallel_loop3A_238 = arith.index_cast %parallel_loop3A_29 : i32 to index
      %parallel_loop3A_239 = tpu.vector_load %arg18[%parallel_loop3A_238] {strides = array<i32>} : memref<128xi32, #tpu.memory_space<vmem>>, vector<16xi32>,
      %parallel_loop3A_240 = arith.constant 1 : i32
      %parallel_loop3A_241 = vector.broadcast %parallel_loop3A_240 : i32 to vector<16xi32>
      %parallel_loop3A_242 = arith.subi %parallel_loop3A_239, %parallel_loop3A_241 : vector<16xi32>
      %parallel_loop3A_243 = arith.constant 0 : i32
      %parallel_loop3A_244 = arith.constant 2 : i32
      %parallel_loop3A_245 = vector.broadcast %parallel_loop3A_243 : i32 to vector<16xi32>
      %parallel_loop3A_246 = arith.maxsi %parallel_loop3A_245, %parallel_loop3A_242 : vector<16xi32>
      %parallel_loop3A_247 = vector.broadcast %parallel_loop3A_244 : i32 to vector<16xi32>
      %parallel_loop3A_248 = arith.minsi %parallel_loop3A_247, %parallel_loop3A_246 : vector<16xi32>
      %parallel_loop3A_249 = arith.constant 441 : i32
      %parallel_loop3A_250 = vector.broadcast %parallel_loop3A_249 : i32 to vector<16xi32>
      %parallel_loop3A_251 = arith.addi %parallel_loop3A_248, %parallel_loop3A_250 : vector<16xi32>
      %parallel_loop3A_252 = arith.constant 65536 : i32
      %parallel_loop3A_253 = vector.broadcast %parallel_loop3A_252 : i32 to vector<16xi32>
      %parallel_loop3A_254 = arith.muli %parallel_loop3A_251, %parallel_loop3A_253 : vector<16xi32>
      %parallel_loop3A_255 = arith.constant 444 : i32
      %parallel_loop3A_256 = vector.broadcast %parallel_loop3A_255 : i32 to vector<16xi32>
      %parallel_loop3A_257 = arith.addi %parallel_loop3A_254, %parallel_loop3A_256 : vector<16xi32>
      %parallel_loop3A_258 = arith.constant 72 : i32
      %parallel_loop3A_259 = vector.broadcast %parallel_loop3A_258 : i32 to vector<16xi32>
      %parallel_loop3A_260 = arith.addi %parallel_loop3A_36, %parallel_loop3A_259 : vector<16xi32>
      tpu.vector_store_idx %arg12[%parallel_loop3A_260], %parallel_loop3A_257 : memref<9360xi32, #tpu.memory_space<vmem>>[vector<16xi32>], vector<16xi32>,
    } {sc.loop_unroll_factor = 2 : i64, sc.parallel_access}
    tpu.wait_dma2 semaphore(%arg24 : memref<!tpu.dma_semaphore, #tpu.memory_space<semaphore_mem>>) src(%arg2 : memref<57344xf32, #tpu.memory_space<hbm>>) dst(%arg11 : memref<57344xf32, #tpu.memory_space<vmem>>)
    %scan3A = arith.constant 0 : i32
    %scan3A_22 = arith.constant 0 : i32
    %scan3A_23 = arith.constant 32 : i32
    %scan3A_24 = arith.addi %scan3A_22, %scan3A_23 : i32
    %scan3A_25 = arith.constant 1 : i32
    scf.for %scan3A_27 = %scan3A_22 to %scan3A_24 step %scan3A_25  : i32 {
      %mul3A_28 = arith.constant 4 : i32
      %mul3A_29 = arith.muli %mul3A_28, %scan3A_27 : i32
      %parallel_loop3A_30 = arith.constant 0 : i32
      %parallel_loop3A_31 = arith.constant 73 : i32
      %parallel_loop3A_32 = arith.constant 1 : i32
      scf.for %parallel_loop3A_130 = %parallel_loop3A_30 to %parallel_loop3A_31 step %parallel_loop3A_32  : i32 {
        %parallel_loop3A_131 = arith.constant 73 : i32
        %parallel_loop3A_132 = arith.muli %mul3A_29, %parallel_loop3A_131 : i32
        %parallel_loop3A_133 = arith.addi %parallel_loop3A_132, %parallel_loop3A_130 : i32
        %parallel_loop3A_134 = arith.index_cast %parallel_loop3A_133 : i32 to index
        %parallel_loop3A_135 = tpu.vector_load %arg12[%parallel_loop3A_134] {strides = array<i32>} : memref<9360xi32, #tpu.memory_space<vmem>>, vector<16xi32>,
        %parallel_loop3A_136 = vector.extract_strided_slice %parallel_loop3A_135 {offsets = [0], sizes = [1], strides = [1]} : vector<16xi32> to vector<1xi32>
        %parallel_loop3A_137 = vector.extract %parallel_loop3A_136[0] : i32 from vector<1xi32>
        %parallel_loop3A_138 = arith.constant 16 : i32
        %parallel_loop3A_139 = arith.shrsi %parallel_loop3A_137, %parallel_loop3A_138 : i32
        %parallel_loop3A_140 = arith.constant 128 : i32
        %parallel_loop3A_141 = arith.muli %parallel_loop3A_139, %parallel_loop3A_140 : i32
        %parallel_loop3A_142 = arith.constant 65535 : i32
        %parallel_loop3A_143 = arith.andi %parallel_loop3A_137, %parallel_loop3A_142 : i32
        %parallel_loop3A_144 = arith.constant 128 : i32
        %parallel_loop3A_145 = arith.muli %parallel_loop3A_143, %parallel_loop3A_144 : i32
        %parallel_loop3A_146 = arith.constant 0 : i32
        %parallel_loop3A_147 = arith.addi %parallel_loop3A_141, %parallel_loop3A_146 : i32
        %parallel_loop3A_148 = arith.index_cast %parallel_loop3A_147 : i32 to index
        %parallel_loop3A_149 = tpu.vector_load %arg11[%parallel_loop3A_148] {strides = array<i32>} : memref<57344xf32, #tpu.memory_space<vmem>>, vector<16xf32>,
        %parallel_loop3A_150 = arith.constant 0 : i32
        %parallel_loop3A_151 = arith.addi %parallel_loop3A_145, %parallel_loop3A_150 : i32
        %parallel_loop3A_152 = arith.index_cast %parallel_loop3A_151 : i32 to index
        %parallel_loop3A_153 = tpu.vector_load %arg11[%parallel_loop3A_152] {strides = array<i32>} : memref<57344xf32, #tpu.memory_space<vmem>>, vector<16xf32>,
        %parallel_loop3A_154 = arith.addf %parallel_loop3A_149, %parallel_loop3A_153 : vector<16xf32>
        %parallel_loop3A_155 = arith.constant 16 : i32
        %parallel_loop3A_156 = arith.addi %parallel_loop3A_141, %parallel_loop3A_155 : i32
        %parallel_loop3A_157 = arith.index_cast %parallel_loop3A_156 : i32 to index
        %parallel_loop3A_158 = tpu.vector_load %arg11[%parallel_loop3A_157] {strides = array<i32>} : memref<57344xf32, #tpu.memory_space<vmem>>, vector<16xf32>,
        %parallel_loop3A_159 = arith.constant 16 : i32
        %parallel_loop3A_160 = arith.addi %parallel_loop3A_145, %parallel_loop3A_159 : i32
        %parallel_loop3A_161 = arith.index_cast %parallel_loop3A_160 : i32 to index
        %parallel_loop3A_162 = tpu.vector_load %arg11[%parallel_loop3A_161] {strides = array<i32>} : memref<57344xf32, #tpu.memory_space<vmem>>, vector<16xf32>,
        %parallel_loop3A_163 = arith.addf %parallel_loop3A_158, %parallel_loop3A_162 : vector<16xf32>
        %parallel_loop3A_164 = arith.constant 32 : i32
        %parallel_loop3A_165 = arith.addi %parallel_loop3A_141, %parallel_loop3A_164 : i32
        %parallel_loop3A_166 = arith.index_cast %parallel_loop3A_165 : i32 to index
        %parallel_loop3A_167 = tpu.vector_load %arg11[%parallel_loop3A_166] {strides = array<i32>} : memref<57344xf32, #tpu.memory_space<vmem>>, vector<16xf32>,
        %parallel_loop3A_168 = arith.constant 32 : i32
        %parallel_loop3A_169 = arith.addi %parallel_loop3A_145, %parallel_loop3A_168 : i32
        %parallel_loop3A_170 = arith.index_cast %parallel_loop3A_169 : i32 to index
        %parallel_loop3A_171 = tpu.vector_load %arg11[%parallel_loop3A_170] {strides = array<i32>} : memref<57344xf32, #tpu.memory_space<vmem>>, vector<16xf32>,
        %parallel_loop3A_172 = arith.addf %parallel_loop3A_167, %parallel_loop3A_171 : vector<16xf32>
        %parallel_loop3A_173 = arith.constant 48 : i32
        %parallel_loop3A_174 = arith.addi %parallel_loop3A_141, %parallel_loop3A_173 : i32
        %parallel_loop3A_175 = arith.index_cast %parallel_loop3A_174 : i32 to index
        %parallel_loop3A_176 = tpu.vector_load %arg11[%parallel_loop3A_175] {strides = array<i32>} : memref<57344xf32, #tpu.memory_space<vmem>>, vector<16xf32>,
        %parallel_loop3A_177 = arith.constant 48 : i32
        %parallel_loop3A_178 = arith.addi %parallel_loop3A_145, %parallel_loop3A_177 : i32
        %parallel_loop3A_179 = arith.index_cast %parallel_loop3A_178 : i32 to index
        %parallel_loop3A_180 = tpu.vector_load %arg11[%parallel_loop3A_179] {strides = array<i32>} : memref<57344xf32, #tpu.memory_space<vmem>>, vector<16xf32>,
        %parallel_loop3A_181 = arith.addf %parallel_loop3A_176, %parallel_loop3A_180 : vector<16xf32>
        %parallel_loop3A_182 = arith.constant 64 : i32
        %parallel_loop3A_183 = arith.addi %parallel_loop3A_141, %parallel_loop3A_182 : i32
        %parallel_loop3A_184 = arith.index_cast %parallel_loop3A_183 : i32 to index
        %parallel_loop3A_185 = tpu.vector_load %arg11[%parallel_loop3A_184] {strides = array<i32>} : memref<57344xf32, #tpu.memory_space<vmem>>, vector<16xf32>,
        %parallel_loop3A_186 = arith.constant 64 : i32
        %parallel_loop3A_187 = arith.addi %parallel_loop3A_145, %parallel_loop3A_186 : i32
        %parallel_loop3A_188 = arith.index_cast %parallel_loop3A_187 : i32 to index
        %parallel_loop3A_189 = tpu.vector_load %arg11[%parallel_loop3A_188] {strides = array<i32>} : memref<57344xf32, #tpu.memory_space<vmem>>, vector<16xf32>,
        %parallel_loop3A_190 = arith.addf %parallel_loop3A_185, %parallel_loop3A_189 : vector<16xf32>
        %parallel_loop3A_191 = arith.constant 80 : i32
        %parallel_loop3A_192 = arith.addi %parallel_loop3A_141, %parallel_loop3A_191 : i32
        %parallel_loop3A_193 = arith.index_cast %parallel_loop3A_192 : i32 to index
        %parallel_loop3A_194 = tpu.vector_load %arg11[%parallel_loop3A_193] {strides = array<i32>} : memref<57344xf32, #tpu.memory_space<vmem>>, vector<16xf32>,
        %parallel_loop3A_195 = arith.constant 80 : i32
        %parallel_loop3A_196 = arith.addi %parallel_loop3A_145, %parallel_loop3A_195 : i32
        %parallel_loop3A_197 = arith.index_cast %parallel_loop3A_196 : i32 to index
        %parallel_loop3A_198 = tpu.vector_load %arg11[%parallel_loop3A_197] {strides = array<i32>} : memref<57344xf32, #tpu.memory_space<vmem>>, vector<16xf32>,
        %parallel_loop3A_199 = arith.addf %parallel_loop3A_194, %parallel_loop3A_198 : vector<16xf32>
        %parallel_loop3A_200 = arith.constant 96 : i32
        %parallel_loop3A_201 = arith.addi %parallel_loop3A_141, %parallel_loop3A_200 : i32
        %parallel_loop3A_202 = arith.index_cast %parallel_loop3A_201 : i32 to index
        %parallel_loop3A_203 = tpu.vector_load %arg11[%parallel_loop3A_202] {strides = array<i32>} : memref<57344xf32, #tpu.memory_space<vmem>>, vector<16xf32>,
        %parallel_loop3A_204 = arith.constant 96 : i32
        %parallel_loop3A_205 = arith.addi %parallel_loop3A_145, %parallel_loop3A_204 : i32
        %parallel_loop3A_206 = arith.index_cast %parallel_loop3A_205 : i32 to index
        %parallel_loop3A_207 = tpu.vector_load %arg11[%parallel_loop3A_206] {strides = array<i32>} : memref<57344xf32, #tpu.memory_space<vmem>>, vector<16xf32>,
        %parallel_loop3A_208 = arith.addf %parallel_loop3A_203, %parallel_loop3A_207 : vector<16xf32>
        %parallel_loop3A_209 = arith.constant 112 : i32
        %parallel_loop3A_210 = arith.addi %parallel_loop3A_141, %parallel_loop3A_209 : i32
        %parallel_loop3A_211 = arith.index_cast %parallel_loop3A_210 : i32 to index
        %parallel_loop3A_212 = tpu.vector_load %arg11[%parallel_loop3A_211] {strides = array<i32>} : memref<57344xf32, #tpu.memory_space<vmem>>, vector<16xf32>,
        %parallel_loop3A_213 = arith.constant 112 : i32
        %parallel_loop3A_214 = arith.addi %parallel_loop3A_145, %parallel_loop3A_213 : i32
        %parallel_loop3A_215 = arith.index_cast %parallel_loop3A_214 : i32 to index
        %parallel_loop3A_216 = tpu.vector_load %arg11[%parallel_loop3A_215] {strides = array<i32>} : memref<57344xf32, #tpu.memory_space<vmem>>, vector<16xf32>,
        %parallel_loop3A_217 = arith.addf %parallel_loop3A_212, %parallel_loop3A_216 : vector<16xf32>
        %parallel_loop3A_218 = arith.index_cast %parallel_loop3A_130 : i32 to index
        %parallel_loop3A_219 = arith.constant 0 : index
        %parallel_loop3A_220 = tpu.vector_load %arg20[%parallel_loop3A_218, %parallel_loop3A_219] {strides = array<i32>} : memref<73x128xf32, #tpu.memory_space<vmem>>, vector<16xf32>,
        tpu.vector_store %arg20[%parallel_loop3A_218, %parallel_loop3A_219], %parallel_loop3A_154 {strides = array<i32>} : memref<73x128xf32, #tpu.memory_space<vmem>>, vector<16xf32>,
        %parallel_loop3A_221 = arith.index_cast %parallel_loop3A_130 : i32 to index
        %parallel_loop3A_222 = arith.constant 16 : index
        %parallel_loop3A_223 = tpu.vector_load %arg20[%parallel_loop3A_221, %parallel_loop3A_222] {strides = array<i32>} : memref<73x128xf32, #tpu.memory_space<vmem>>, vector<16xf32>,
        tpu.vector_store %arg20[%parallel_loop3A_221, %parallel_loop3A_222], %parallel_loop3A_163 {strides = array<i32>} : memref<73x128xf32, #tpu.memory_space<vmem>>, vector<16xf32>,
        %parallel_loop3A_224 = arith.index_cast %parallel_loop3A_130 : i32 to index
        %parallel_loop3A_225 = arith.constant 32 : index
        %parallel_loop3A_226 = tpu.vector_load %arg20[%parallel_loop3A_224, %parallel_loop3A_225] {strides = array<i32>} : memref<73x128xf32, #tpu.memory_space<vmem>>, vector<16xf32>,
        tpu.vector_store %arg20[%parallel_loop3A_224, %parallel_loop3A_225], %parallel_loop3A_172 {strides = array<i32>} : memref<73x128xf32, #tpu.memory_space<vmem>>, vector<16xf32>,
        %parallel_loop3A_227 = arith.index_cast %parallel_loop3A_130 : i32 to index
        %parallel_loop3A_228 = arith.constant 48 : index
        %parallel_loop3A_229 = tpu.vector_load %arg20[%parallel_loop3A_227, %parallel_loop3A_228] {strides = array<i32>} : memref<73x128xf32, #tpu.memory_space<vmem>>, vector<16xf32>,
        tpu.vector_store %arg20[%parallel_loop3A_227, %parallel_loop3A_228], %parallel_loop3A_181 {strides = array<i32>} : memref<73x128xf32, #tpu.memory_space<vmem>>, vector<16xf32>,
        %parallel_loop3A_230 = arith.index_cast %parallel_loop3A_130 : i32 to index
        %parallel_loop3A_231 = arith.constant 64 : index
        %parallel_loop3A_232 = tpu.vector_load %arg20[%parallel_loop3A_230, %parallel_loop3A_231] {strides = array<i32>} : memref<73x128xf32, #tpu.memory_space<vmem>>, vector<16xf32>,
        tpu.vector_store %arg20[%parallel_loop3A_230, %parallel_loop3A_231], %parallel_loop3A_190 {strides = array<i32>} : memref<73x128xf32, #tpu.memory_space<vmem>>, vector<16xf32>,
        %parallel_loop3A_233 = arith.index_cast %parallel_loop3A_130 : i32 to index
        %parallel_loop3A_234 = arith.constant 80 : index
        %parallel_loop3A_235 = tpu.vector_load %arg20[%parallel_loop3A_233, %parallel_loop3A_234] {strides = array<i32>} : memref<73x128xf32, #tpu.memory_space<vmem>>, vector<16xf32>,
        tpu.vector_store %arg20[%parallel_loop3A_233, %parallel_loop3A_234], %parallel_loop3A_199 {strides = array<i32>} : memref<73x128xf32, #tpu.memory_space<vmem>>, vector<16xf32>,
        %parallel_loop3A_236 = arith.index_cast %parallel_loop3A_130 : i32 to index
        %parallel_loop3A_237 = arith.constant 96 : index
        %parallel_loop3A_238 = tpu.vector_load %arg20[%parallel_loop3A_236, %parallel_loop3A_237] {strides = array<i32>} : memref<73x128xf32, #tpu.memory_space<vmem>>, vector<16xf32>,
        tpu.vector_store %arg20[%parallel_loop3A_236, %parallel_loop3A_237], %parallel_loop3A_208 {strides = array<i32>} : memref<73x128xf32, #tpu.memory_space<vmem>>, vector<16xf32>,
        %parallel_loop3A_239 = arith.index_cast %parallel_loop3A_130 : i32 to index
        %parallel_loop3A_240 = arith.constant 112 : index
        %parallel_loop3A_241 = tpu.vector_load %arg20[%parallel_loop3A_239, %parallel_loop3A_240] {strides = array<i32>} : memref<73x128xf32, #tpu.memory_space<vmem>>, vector<16xf32>,
        tpu.vector_store %arg20[%parallel_loop3A_239, %parallel_loop3A_240], %parallel_loop3A_217 {strides = array<i32>} : memref<73x128xf32, #tpu.memory_space<vmem>>, vector<16xf32>,
      } {sc.loop_unroll_factor = 4 : i64, sc.parallel_access}
      %mul3A_33 = arith.constant 128 : i32
      %mul3A_34 = arith.muli %add3A, %mul3A_33 : i32
      %add3A_35 = arith.addi %mul3A_34, %mul3A_29 : i32
      %dma_start3A_36 = arith.constant 0 : i32
      %dma_start3A_37 = arith.constant 0 : i32
      %dma_start3A_38 = tpu.memref_slice %arg10[%add3A_35, %dma_start3A_36, %dma_start3A_37] : memref<4096x73x128xf32, #tpu.memory_space<hbm>> -> memref<1x73x128xf32, #tpu.memory_space<hbm>>
      %dma_start3A_39 = tpu.memref_squeeze %dma_start3A_38 : memref<1x73x128xf32, #tpu.memory_space<hbm>> -> memref<73x128xf32, #tpu.memory_space<hbm>>
      %dma_start3A_40 = arith.constant 0 : i32
      %dma_start3A_41 = arith.constant 0 : i32
      %dma_start3A_42 = tpu.memref_slice %arg10[%add3A_35, %dma_start3A_40, %dma_start3A_41] : memref<4096x73x128xf32, #tpu.memory_space<hbm>> -> memref<1x73x128xf32, #tpu.memory_space<hbm>>
      %dma_start3A_43 = tpu.memref_squeeze %dma_start3A_42 : memref<1x73x128xf32, #tpu.memory_space<hbm>> -> memref<73x128xf32, #tpu.memory_space<hbm>>
      tpu.enqueue_dma source(%arg20 : memref<73x128xf32, #tpu.memory_space<vmem>>) target(%dma_start3A_43 : memref<73x128xf32, #tpu.memory_space<hbm>>) target_semaphore(%arg24 : memref<!tpu.dma_semaphore, #tpu.memory_space<semaphore_mem>>)
      %add3A_44 = arith.constant 1 : i32
      %add3A_45 = arith.addi %mul3A_29, %add3A_44 : i32
      %parallel_loop3A_46 = arith.constant 0 : i32
      %parallel_loop3A_47 = arith.constant 73 : i32
      %parallel_loop3A_48 = arith.constant 1 : i32
      scf.for %parallel_loop3A_130 = %parallel_loop3A_46 to %parallel_loop3A_47 step %parallel_loop3A_48  : i32 {
        %parallel_loop3A_131 = arith.constant 73 : i32
        %parallel_loop3A_132 = arith.muli %add3A_45, %parallel_loop3A_131 : i32
        %parallel_loop3A_133 = arith.addi %parallel_loop3A_132, %parallel_loop3A_130 : i32
        %parallel_loop3A_134 = arith.index_cast %parallel_loop3A_133 : i32 to index
        %parallel_loop3A_135 = tpu.vector_load %arg12[%parallel_loop3A_134] {strides = array<i32>} : memref<9360xi32, #tpu.memory_space<vmem>>, vector<16xi32>,
        %parallel_loop3A_136 = vector.extract_strided_slice %parallel_loop3A_135 {offsets = [0], sizes = [1], strides = [1]} : vector<16xi32> to vector<1xi32>
        %parallel_loop3A_137 = vector.extract %parallel_loop3A_136[0] : i32 from vector<1xi32>
        %parallel_loop3A_138 = arith.constant 16 : i32
        %parallel_loop3A_139 = arith.shrsi %parallel_loop3A_137, %parallel_loop3A_138 : i32
        %parallel_loop3A_140 = arith.constant 128 : i32
        %parallel_loop3A_141 = arith.muli %parallel_loop3A_139, %parallel_loop3A_140 : i32
        %parallel_loop3A_142 = arith.constant 65535 : i32
        %parallel_loop3A_143 = arith.andi %parallel_loop3A_137, %parallel_loop3A_142 : i32
        %parallel_loop3A_144 = arith.constant 128 : i32
        %parallel_loop3A_145 = arith.muli %parallel_loop3A_143, %parallel_loop3A_144 : i32
        %parallel_loop3A_146 = arith.constant 0 : i32
        %parallel_loop3A_147 = arith.addi %parallel_loop3A_141, %parallel_loop3A_146 : i32
        %parallel_loop3A_148 = arith.index_cast %parallel_loop3A_147 : i32 to index
        %parallel_loop3A_149 = tpu.vector_load %arg11[%parallel_loop3A_148] {strides = array<i32>} : memref<57344xf32, #tpu.memory_space<vmem>>, vector<16xf32>,
        %parallel_loop3A_150 = arith.constant 0 : i32
        %parallel_loop3A_151 = arith.addi %parallel_loop3A_145, %parallel_loop3A_150 : i32
        %parallel_loop3A_152 = arith.index_cast %parallel_loop3A_151 : i32 to index
        %parallel_loop3A_153 = tpu.vector_load %arg11[%parallel_loop3A_152] {strides = array<i32>} : memref<57344xf32, #tpu.memory_space<vmem>>, vector<16xf32>,
        %parallel_loop3A_154 = arith.addf %parallel_loop3A_149, %parallel_loop3A_153 : vector<16xf32>
        %parallel_loop3A_155 = arith.constant 16 : i32
        %parallel_loop3A_156 = arith.addi %parallel_loop3A_141, %parallel_loop3A_155 : i32
        %parallel_loop3A_157 = arith.index_cast %parallel_loop3A_156 : i32 to index
        %parallel_loop3A_158 = tpu.vector_load %arg11[%parallel_loop3A_157] {strides = array<i32>} : memref<57344xf32, #tpu.memory_space<vmem>>, vector<16xf32>,
        %parallel_loop3A_159 = arith.constant 16 : i32
        %parallel_loop3A_160 = arith.addi %parallel_loop3A_145, %parallel_loop3A_159 : i32
        %parallel_loop3A_161 = arith.index_cast %parallel_loop3A_160 : i32 to index
        %parallel_loop3A_162 = tpu.vector_load %arg11[%parallel_loop3A_161] {strides = array<i32>} : memref<57344xf32, #tpu.memory_space<vmem>>, vector<16xf32>,
        %parallel_loop3A_163 = arith.addf %parallel_loop3A_158, %parallel_loop3A_162 : vector<16xf32>
        %parallel_loop3A_164 = arith.constant 32 : i32
        %parallel_loop3A_165 = arith.addi %parallel_loop3A_141, %parallel_loop3A_164 : i32
        %parallel_loop3A_166 = arith.index_cast %parallel_loop3A_165 : i32 to index
        %parallel_loop3A_167 = tpu.vector_load %arg11[%parallel_loop3A_166] {strides = array<i32>} : memref<57344xf32, #tpu.memory_space<vmem>>, vector<16xf32>,
        %parallel_loop3A_168 = arith.constant 32 : i32
        %parallel_loop3A_169 = arith.addi %parallel_loop3A_145, %parallel_loop3A_168 : i32
        %parallel_loop3A_170 = arith.index_cast %parallel_loop3A_169 : i32 to index
        %parallel_loop3A_171 = tpu.vector_load %arg11[%parallel_loop3A_170] {strides = array<i32>} : memref<57344xf32, #tpu.memory_space<vmem>>, vector<16xf32>,
        %parallel_loop3A_172 = arith.addf %parallel_loop3A_167, %parallel_loop3A_171 : vector<16xf32>
        %parallel_loop3A_173 = arith.constant 48 : i32
        %parallel_loop3A_174 = arith.addi %parallel_loop3A_141, %parallel_loop3A_173 : i32
        %parallel_loop3A_175 = arith.index_cast %parallel_loop3A_174 : i32 to index
        %parallel_loop3A_176 = tpu.vector_load %arg11[%parallel_loop3A_175] {strides = array<i32>} : memref<57344xf32, #tpu.memory_space<vmem>>, vector<16xf32>,
        %parallel_loop3A_177 = arith.constant 48 : i32
        %parallel_loop3A_178 = arith.addi %parallel_loop3A_145, %parallel_loop3A_177 : i32
        %parallel_loop3A_179 = arith.index_cast %parallel_loop3A_178 : i32 to index
        %parallel_loop3A_180 = tpu.vector_load %arg11[%parallel_loop3A_179] {strides = array<i32>} : memref<57344xf32, #tpu.memory_space<vmem>>, vector<16xf32>,
        %parallel_loop3A_181 = arith.addf %parallel_loop3A_176, %parallel_loop3A_180 : vector<16xf32>
        %parallel_loop3A_182 = arith.constant 64 : i32
        %parallel_loop3A_183 = arith.addi %parallel_loop3A_141, %parallel_loop3A_182 : i32
        %parallel_loop3A_184 = arith.index_cast %parallel_loop3A_183 : i32 to index
        %parallel_loop3A_185 = tpu.vector_load %arg11[%parallel_loop3A_184] {strides = array<i32>} : memref<57344xf32, #tpu.memory_space<vmem>>, vector<16xf32>,
        %parallel_loop3A_186 = arith.constant 64 : i32
        %parallel_loop3A_187 = arith.addi %parallel_loop3A_145, %parallel_loop3A_186 : i32
        %parallel_loop3A_188 = arith.index_cast %parallel_loop3A_187 : i32 to index
        %parallel_loop3A_189 = tpu.vector_load %arg11[%parallel_loop3A_188] {strides = array<i32>} : memref<57344xf32, #tpu.memory_space<vmem>>, vector<16xf32>,
        %parallel_loop3A_190 = arith.addf %parallel_loop3A_185, %parallel_loop3A_189 : vector<16xf32>
        %parallel_loop3A_191 = arith.constant 80 : i32
        %parallel_loop3A_192 = arith.addi %parallel_loop3A_141, %parallel_loop3A_191 : i32
        %parallel_loop3A_193 = arith.index_cast %parallel_loop3A_192 : i32 to index
        %parallel_loop3A_194 = tpu.vector_load %arg11[%parallel_loop3A_193] {strides = array<i32>} : memref<57344xf32, #tpu.memory_space<vmem>>, vector<16xf32>,
        %parallel_loop3A_195 = arith.constant 80 : i32
        %parallel_loop3A_196 = arith.addi %parallel_loop3A_145, %parallel_loop3A_195 : i32
        %parallel_loop3A_197 = arith.index_cast %parallel_loop3A_196 : i32 to index
        %parallel_loop3A_198 = tpu.vector_load %arg11[%parallel_loop3A_197] {strides = array<i32>} : memref<57344xf32, #tpu.memory_space<vmem>>, vector<16xf32>,
        %parallel_loop3A_199 = arith.addf %parallel_loop3A_194, %parallel_loop3A_198 : vector<16xf32>
        %parallel_loop3A_200 = arith.constant 96 : i32
        %parallel_loop3A_201 = arith.addi %parallel_loop3A_141, %parallel_loop3A_200 : i32
        %parallel_loop3A_202 = arith.index_cast %parallel_loop3A_201 : i32 to index
        %parallel_loop3A_203 = tpu.vector_load %arg11[%parallel_loop3A_202] {strides = array<i32>} : memref<57344xf32, #tpu.memory_space<vmem>>, vector<16xf32>,
        %parallel_loop3A_204 = arith.constant 96 : i32
        %parallel_loop3A_205 = arith.addi %parallel_loop3A_145, %parallel_loop3A_204 : i32
        %parallel_loop3A_206 = arith.index_cast %parallel_loop3A_205 : i32 to index
        %parallel_loop3A_207 = tpu.vector_load %arg11[%parallel_loop3A_206] {strides = array<i32>} : memref<57344xf32, #tpu.memory_space<vmem>>, vector<16xf32>,
        %parallel_loop3A_208 = arith.addf %parallel_loop3A_203, %parallel_loop3A_207 : vector<16xf32>
        %parallel_loop3A_209 = arith.constant 112 : i32
        %parallel_loop3A_210 = arith.addi %parallel_loop3A_141, %parallel_loop3A_209 : i32
        %parallel_loop3A_211 = arith.index_cast %parallel_loop3A_210 : i32 to index
        %parallel_loop3A_212 = tpu.vector_load %arg11[%parallel_loop3A_211] {strides = array<i32>} : memref<57344xf32, #tpu.memory_space<vmem>>, vector<16xf32>,
        %parallel_loop3A_213 = arith.constant 112 : i32
        %parallel_loop3A_214 = arith.addi %parallel_loop3A_145, %parallel_loop3A_213 : i32
        %parallel_loop3A_215 = arith.index_cast %parallel_loop3A_214 : i32 to index
        %parallel_loop3A_216 = tpu.vector_load %arg11[%parallel_loop3A_215] {strides = array<i32>} : memref<57344xf32, #tpu.memory_space<vmem>>, vector<16xf32>,
        %parallel_loop3A_217 = arith.addf %parallel_loop3A_212, %parallel_loop3A_216 : vector<16xf32>
        %parallel_loop3A_218 = arith.index_cast %parallel_loop3A_130 : i32 to index
        %parallel_loop3A_219 = arith.constant 0 : index
        %parallel_loop3A_220 = tpu.vector_load %arg21[%parallel_loop3A_218, %parallel_loop3A_219] {strides = array<i32>} : memref<73x128xf32, #tpu.memory_space<vmem>>, vector<16xf32>,
        tpu.vector_store %arg21[%parallel_loop3A_218, %parallel_loop3A_219], %parallel_loop3A_154 {strides = array<i32>} : memref<73x128xf32, #tpu.memory_space<vmem>>, vector<16xf32>,
        %parallel_loop3A_221 = arith.index_cast %parallel_loop3A_130 : i32 to index
        %parallel_loop3A_222 = arith.constant 16 : index
        %parallel_loop3A_223 = tpu.vector_load %arg21[%parallel_loop3A_221, %parallel_loop3A_222] {strides = array<i32>} : memref<73x128xf32, #tpu.memory_space<vmem>>, vector<16xf32>,
        tpu.vector_store %arg21[%parallel_loop3A_221, %parallel_loop3A_222], %parallel_loop3A_163 {strides = array<i32>} : memref<73x128xf32, #tpu.memory_space<vmem>>, vector<16xf32>,
        %parallel_loop3A_224 = arith.index_cast %parallel_loop3A_130 : i32 to index
        %parallel_loop3A_225 = arith.constant 32 : index
        %parallel_loop3A_226 = tpu.vector_load %arg21[%parallel_loop3A_224, %parallel_loop3A_225] {strides = array<i32>} : memref<73x128xf32, #tpu.memory_space<vmem>>, vector<16xf32>,
        tpu.vector_store %arg21[%parallel_loop3A_224, %parallel_loop3A_225], %parallel_loop3A_172 {strides = array<i32>} : memref<73x128xf32, #tpu.memory_space<vmem>>, vector<16xf32>,
        %parallel_loop3A_227 = arith.index_cast %parallel_loop3A_130 : i32 to index
        %parallel_loop3A_228 = arith.constant 48 : index
        %parallel_loop3A_229 = tpu.vector_load %arg21[%parallel_loop3A_227, %parallel_loop3A_228] {strides = array<i32>} : memref<73x128xf32, #tpu.memory_space<vmem>>, vector<16xf32>,
        tpu.vector_store %arg21[%parallel_loop3A_227, %parallel_loop3A_228], %parallel_loop3A_181 {strides = array<i32>} : memref<73x128xf32, #tpu.memory_space<vmem>>, vector<16xf32>,
        %parallel_loop3A_230 = arith.index_cast %parallel_loop3A_130 : i32 to index
        %parallel_loop3A_231 = arith.constant 64 : index
        %parallel_loop3A_232 = tpu.vector_load %arg21[%parallel_loop3A_230, %parallel_loop3A_231] {strides = array<i32>} : memref<73x128xf32, #tpu.memory_space<vmem>>, vector<16xf32>,
        tpu.vector_store %arg21[%parallel_loop3A_230, %parallel_loop3A_231], %parallel_loop3A_190 {strides = array<i32>} : memref<73x128xf32, #tpu.memory_space<vmem>>, vector<16xf32>,
        %parallel_loop3A_233 = arith.index_cast %parallel_loop3A_130 : i32 to index
        %parallel_loop3A_234 = arith.constant 80 : index
        %parallel_loop3A_235 = tpu.vector_load %arg21[%parallel_loop3A_233, %parallel_loop3A_234] {strides = array<i32>} : memref<73x128xf32, #tpu.memory_space<vmem>>, vector<16xf32>,
        tpu.vector_store %arg21[%parallel_loop3A_233, %parallel_loop3A_234], %parallel_loop3A_199 {strides = array<i32>} : memref<73x128xf32, #tpu.memory_space<vmem>>, vector<16xf32>,
        %parallel_loop3A_236 = arith.index_cast %parallel_loop3A_130 : i32 to index
        %parallel_loop3A_237 = arith.constant 96 : index
        %parallel_loop3A_238 = tpu.vector_load %arg21[%parallel_loop3A_236, %parallel_loop3A_237] {strides = array<i32>} : memref<73x128xf32, #tpu.memory_space<vmem>>, vector<16xf32>,
        tpu.vector_store %arg21[%parallel_loop3A_236, %parallel_loop3A_237], %parallel_loop3A_208 {strides = array<i32>} : memref<73x128xf32, #tpu.memory_space<vmem>>, vector<16xf32>,
        %parallel_loop3A_239 = arith.index_cast %parallel_loop3A_130 : i32 to index
        %parallel_loop3A_240 = arith.constant 112 : index
        %parallel_loop3A_241 = tpu.vector_load %arg21[%parallel_loop3A_239, %parallel_loop3A_240] {strides = array<i32>} : memref<73x128xf32, #tpu.memory_space<vmem>>, vector<16xf32>,
        tpu.vector_store %arg21[%parallel_loop3A_239, %parallel_loop3A_240], %parallel_loop3A_217 {strides = array<i32>} : memref<73x128xf32, #tpu.memory_space<vmem>>, vector<16xf32>,
      } {sc.loop_unroll_factor = 4 : i64, sc.parallel_access}
      %add3A_49 = arith.constant 1 : i32
      %add3A_50 = arith.addi %mul3A_29, %add3A_49 : i32
      %mul3A_51 = arith.constant 128 : i32
      %mul3A_52 = arith.muli %add3A, %mul3A_51 : i32
      %add3A_53 = arith.addi %mul3A_52, %add3A_50 : i32
      %dma_start3A_54 = arith.constant 0 : i32
      %dma_start3A_55 = arith.constant 0 : i32
      %dma_start3A_56 = tpu.memref_slice %arg10[%add3A_53, %dma_start3A_54, %dma_start3A_55] : memref<4096x73x128xf32, #tpu.memory_space<hbm>> -> memref<1x73x128xf32, #tpu.memory_space<hbm>>
      %dma_start3A_57 = tpu.memref_squeeze %dma_start3A_56 : memref<1x73x128xf32, #tpu.memory_space<hbm>> -> memref<73x128xf32, #tpu.memory_space<hbm>>
      %dma_start3A_58 = arith.constant 0 : i32
      %dma_start3A_59 = arith.constant 0 : i32
      %dma_start3A_60 = tpu.memref_slice %arg10[%add3A_53, %dma_start3A_58, %dma_start3A_59] : memref<4096x73x128xf32, #tpu.memory_space<hbm>> -> memref<1x73x128xf32, #tpu.memory_space<hbm>>
      %dma_start3A_61 = tpu.memref_squeeze %dma_start3A_60 : memref<1x73x128xf32, #tpu.memory_space<hbm>> -> memref<73x128xf32, #tpu.memory_space<hbm>>
      tpu.enqueue_dma source(%arg21 : memref<73x128xf32, #tpu.memory_space<vmem>>) target(%dma_start3A_61 : memref<73x128xf32, #tpu.memory_space<hbm>>) target_semaphore(%arg25 : memref<!tpu.dma_semaphore, #tpu.memory_space<semaphore_mem>>)
      %add3A_62 = arith.constant 2 : i32
      %add3A_63 = arith.addi %mul3A_29, %add3A_62 : i32
      %parallel_loop3A_64 = arith.constant 0 : i32
      %parallel_loop3A_65 = arith.constant 73 : i32
      %parallel_loop3A_66 = arith.constant 1 : i32
      scf.for %parallel_loop3A_130 = %parallel_loop3A_64 to %parallel_loop3A_65 step %parallel_loop3A_66  : i32 {
        %parallel_loop3A_131 = arith.constant 73 : i32
        %parallel_loop3A_132 = arith.muli %add3A_63, %parallel_loop3A_131 : i32
        %parallel_loop3A_133 = arith.addi %parallel_loop3A_132, %parallel_loop3A_130 : i32
        %parallel_loop3A_134 = arith.index_cast %parallel_loop3A_133 : i32 to index
        %parallel_loop3A_135 = tpu.vector_load %arg12[%parallel_loop3A_134] {strides = array<i32>} : memref<9360xi32, #tpu.memory_space<vmem>>, vector<16xi32>,
        %parallel_loop3A_136 = vector.extract_strided_slice %parallel_loop3A_135 {offsets = [0], sizes = [1], strides = [1]} : vector<16xi32> to vector<1xi32>
        %parallel_loop3A_137 = vector.extract %parallel_loop3A_136[0] : i32 from vector<1xi32>
        %parallel_loop3A_138 = arith.constant 16 : i32
        %parallel_loop3A_139 = arith.shrsi %parallel_loop3A_137, %parallel_loop3A_138 : i32
        %parallel_loop3A_140 = arith.constant 128 : i32
        %parallel_loop3A_141 = arith.muli %parallel_loop3A_139, %parallel_loop3A_140 : i32
        %parallel_loop3A_142 = arith.constant 65535 : i32
        %parallel_loop3A_143 = arith.andi %parallel_loop3A_137, %parallel_loop3A_142 : i32
        %parallel_loop3A_144 = arith.constant 128 : i32
        %parallel_loop3A_145 = arith.muli %parallel_loop3A_143, %parallel_loop3A_144 : i32
        %parallel_loop3A_146 = arith.constant 0 : i32
        %parallel_loop3A_147 = arith.addi %parallel_loop3A_141, %parallel_loop3A_146 : i32
        %parallel_loop3A_148 = arith.index_cast %parallel_loop3A_147 : i32 to index
        %parallel_loop3A_149 = tpu.vector_load %arg11[%parallel_loop3A_148] {strides = array<i32>} : memref<57344xf32, #tpu.memory_space<vmem>>, vector<16xf32>,
        %parallel_loop3A_150 = arith.constant 0 : i32
        %parallel_loop3A_151 = arith.addi %parallel_loop3A_145, %parallel_loop3A_150 : i32
        %parallel_loop3A_152 = arith.index_cast %parallel_loop3A_151 : i32 to index
        %parallel_loop3A_153 = tpu.vector_load %arg11[%parallel_loop3A_152] {strides = array<i32>} : memref<57344xf32, #tpu.memory_space<vmem>>, vector<16xf32>,
        %parallel_loop3A_154 = arith.addf %parallel_loop3A_149, %parallel_loop3A_153 : vector<16xf32>
        %parallel_loop3A_155 = arith.constant 16 : i32
        %parallel_loop3A_156 = arith.addi %parallel_loop3A_141, %parallel_loop3A_155 : i32
        %parallel_loop3A_157 = arith.index_cast %parallel_loop3A_156 : i32 to index
        %parallel_loop3A_158 = tpu.vector_load %arg11[%parallel_loop3A_157] {strides = array<i32>} : memref<57344xf32, #tpu.memory_space<vmem>>, vector<16xf32>,
        %parallel_loop3A_159 = arith.constant 16 : i32
        %parallel_loop3A_160 = arith.addi %parallel_loop3A_145, %parallel_loop3A_159 : i32
        %parallel_loop3A_161 = arith.index_cast %parallel_loop3A_160 : i32 to index
        %parallel_loop3A_162 = tpu.vector_load %arg11[%parallel_loop3A_161] {strides = array<i32>} : memref<57344xf32, #tpu.memory_space<vmem>>, vector<16xf32>,
        %parallel_loop3A_163 = arith.addf %parallel_loop3A_158, %parallel_loop3A_162 : vector<16xf32>
        %parallel_loop3A_164 = arith.constant 32 : i32
        %parallel_loop3A_165 = arith.addi %parallel_loop3A_141, %parallel_loop3A_164 : i32
        %parallel_loop3A_166 = arith.index_cast %parallel_loop3A_165 : i32 to index
        %parallel_loop3A_167 = tpu.vector_load %arg11[%parallel_loop3A_166] {strides = array<i32>} : memref<57344xf32, #tpu.memory_space<vmem>>, vector<16xf32>,
        %parallel_loop3A_168 = arith.constant 32 : i32
        %parallel_loop3A_169 = arith.addi %parallel_loop3A_145, %parallel_loop3A_168 : i32
        %parallel_loop3A_170 = arith.index_cast %parallel_loop3A_169 : i32 to index
        %parallel_loop3A_171 = tpu.vector_load %arg11[%parallel_loop3A_170] {strides = array<i32>} : memref<57344xf32, #tpu.memory_space<vmem>>, vector<16xf32>,
        %parallel_loop3A_172 = arith.addf %parallel_loop3A_167, %parallel_loop3A_171 : vector<16xf32>
        %parallel_loop3A_173 = arith.constant 48 : i32
        %parallel_loop3A_174 = arith.addi %parallel_loop3A_141, %parallel_loop3A_173 : i32
        %parallel_loop3A_175 = arith.index_cast %parallel_loop3A_174 : i32 to index
        %parallel_loop3A_176 = tpu.vector_load %arg11[%parallel_loop3A_175] {strides = array<i32>} : memref<57344xf32, #tpu.memory_space<vmem>>, vector<16xf32>,
        %parallel_loop3A_177 = arith.constant 48 : i32
        %parallel_loop3A_178 = arith.addi %parallel_loop3A_145, %parallel_loop3A_177 : i32
        %parallel_loop3A_179 = arith.index_cast %parallel_loop3A_178 : i32 to index
        %parallel_loop3A_180 = tpu.vector_load %arg11[%parallel_loop3A_179] {strides = array<i32>} : memref<57344xf32, #tpu.memory_space<vmem>>, vector<16xf32>,
        %parallel_loop3A_181 = arith.addf %parallel_loop3A_176, %parallel_loop3A_180 : vector<16xf32>
        %parallel_loop3A_182 = arith.constant 64 : i32
        %parallel_loop3A_183 = arith.addi %parallel_loop3A_141, %parallel_loop3A_182 : i32
        %parallel_loop3A_184 = arith.index_cast %parallel_loop3A_183 : i32 to index
        %parallel_loop3A_185 = tpu.vector_load %arg11[%parallel_loop3A_184] {strides = array<i32>} : memref<57344xf32, #tpu.memory_space<vmem>>, vector<16xf32>,
        %parallel_loop3A_186 = arith.constant 64 : i32
        %parallel_loop3A_187 = arith.addi %parallel_loop3A_145, %parallel_loop3A_186 : i32
        %parallel_loop3A_188 = arith.index_cast %parallel_loop3A_187 : i32 to index
        %parallel_loop3A_189 = tpu.vector_load %arg11[%parallel_loop3A_188] {strides = array<i32>} : memref<57344xf32, #tpu.memory_space<vmem>>, vector<16xf32>,
        %parallel_loop3A_190 = arith.addf %parallel_loop3A_185, %parallel_loop3A_189 : vector<16xf32>
        %parallel_loop3A_191 = arith.constant 80 : i32
        %parallel_loop3A_192 = arith.addi %parallel_loop3A_141, %parallel_loop3A_191 : i32
        %parallel_loop3A_193 = arith.index_cast %parallel_loop3A_192 : i32 to index
        %parallel_loop3A_194 = tpu.vector_load %arg11[%parallel_loop3A_193] {strides = array<i32>} : memref<57344xf32, #tpu.memory_space<vmem>>, vector<16xf32>,
        %parallel_loop3A_195 = arith.constant 80 : i32
        %parallel_loop3A_196 = arith.addi %parallel_loop3A_145, %parallel_loop3A_195 : i32
        %parallel_loop3A_197 = arith.index_cast %parallel_loop3A_196 : i32 to index
        %parallel_loop3A_198 = tpu.vector_load %arg11[%parallel_loop3A_197] {strides = array<i32>} : memref<57344xf32, #tpu.memory_space<vmem>>, vector<16xf32>,
        %parallel_loop3A_199 = arith.addf %parallel_loop3A_194, %parallel_loop3A_198 : vector<16xf32>
        %parallel_loop3A_200 = arith.constant 96 : i32
        %parallel_loop3A_201 = arith.addi %parallel_loop3A_141, %parallel_loop3A_200 : i32
        %parallel_loop3A_202 = arith.index_cast %parallel_loop3A_201 : i32 to index
        %parallel_loop3A_203 = tpu.vector_load %arg11[%parallel_loop3A_202] {strides = array<i32>} : memref<57344xf32, #tpu.memory_space<vmem>>, vector<16xf32>,
        %parallel_loop3A_204 = arith.constant 96 : i32
        %parallel_loop3A_205 = arith.addi %parallel_loop3A_145, %parallel_loop3A_204 : i32
        %parallel_loop3A_206 = arith.index_cast %parallel_loop3A_205 : i32 to index
        %parallel_loop3A_207 = tpu.vector_load %arg11[%parallel_loop3A_206] {strides = array<i32>} : memref<57344xf32, #tpu.memory_space<vmem>>, vector<16xf32>,
        %parallel_loop3A_208 = arith.addf %parallel_loop3A_203, %parallel_loop3A_207 : vector<16xf32>
        %parallel_loop3A_209 = arith.constant 112 : i32
        %parallel_loop3A_210 = arith.addi %parallel_loop3A_141, %parallel_loop3A_209 : i32
        %parallel_loop3A_211 = arith.index_cast %parallel_loop3A_210 : i32 to index
        %parallel_loop3A_212 = tpu.vector_load %arg11[%parallel_loop3A_211] {strides = array<i32>} : memref<57344xf32, #tpu.memory_space<vmem>>, vector<16xf32>,
        %parallel_loop3A_213 = arith.constant 112 : i32
        %parallel_loop3A_214 = arith.addi %parallel_loop3A_145, %parallel_loop3A_213 : i32
        %parallel_loop3A_215 = arith.index_cast %parallel_loop3A_214 : i32 to index
        %parallel_loop3A_216 = tpu.vector_load %arg11[%parallel_loop3A_215] {strides = array<i32>} : memref<57344xf32, #tpu.memory_space<vmem>>, vector<16xf32>,
        %parallel_loop3A_217 = arith.addf %parallel_loop3A_212, %parallel_loop3A_216 : vector<16xf32>
        %parallel_loop3A_218 = arith.index_cast %parallel_loop3A_130 : i32 to index
        %parallel_loop3A_219 = arith.constant 0 : index
        %parallel_loop3A_220 = tpu.vector_load %arg22[%parallel_loop3A_218, %parallel_loop3A_219] {strides = array<i32>} : memref<73x128xf32, #tpu.memory_space<vmem>>, vector<16xf32>,
        tpu.vector_store %arg22[%parallel_loop3A_218, %parallel_loop3A_219], %parallel_loop3A_154 {strides = array<i32>} : memref<73x128xf32, #tpu.memory_space<vmem>>, vector<16xf32>,
        %parallel_loop3A_221 = arith.index_cast %parallel_loop3A_130 : i32 to index
        %parallel_loop3A_222 = arith.constant 16 : index
        %parallel_loop3A_223 = tpu.vector_load %arg22[%parallel_loop3A_221, %parallel_loop3A_222] {strides = array<i32>} : memref<73x128xf32, #tpu.memory_space<vmem>>, vector<16xf32>,
        tpu.vector_store %arg22[%parallel_loop3A_221, %parallel_loop3A_222], %parallel_loop3A_163 {strides = array<i32>} : memref<73x128xf32, #tpu.memory_space<vmem>>, vector<16xf32>,
        %parallel_loop3A_224 = arith.index_cast %parallel_loop3A_130 : i32 to index
        %parallel_loop3A_225 = arith.constant 32 : index
        %parallel_loop3A_226 = tpu.vector_load %arg22[%parallel_loop3A_224, %parallel_loop3A_225] {strides = array<i32>} : memref<73x128xf32, #tpu.memory_space<vmem>>, vector<16xf32>,
        tpu.vector_store %arg22[%parallel_loop3A_224, %parallel_loop3A_225], %parallel_loop3A_172 {strides = array<i32>} : memref<73x128xf32, #tpu.memory_space<vmem>>, vector<16xf32>,
        %parallel_loop3A_227 = arith.index_cast %parallel_loop3A_130 : i32 to index
        %parallel_loop3A_228 = arith.constant 48 : index
        %parallel_loop3A_229 = tpu.vector_load %arg22[%parallel_loop3A_227, %parallel_loop3A_228] {strides = array<i32>} : memref<73x128xf32, #tpu.memory_space<vmem>>, vector<16xf32>,
        tpu.vector_store %arg22[%parallel_loop3A_227, %parallel_loop3A_228], %parallel_loop3A_181 {strides = array<i32>} : memref<73x128xf32, #tpu.memory_space<vmem>>, vector<16xf32>,
        %parallel_loop3A_230 = arith.index_cast %parallel_loop3A_130 : i32 to index
        %parallel_loop3A_231 = arith.constant 64 : index
        %parallel_loop3A_232 = tpu.vector_load %arg22[%parallel_loop3A_230, %parallel_loop3A_231] {strides = array<i32>} : memref<73x128xf32, #tpu.memory_space<vmem>>, vector<16xf32>,
        tpu.vector_store %arg22[%parallel_loop3A_230, %parallel_loop3A_231], %parallel_loop3A_190 {strides = array<i32>} : memref<73x128xf32, #tpu.memory_space<vmem>>, vector<16xf32>,
        %parallel_loop3A_233 = arith.index_cast %parallel_loop3A_130 : i32 to index
        %parallel_loop3A_234 = arith.constant 80 : index
        %parallel_loop3A_235 = tpu.vector_load %arg22[%parallel_loop3A_233, %parallel_loop3A_234] {strides = array<i32>} : memref<73x128xf32, #tpu.memory_space<vmem>>, vector<16xf32>,
        tpu.vector_store %arg22[%parallel_loop3A_233, %parallel_loop3A_234], %parallel_loop3A_199 {strides = array<i32>} : memref<73x128xf32, #tpu.memory_space<vmem>>, vector<16xf32>,
        %parallel_loop3A_236 = arith.index_cast %parallel_loop3A_130 : i32 to index
        %parallel_loop3A_237 = arith.constant 96 : index
        %parallel_loop3A_238 = tpu.vector_load %arg22[%parallel_loop3A_236, %parallel_loop3A_237] {strides = array<i32>} : memref<73x128xf32, #tpu.memory_space<vmem>>, vector<16xf32>,
        tpu.vector_store %arg22[%parallel_loop3A_236, %parallel_loop3A_237], %parallel_loop3A_208 {strides = array<i32>} : memref<73x128xf32, #tpu.memory_space<vmem>>, vector<16xf32>,
        %parallel_loop3A_239 = arith.index_cast %parallel_loop3A_130 : i32 to index
        %parallel_loop3A_240 = arith.constant 112 : index
        %parallel_loop3A_241 = tpu.vector_load %arg22[%parallel_loop3A_239, %parallel_loop3A_240] {strides = array<i32>} : memref<73x128xf32, #tpu.memory_space<vmem>>, vector<16xf32>,
        tpu.vector_store %arg22[%parallel_loop3A_239, %parallel_loop3A_240], %parallel_loop3A_217 {strides = array<i32>} : memref<73x128xf32, #tpu.memory_space<vmem>>, vector<16xf32>,
      } {sc.loop_unroll_factor = 4 : i64, sc.parallel_access}
      %dma_wait3A_67 = arith.constant 0 : i32
      %dma_wait3A_68 = arith.constant 0 : i32
      %dma_wait3A_69 = tpu.memref_slice %arg10[%add3A_35, %dma_wait3A_67, %dma_wait3A_68] : memref<4096x73x128xf32, #tpu.memory_space<hbm>> -> memref<1x73x128xf32, #tpu.memory_space<hbm>>
      %dma_wait3A_70 = tpu.memref_squeeze %dma_wait3A_69 : memref<1x73x128xf32, #tpu.memory_space<hbm>> -> memref<73x128xf32, #tpu.memory_space<hbm>>
      %dma_wait3A_71 = arith.constant 0 : i32
      %dma_wait3A_72 = arith.constant 0 : i32
      %dma_wait3A_73 = tpu.memref_slice %arg10[%add3A_35, %dma_wait3A_71, %dma_wait3A_72] : memref<4096x73x128xf32, #tpu.memory_space<hbm>> -> memref<1x73x128xf32, #tpu.memory_space<hbm>>
      %dma_wait3A_74 = tpu.memref_squeeze %dma_wait3A_73 : memref<1x73x128xf32, #tpu.memory_space<hbm>> -> memref<73x128xf32, #tpu.memory_space<hbm>>
      tpu.wait_dma2 semaphore(%arg24 : memref<!tpu.dma_semaphore, #tpu.memory_space<semaphore_mem>>) src(%arg20 : memref<73x128xf32, #tpu.memory_space<vmem>>) dst(%dma_wait3A_74 : memref<73x128xf32, #tpu.memory_space<hbm>>)
      %add3A_75 = arith.constant 2 : i32
      %add3A_76 = arith.addi %mul3A_29, %add3A_75 : i32
      %mul3A_77 = arith.constant 128 : i32
      %mul3A_78 = arith.muli %add3A, %mul3A_77 : i32
      %add3A_79 = arith.addi %mul3A_78, %add3A_76 : i32
      %dma_start3A_80 = arith.constant 0 : i32
      %dma_start3A_81 = arith.constant 0 : i32
      %dma_start3A_82 = tpu.memref_slice %arg10[%add3A_79, %dma_start3A_80, %dma_start3A_81] : memref<4096x73x128xf32, #tpu.memory_space<hbm>> -> memref<1x73x128xf32, #tpu.memory_space<hbm>>
      %dma_start3A_83 = tpu.memref_squeeze %dma_start3A_82 : memref<1x73x128xf32, #tpu.memory_space<hbm>> -> memref<73x128xf32, #tpu.memory_space<hbm>>
      %dma_start3A_84 = arith.constant 0 : i32
      %dma_start3A_85 = arith.constant 0 : i32
      %dma_start3A_86 = tpu.memref_slice %arg10[%add3A_79, %dma_start3A_84, %dma_start3A_85] : memref<4096x73x128xf32, #tpu.memory_space<hbm>> -> memref<1x73x128xf32, #tpu.memory_space<hbm>>
      %dma_start3A_87 = tpu.memref_squeeze %dma_start3A_86 : memref<1x73x128xf32, #tpu.memory_space<hbm>> -> memref<73x128xf32, #tpu.memory_space<hbm>>
      tpu.enqueue_dma source(%arg22 : memref<73x128xf32, #tpu.memory_space<vmem>>) target(%dma_start3A_87 : memref<73x128xf32, #tpu.memory_space<hbm>>) target_semaphore(%arg26 : memref<!tpu.dma_semaphore, #tpu.memory_space<semaphore_mem>>)
      %add3A_88 = arith.constant 3 : i32
      %add3A_89 = arith.addi %mul3A_29, %add3A_88 : i32
      %parallel_loop3A_90 = arith.constant 0 : i32
      %parallel_loop3A_91 = arith.constant 73 : i32
      %parallel_loop3A_92 = arith.constant 1 : i32
      scf.for %parallel_loop3A_130 = %parallel_loop3A_90 to %parallel_loop3A_91 step %parallel_loop3A_92  : i32 {
        %parallel_loop3A_131 = arith.constant 73 : i32
        %parallel_loop3A_132 = arith.muli %add3A_89, %parallel_loop3A_131 : i32
        %parallel_loop3A_133 = arith.addi %parallel_loop3A_132, %parallel_loop3A_130 : i32
        %parallel_loop3A_134 = arith.index_cast %parallel_loop3A_133 : i32 to index
        %parallel_loop3A_135 = tpu.vector_load %arg12[%parallel_loop3A_134] {strides = array<i32>} : memref<9360xi32, #tpu.memory_space<vmem>>, vector<16xi32>,
        %parallel_loop3A_136 = vector.extract_strided_slice %parallel_loop3A_135 {offsets = [0], sizes = [1], strides = [1]} : vector<16xi32> to vector<1xi32>
        %parallel_loop3A_137 = vector.extract %parallel_loop3A_136[0] : i32 from vector<1xi32>
        %parallel_loop3A_138 = arith.constant 16 : i32
        %parallel_loop3A_139 = arith.shrsi %parallel_loop3A_137, %parallel_loop3A_138 : i32
        %parallel_loop3A_140 = arith.constant 128 : i32
        %parallel_loop3A_141 = arith.muli %parallel_loop3A_139, %parallel_loop3A_140 : i32
        %parallel_loop3A_142 = arith.constant 65535 : i32
        %parallel_loop3A_143 = arith.andi %parallel_loop3A_137, %parallel_loop3A_142 : i32
        %parallel_loop3A_144 = arith.constant 128 : i32
        %parallel_loop3A_145 = arith.muli %parallel_loop3A_143, %parallel_loop3A_144 : i32
        %parallel_loop3A_146 = arith.constant 0 : i32
        %parallel_loop3A_147 = arith.addi %parallel_loop3A_141, %parallel_loop3A_146 : i32
        %parallel_loop3A_148 = arith.index_cast %parallel_loop3A_147 : i32 to index
        %parallel_loop3A_149 = tpu.vector_load %arg11[%parallel_loop3A_148] {strides = array<i32>} : memref<57344xf32, #tpu.memory_space<vmem>>, vector<16xf32>,
        %parallel_loop3A_150 = arith.constant 0 : i32
        %parallel_loop3A_151 = arith.addi %parallel_loop3A_145, %parallel_loop3A_150 : i32
        %parallel_loop3A_152 = arith.index_cast %parallel_loop3A_151 : i32 to index
        %parallel_loop3A_153 = tpu.vector_load %arg11[%parallel_loop3A_152] {strides = array<i32>} : memref<57344xf32, #tpu.memory_space<vmem>>, vector<16xf32>,
        %parallel_loop3A_154 = arith.addf %parallel_loop3A_149, %parallel_loop3A_153 : vector<16xf32>
        %parallel_loop3A_155 = arith.constant 16 : i32
        %parallel_loop3A_156 = arith.addi %parallel_loop3A_141, %parallel_loop3A_155 : i32
        %parallel_loop3A_157 = arith.index_cast %parallel_loop3A_156 : i32 to index
        %parallel_loop3A_158 = tpu.vector_load %arg11[%parallel_loop3A_157] {strides = array<i32>} : memref<57344xf32, #tpu.memory_space<vmem>>, vector<16xf32>,
        %parallel_loop3A_159 = arith.constant 16 : i32
        %parallel_loop3A_160 = arith.addi %parallel_loop3A_145, %parallel_loop3A_159 : i32
        %parallel_loop3A_161 = arith.index_cast %parallel_loop3A_160 : i32 to index
        %parallel_loop3A_162 = tpu.vector_load %arg11[%parallel_loop3A_161] {strides = array<i32>} : memref<57344xf32, #tpu.memory_space<vmem>>, vector<16xf32>,
        %parallel_loop3A_163 = arith.addf %parallel_loop3A_158, %parallel_loop3A_162 : vector<16xf32>
        %parallel_loop3A_164 = arith.constant 32 : i32
        %parallel_loop3A_165 = arith.addi %parallel_loop3A_141, %parallel_loop3A_164 : i32
        %parallel_loop3A_166 = arith.index_cast %parallel_loop3A_165 : i32 to index
        %parallel_loop3A_167 = tpu.vector_load %arg11[%parallel_loop3A_166] {strides = array<i32>} : memref<57344xf32, #tpu.memory_space<vmem>>, vector<16xf32>,
        %parallel_loop3A_168 = arith.constant 32 : i32
        %parallel_loop3A_169 = arith.addi %parallel_loop3A_145, %parallel_loop3A_168 : i32
        %parallel_loop3A_170 = arith.index_cast %parallel_loop3A_169 : i32 to index
        %parallel_loop3A_171 = tpu.vector_load %arg11[%parallel_loop3A_170] {strides = array<i32>} : memref<57344xf32, #tpu.memory_space<vmem>>, vector<16xf32>,
        %parallel_loop3A_172 = arith.addf %parallel_loop3A_167, %parallel_loop3A_171 : vector<16xf32>
        %parallel_loop3A_173 = arith.constant 48 : i32
        %parallel_loop3A_174 = arith.addi %parallel_loop3A_141, %parallel_loop3A_173 : i32
        %parallel_loop3A_175 = arith.index_cast %parallel_loop3A_174 : i32 to index
        %parallel_loop3A_176 = tpu.vector_load %arg11[%parallel_loop3A_175] {strides = array<i32>} : memref<57344xf32, #tpu.memory_space<vmem>>, vector<16xf32>,
        %parallel_loop3A_177 = arith.constant 48 : i32
        %parallel_loop3A_178 = arith.addi %parallel_loop3A_145, %parallel_loop3A_177 : i32
        %parallel_loop3A_179 = arith.index_cast %parallel_loop3A_178 : i32 to index
        %parallel_loop3A_180 = tpu.vector_load %arg11[%parallel_loop3A_179] {strides = array<i32>} : memref<57344xf32, #tpu.memory_space<vmem>>, vector<16xf32>,
        %parallel_loop3A_181 = arith.addf %parallel_loop3A_176, %parallel_loop3A_180 : vector<16xf32>
        %parallel_loop3A_182 = arith.constant 64 : i32
        %parallel_loop3A_183 = arith.addi %parallel_loop3A_141, %parallel_loop3A_182 : i32
        %parallel_loop3A_184 = arith.index_cast %parallel_loop3A_183 : i32 to index
        %parallel_loop3A_185 = tpu.vector_load %arg11[%parallel_loop3A_184] {strides = array<i32>} : memref<57344xf32, #tpu.memory_space<vmem>>, vector<16xf32>,
        %parallel_loop3A_186 = arith.constant 64 : i32
        %parallel_loop3A_187 = arith.addi %parallel_loop3A_145, %parallel_loop3A_186 : i32
        %parallel_loop3A_188 = arith.index_cast %parallel_loop3A_187 : i32 to index
        %parallel_loop3A_189 = tpu.vector_load %arg11[%parallel_loop3A_188] {strides = array<i32>} : memref<57344xf32, #tpu.memory_space<vmem>>, vector<16xf32>,
        %parallel_loop3A_190 = arith.addf %parallel_loop3A_185, %parallel_loop3A_189 : vector<16xf32>
        %parallel_loop3A_191 = arith.constant 80 : i32
        %parallel_loop3A_192 = arith.addi %parallel_loop3A_141, %parallel_loop3A_191 : i32
        %parallel_loop3A_193 = arith.index_cast %parallel_loop3A_192 : i32 to index
        %parallel_loop3A_194 = tpu.vector_load %arg11[%parallel_loop3A_193] {strides = array<i32>} : memref<57344xf32, #tpu.memory_space<vmem>>, vector<16xf32>,
        %parallel_loop3A_195 = arith.constant 80 : i32
        %parallel_loop3A_196 = arith.addi %parallel_loop3A_145, %parallel_loop3A_195 : i32
        %parallel_loop3A_197 = arith.index_cast %parallel_loop3A_196 : i32 to index
        %parallel_loop3A_198 = tpu.vector_load %arg11[%parallel_loop3A_197] {strides = array<i32>} : memref<57344xf32, #tpu.memory_space<vmem>>, vector<16xf32>,
        %parallel_loop3A_199 = arith.addf %parallel_loop3A_194, %parallel_loop3A_198 : vector<16xf32>
        %parallel_loop3A_200 = arith.constant 96 : i32
        %parallel_loop3A_201 = arith.addi %parallel_loop3A_141, %parallel_loop3A_200 : i32
        %parallel_loop3A_202 = arith.index_cast %parallel_loop3A_201 : i32 to index
        %parallel_loop3A_203 = tpu.vector_load %arg11[%parallel_loop3A_202] {strides = array<i32>} : memref<57344xf32, #tpu.memory_space<vmem>>, vector<16xf32>,
        %parallel_loop3A_204 = arith.constant 96 : i32
        %parallel_loop3A_205 = arith.addi %parallel_loop3A_145, %parallel_loop3A_204 : i32
        %parallel_loop3A_206 = arith.index_cast %parallel_loop3A_205 : i32 to index
        %parallel_loop3A_207 = tpu.vector_load %arg11[%parallel_loop3A_206] {strides = array<i32>} : memref<57344xf32, #tpu.memory_space<vmem>>, vector<16xf32>,
        %parallel_loop3A_208 = arith.addf %parallel_loop3A_203, %parallel_loop3A_207 : vector<16xf32>
        %parallel_loop3A_209 = arith.constant 112 : i32
        %parallel_loop3A_210 = arith.addi %parallel_loop3A_141, %parallel_loop3A_209 : i32
        %parallel_loop3A_211 = arith.index_cast %parallel_loop3A_210 : i32 to index
        %parallel_loop3A_212 = tpu.vector_load %arg11[%parallel_loop3A_211] {strides = array<i32>} : memref<57344xf32, #tpu.memory_space<vmem>>, vector<16xf32>,
        %parallel_loop3A_213 = arith.constant 112 : i32
        %parallel_loop3A_214 = arith.addi %parallel_loop3A_145, %parallel_loop3A_213 : i32
        %parallel_loop3A_215 = arith.index_cast %parallel_loop3A_214 : i32 to index
        %parallel_loop3A_216 = tpu.vector_load %arg11[%parallel_loop3A_215] {strides = array<i32>} : memref<57344xf32, #tpu.memory_space<vmem>>, vector<16xf32>,
        %parallel_loop3A_217 = arith.addf %parallel_loop3A_212, %parallel_loop3A_216 : vector<16xf32>
        %parallel_loop3A_218 = arith.index_cast %parallel_loop3A_130 : i32 to index
        %parallel_loop3A_219 = arith.constant 0 : index
        %parallel_loop3A_220 = tpu.vector_load %arg23[%parallel_loop3A_218, %parallel_loop3A_219] {strides = array<i32>} : memref<73x128xf32, #tpu.memory_space<vmem>>, vector<16xf32>,
        tpu.vector_store %arg23[%parallel_loop3A_218, %parallel_loop3A_219], %parallel_loop3A_154 {strides = array<i32>} : memref<73x128xf32, #tpu.memory_space<vmem>>, vector<16xf32>,
        %parallel_loop3A_221 = arith.index_cast %parallel_loop3A_130 : i32 to index
        %parallel_loop3A_222 = arith.constant 16 : index
        %parallel_loop3A_223 = tpu.vector_load %arg23[%parallel_loop3A_221, %parallel_loop3A_222] {strides = array<i32>} : memref<73x128xf32, #tpu.memory_space<vmem>>, vector<16xf32>,
        tpu.vector_store %arg23[%parallel_loop3A_221, %parallel_loop3A_222], %parallel_loop3A_163 {strides = array<i32>} : memref<73x128xf32, #tpu.memory_space<vmem>>, vector<16xf32>,
        %parallel_loop3A_224 = arith.index_cast %parallel_loop3A_130 : i32 to index
        %parallel_loop3A_225 = arith.constant 32 : index
        %parallel_loop3A_226 = tpu.vector_load %arg23[%parallel_loop3A_224, %parallel_loop3A_225] {strides = array<i32>} : memref<73x128xf32, #tpu.memory_space<vmem>>, vector<16xf32>,
        tpu.vector_store %arg23[%parallel_loop3A_224, %parallel_loop3A_225], %parallel_loop3A_172 {strides = array<i32>} : memref<73x128xf32, #tpu.memory_space<vmem>>, vector<16xf32>,
        %parallel_loop3A_227 = arith.index_cast %parallel_loop3A_130 : i32 to index
        %parallel_loop3A_228 = arith.constant 48 : index
        %parallel_loop3A_229 = tpu.vector_load %arg23[%parallel_loop3A_227, %parallel_loop3A_228] {strides = array<i32>} : memref<73x128xf32, #tpu.memory_space<vmem>>, vector<16xf32>,
        tpu.vector_store %arg23[%parallel_loop3A_227, %parallel_loop3A_228], %parallel_loop3A_181 {strides = array<i32>} : memref<73x128xf32, #tpu.memory_space<vmem>>, vector<16xf32>,
        %parallel_loop3A_230 = arith.index_cast %parallel_loop3A_130 : i32 to index
        %parallel_loop3A_231 = arith.constant 64 : index
        %parallel_loop3A_232 = tpu.vector_load %arg23[%parallel_loop3A_230, %parallel_loop3A_231] {strides = array<i32>} : memref<73x128xf32, #tpu.memory_space<vmem>>, vector<16xf32>,
        tpu.vector_store %arg23[%parallel_loop3A_230, %parallel_loop3A_231], %parallel_loop3A_190 {strides = array<i32>} : memref<73x128xf32, #tpu.memory_space<vmem>>, vector<16xf32>,
        %parallel_loop3A_233 = arith.index_cast %parallel_loop3A_130 : i32 to index
        %parallel_loop3A_234 = arith.constant 80 : index
        %parallel_loop3A_235 = tpu.vector_load %arg23[%parallel_loop3A_233, %parallel_loop3A_234] {strides = array<i32>} : memref<73x128xf32, #tpu.memory_space<vmem>>, vector<16xf32>,
        tpu.vector_store %arg23[%parallel_loop3A_233, %parallel_loop3A_234], %parallel_loop3A_199 {strides = array<i32>} : memref<73x128xf32, #tpu.memory_space<vmem>>, vector<16xf32>,
        %parallel_loop3A_236 = arith.index_cast %parallel_loop3A_130 : i32 to index
        %parallel_loop3A_237 = arith.constant 96 : index
        %parallel_loop3A_238 = tpu.vector_load %arg23[%parallel_loop3A_236, %parallel_loop3A_237] {strides = array<i32>} : memref<73x128xf32, #tpu.memory_space<vmem>>, vector<16xf32>,
        tpu.vector_store %arg23[%parallel_loop3A_236, %parallel_loop3A_237], %parallel_loop3A_208 {strides = array<i32>} : memref<73x128xf32, #tpu.memory_space<vmem>>, vector<16xf32>,
        %parallel_loop3A_239 = arith.index_cast %parallel_loop3A_130 : i32 to index
        %parallel_loop3A_240 = arith.constant 112 : index
        %parallel_loop3A_241 = tpu.vector_load %arg23[%parallel_loop3A_239, %parallel_loop3A_240] {strides = array<i32>} : memref<73x128xf32, #tpu.memory_space<vmem>>, vector<16xf32>,
        tpu.vector_store %arg23[%parallel_loop3A_239, %parallel_loop3A_240], %parallel_loop3A_217 {strides = array<i32>} : memref<73x128xf32, #tpu.memory_space<vmem>>, vector<16xf32>,
      } {sc.loop_unroll_factor = 4 : i64, sc.parallel_access}
      %dma_wait3A_93 = arith.constant 0 : i32
      %dma_wait3A_94 = arith.constant 0 : i32
      %dma_wait3A_95 = tpu.memref_slice %arg10[%add3A_53, %dma_wait3A_93, %dma_wait3A_94] : memref<4096x73x128xf32, #tpu.memory_space<hbm>> -> memref<1x73x128xf32, #tpu.memory_space<hbm>>
      %dma_wait3A_96 = tpu.memref_squeeze %dma_wait3A_95 : memref<1x73x128xf32, #tpu.memory_space<hbm>> -> memref<73x128xf32, #tpu.memory_space<hbm>>
      %dma_wait3A_97 = arith.constant 0 : i32
      %dma_wait3A_98 = arith.constant 0 : i32
      %dma_wait3A_99 = tpu.memref_slice %arg10[%add3A_53, %dma_wait3A_97, %dma_wait3A_98] : memref<4096x73x128xf32, #tpu.memory_space<hbm>> -> memref<1x73x128xf32, #tpu.memory_space<hbm>>
      %dma_wait3A_100 = tpu.memref_squeeze %dma_wait3A_99 : memref<1x73x128xf32, #tpu.memory_space<hbm>> -> memref<73x128xf32, #tpu.memory_space<hbm>>
      tpu.wait_dma2 semaphore(%arg25 : memref<!tpu.dma_semaphore, #tpu.memory_space<semaphore_mem>>) src(%arg21 : memref<73x128xf32, #tpu.memory_space<vmem>>) dst(%dma_wait3A_100 : memref<73x128xf32, #tpu.memory_space<hbm>>)
      %add3A_101 = arith.constant 3 : i32
      %add3A_102 = arith.addi %mul3A_29, %add3A_101 : i32
      %mul3A_103 = arith.constant 128 : i32
      %mul3A_104 = arith.muli %add3A, %mul3A_103 : i32
      %add3A_105 = arith.addi %mul3A_104, %add3A_102 : i32
      %dma_start3A_106 = arith.constant 0 : i32
      %dma_start3A_107 = arith.constant 0 : i32
      %dma_start3A_108 = tpu.memref_slice %arg10[%add3A_105, %dma_start3A_106, %dma_start3A_107] : memref<4096x73x128xf32, #tpu.memory_space<hbm>> -> memref<1x73x128xf32, #tpu.memory_space<hbm>>
      %dma_start3A_109 = tpu.memref_squeeze %dma_start3A_108 : memref<1x73x128xf32, #tpu.memory_space<hbm>> -> memref<73x128xf32, #tpu.memory_space<hbm>>
      %dma_start3A_110 = arith.constant 0 : i32
      %dma_start3A_111 = arith.constant 0 : i32
      %dma_start3A_112 = tpu.memref_slice %arg10[%add3A_105, %dma_start3A_110, %dma_start3A_111] : memref<4096x73x128xf32, #tpu.memory_space<hbm>> -> memref<1x73x128xf32, #tpu.memory_space<hbm>>
      %dma_start3A_113 = tpu.memref_squeeze %dma_start3A_112 : memref<1x73x128xf32, #tpu.memory_space<hbm>> -> memref<73x128xf32, #tpu.memory_space<hbm>>
      tpu.enqueue_dma source(%arg23 : memref<73x128xf32, #tpu.memory_space<vmem>>) target(%dma_start3A_113 : memref<73x128xf32, #tpu.memory_space<hbm>>) target_semaphore(%arg27 : memref<!tpu.dma_semaphore, #tpu.memory_space<semaphore_mem>>)
      %dma_wait3A_114 = arith.constant 0 : i32
      %dma_wait3A_115 = arith.constant 0 : i32
      %dma_wait3A_116 = tpu.memref_slice %arg10[%add3A_79, %dma_wait3A_114, %dma_wait3A_115] : memref<4096x73x128xf32, #tpu.memory_space<hbm>> -> memref<1x73x128xf32, #tpu.memory_space<hbm>>
      %dma_wait3A_117 = tpu.memref_squeeze %dma_wait3A_116 : memref<1x73x128xf32, #tpu.memory_space<hbm>> -> memref<73x128xf32, #tpu.memory_space<hbm>>
      %dma_wait3A_118 = arith.constant 0 : i32
      %dma_wait3A_119 = arith.constant 0 : i32
      %dma_wait3A_120 = tpu.memref_slice %arg10[%add3A_79, %dma_wait3A_118, %dma_wait3A_119] : memref<4096x73x128xf32, #tpu.memory_space<hbm>> -> memref<1x73x128xf32, #tpu.memory_space<hbm>>
      %dma_wait3A_121 = tpu.memref_squeeze %dma_wait3A_120 : memref<1x73x128xf32, #tpu.memory_space<hbm>> -> memref<73x128xf32, #tpu.memory_space<hbm>>
      tpu.wait_dma2 semaphore(%arg26 : memref<!tpu.dma_semaphore, #tpu.memory_space<semaphore_mem>>) src(%arg22 : memref<73x128xf32, #tpu.memory_space<vmem>>) dst(%dma_wait3A_121 : memref<73x128xf32, #tpu.memory_space<hbm>>)
      %dma_wait3A_122 = arith.constant 0 : i32
      %dma_wait3A_123 = arith.constant 0 : i32
      %dma_wait3A_124 = tpu.memref_slice %arg10[%add3A_105, %dma_wait3A_122, %dma_wait3A_123] : memref<4096x73x128xf32, #tpu.memory_space<hbm>> -> memref<1x73x128xf32, #tpu.memory_space<hbm>>
      %dma_wait3A_125 = tpu.memref_squeeze %dma_wait3A_124 : memref<1x73x128xf32, #tpu.memory_space<hbm>> -> memref<73x128xf32, #tpu.memory_space<hbm>>
      %dma_wait3A_126 = arith.constant 0 : i32
      %dma_wait3A_127 = arith.constant 0 : i32
      %dma_wait3A_128 = tpu.memref_slice %arg10[%add3A_105, %dma_wait3A_126, %dma_wait3A_127] : memref<4096x73x128xf32, #tpu.memory_space<hbm>> -> memref<1x73x128xf32, #tpu.memory_space<hbm>>
      %dma_wait3A_129 = tpu.memref_squeeze %dma_wait3A_128 : memref<1x73x128xf32, #tpu.memory_space<hbm>> -> memref<73x128xf32, #tpu.memory_space<hbm>>
      tpu.wait_dma2 semaphore(%arg27 : memref<!tpu.dma_semaphore, #tpu.memory_space<semaphore_mem>>) src(%arg23 : memref<73x128xf32, #tpu.memory_space<vmem>>) dst(%dma_wait3A_129 : memref<73x128xf32, #tpu.memory_space<hbm>>)
    }
    %scan3A_26 = arith.constant 32 : i32
    return
  }
}

</mosaic_0001>

<sc_bundles>
// kernel: kernel.3.cloned.1.call-start
scs
__scs_entry_jumppad:
0x0: {  	(pc) =	sbr.rel $0x88, $3  }
0x1: {  	(tag) =	ssettag $0x0;
	lr =	simm.s32 $0x1  }
0x2: {  	[smem:$0x3F8E] =	sst lr;
	_ =	strace $0xD0000000  }
0x3: {  	_ = 	snop  }
0x4: {  	_ = 	snop  }
0x5: {  	_ = 	snop  }
0x6: {  	_ = 	snop  }
0x7: {  	_ = 	snop  }
__scs_overlays_trampoline_lowered:
0x8: {  	[smem:$0x3F9D] =	sst s0  }
0x9: {  	[smem:$0x3F9E] =	sst s1  }
0xa: {  	[smem:$0x3F9F] =	sst s2  }
0xb: {  	[smem:$0x3FA0] =	sst s3  }
0xc: {  	[smem:$0x3FA1] =	sst s4  }
0xd: {  	[smem:$0x3FA2] =	sst s5  }
0xe: {  	[smem:$0x3FA3] =	sst s6  }
0xf: {  	[smem:$0x3FA4] =	sst s7  }
0x10: {  	[smem:$0x3FA5] =	sst s8  }
0x11: {  	[smem:$0x3FA6] =	sst s9;
	s0 =	simm.s32 @!p0 $0x0  }
0x12: {  	s1 =	sld [smem:$0x3F8C];
	s0 =	simm.s32 @p0 $0x1  }
0x13: {  	[smem:$0x3FA7] =	sst s0;
	s0 =	simm.s32 @!p1 $0x0  }
0x14: {  	s2 =	sld [smem:$0x3F8B];
	s0 =	simm.s32 @p1 $0x1  }
0x15: {  	[smem:$0x3FA8] =	sst s0;
	s0 =	simm.s32 @!p2 $0x0  }
0x16: {  	s3 =	sld [smem:$0x3FDB];
	s0 =	simm.s32 @p2 $0x1  }
0x17: {  	s4 =	simm.s32 $0x1BF5;
	[smem:$0x3FAA] =	sst s0  }
0x18: {  	s0 =	sld [smem:$0x3F8D];
	_ =	swait.ge [sflag:s4], $0x0  }
0x19: {  	s7 =	sld [smem:$0x3F8E]  }
0x1a: {  	s8 =	sadd.s32 $0xFFFFE003, lr  }
0x1b: {  	s9 =	sadd.s32 $0xFFFFFEF7, lr;
	s5 =	simm.s32 $0xFFFFFFFF;
	p2 =	slt.u32 s8, $0xFFFFF086  }
0x1c: {  	p1 =	slt.u32 s9, $0xF7A;
	s5 =	simm.s32 @!p2 $0x0  }
0x1d: {  	s5 =	simm.s32 @p1 $0x1;
	p0 =	seq.s32 s7, s2  }
0x1e: {  	s7 =	smul.u32 @!p0 $0xF7A, s2;
	p2 =	seq.s32 @!p0 s5, $0x0  }
0x1f: {  	s9 =	smul.u32 $0xF7A, s1;
	s8 =	simm.s32 @!p0 $0x1BF5;
	p2 =	por !p2, p0  }
0x20: {  	[sflag:s8] =	ssyncset.s32 @!p0 $0xFFFFF086;
	s6 =	sadd.s32 @!p0 s3, s7;
	s7 =	simm.s32 @!p0 $0x108  }
0x21: {  	s3 =	sadd.s32 s3, s9;
	s6 =	sadd.s32 @!p0 $0x88, s6;
	s7 =	simm.s32 @p2 $0x1082  }
0x22: {  	[simem:s7], [sflag:s8] =	dma.local @!p0 [hbm:s6], $0xF7A  }
0x23: {  	s9 =	sor.u32 $0xD0000000, s2;
	s6 =	simm.s32 $0x108;
	_ =	swait.ge @!p0 [sflag:s8], $0x0  }
0x24: {  	s3 =	sadd.s32 $0x88, s3;
	s6 =	simm.s32 @!p1 $0x1082;
	[sflag:s4] =	ssyncset.s32 $0xFFFFF086  }
0x25: {  	[simem:s6], [sflag:s4] =	dma.local [hbm:s3], $0xF7A  }
0x26: {  	[smem:$0x3F8E] =	sst s1;
	(tag) =	ssettag s2;
	_ =	strace s9  }
0x27: {  	s1 =	sld [smem:$0x3F9E]  }
0x28: {  	s2 =	sld [smem:$0x3F9F]  }
0x29: {  	s4 =	sld [smem:$0x3FA1]  }
0x2a: {  	p0 =	seq.s32 s5, $0x0;
	s5 =	sld [smem:$0x3FA2]  }
0x2b: {  	s6 =	sld [smem:$0x3FA3]  }
0x2c: {  	s7 =	sld [smem:$0x3FA4]  }
0x2d: {  	s3 =	simm.s32 $0x108;
	s8 =	sld [smem:$0x3FA5]  }
0x2e: {  	s3 =	simm.s32 @!p0 $0x1082;
	s9 =	sld [smem:$0x3FA6]  }
0x2f: {  	lr =	sadd.s32 s0, s3;
	s0 =	sld [smem:$0x3F9D]  }
0x30: {  	s3 =	sld [smem:$0x3FA0]  }
0x31: {  	[smem:$0x3FA9] =	sst s10  }
0x32: {  	s10 =	sld [smem:$0x3FA7];
	_ =	sdelay $0x3  }
0x33: {  	p0 =	seq.s32 s10, $0x1;
	s10 =	sld [smem:$0x3FA9];
	_ =	sdelay $0x3  }
0x34: {  	[smem:$0x3FA9] =	sst s10  }
0x35: {  	s10 =	sld [smem:$0x3FA8];
	_ =	sdelay $0x3  }
0x36: {  	p1 =	seq.s32 s10, $0x1;
	s10 =	sld [smem:$0x3FA9];
	_ =	sdelay $0x3  }
0x37: {  	[smem:$0x3FA9] =	sst s10  }
0x38: {  	s10 =	sld [smem:$0x3FAA]  }
0x39: {  	_ = 	snop;
	(pc) =	sbr.ind lr, $3  }
0x3a: {  	_ = 	snop  }
0x3b: {  	_ = 	snop  }
0x3c: {  	p2 =	seq.s32 s10, $0x1;
	s10 =	sld [smem:$0x3FA9]  }
0x3d: {  	_ =	shalt  }
0x3e: {  	_ =	shalt  }
0x3f: {  	_ =	shalt  }
0x40: {  	_ =	shalt  }
0x41: {  	_ =	shalt  }
0x42: {  	_ =	shalt  }
0x43: {  	_ =	shalt  }
0x44: {  	_ =	shalt  }
0x45: {  	_ =	shalt  }
0x46: {  	_ =	shalt  }
0x47: {  	_ =	shalt  }
0x48: {  	_ =	shalt  }
0x49: {  	_ =	shalt  }
0x4a: {  	_ =	shalt  }
0x4b: {  	_ =	shalt  }
0x4c: {  	_ =	shalt  }
0x4d: {  	_ =	shalt  }
0x4e: {  	_ =	shalt  }
0x4f: {  	_ =	shalt  }
0x50: {  	_ =	shalt  }
0x51: {  	_ =	shalt  }
0x52: {  	_ =	shalt  }
0x53: {  	_ =	shalt  }
0x54: {  	_ =	shalt  }
0x55: {  	_ =	shalt  }
0x56: {  	_ =	shalt  }
0x57: {  	_ =	shalt  }
0x58: {  	_ =	shalt  }
0x59: {  	_ =	shalt  }
0x5a: {  	_ =	shalt  }
0x5b: {  	_ =	shalt  }
0x5c: {  	_ =	shalt  }
0x5d: {  	_ =	shalt  }
0x5e: {  	_ =	shalt  }
0x5f: {  	_ =	shalt  }
0x60: {  	_ =	shalt  }
0x61: {  	_ =	shalt  }
0x62: {  	_ =	shalt  }
0x63: {  	_ =	shalt  }
0x64: {  	_ =	shalt  }
0x65: {  	_ =	shalt  }
0x66: {  	_ =	shalt  }
0x67: {  	_ =	shalt  }
0x68: {  	_ =	shalt  }
0x69: {  	_ =	shalt  }
0x6a: {  	_ =	shalt  }
0x6b: {  	_ =	shalt  }
0x6c: {  	_ =	shalt  }
0x6d: {  	_ =	shalt  }
0x6e: {  	_ =	shalt  }
0x6f: {  	_ =	shalt  }
0x70: {  	_ =	shalt  }
0x71: {  	_ =	shalt  }
0x72: {  	_ =	shalt  }
0x73: {  	_ =	shalt  }
0x74: {  	_ =	shalt  }
0x75: {  	_ =	shalt  }
0x76: {  	_ =	shalt  }
0x77: {  	_ =	shalt  }
0x78: {  	_ =	shalt  }
0x79: {  	_ =	shalt  }
0x7a: {  	_ =	shalt  }
0x7b: {  	_ =	shalt  }
0x7c: {  	_ =	shalt  }
0x7d: {  	_ =	shalt  }
0x7e: {  	_ =	shalt  }
0x7f: {  	_ =	shalt  }
0x80: {  	_ =	shalt  }
0x81: {  	_ =	shalt  }
0x82: {  	_ =	shalt  }
0x83: {  	_ =	shalt  }
0x84: {  	_ =	shalt  }
0x85: {  	_ =	shalt  }
0x86: {  	_ =	shalt  }
0x87: {  	_ =	shalt  }
.Lfunc_end0:
.L_simem_size_0:
called_computation_lowered:
.L_overlay_start_0:
0x88: {  	s2 =	sld [smem:$0x3FD9]  }
0x89: {  	s3 =	sld [smem:$0x3FFE];
	_ =	sdelay $0x1  }
0x8a: {  	s1 =	srdreg.scid  }
0x8b: {  	s0 =	sand.u32 $0x1, s1  }
0x8c: {  	s17 =	sshll.u32 s0, $0xA;
	s2 =	sadd.s32 s3, s2  }
0x8d: {  	s2 =	sadd.s32 s2, s17  }
0x8e: {  	[smem:$0x3FB5] =	sst s2  }
0x8f: {  	_ = 	snop  }
0x90: {  	s2 =	sld [smem:$0x3FC8]  }
0x91: {  	s18 =	sld [smem:$0x3FC6]  }
0x92: {  	s4 =	sld [smem:$0x3FC5]  }
0x93: {  	s5 =	sld [smem:$0x3FC4]  }
0x94: {  	s6 =	sld [smem:$0x3FC3]  }
0x95: {  	s7 =	sld [smem:$0x3FD0];
	(tm) =	ssettm $0x1  }
0x96: {  	s8 =	sld [smem:$0x3FFB];
	_ =	sdelay $0x3  }
0x97: {  	_ =	strace s8  }
0x98: {  	s8 =	sld [smem:$0x3FFC];
	_ =	sdelay $0x3  }
0x99: {  	_ =	strace s8  }
0x9a: {  	s8 =	sld [smem:$0x3FFD];
	_ =	sdelay $0x3  }
0x9b: {  	_ =	strace s8  }
0x9c: {  	_ =	strace $0x8FFFFFFF  }
0x9d: {  	s19 =	sld [smem:$0x3FDB];
	_ =	sdelay $0x1  }
0x9e: {  	s9 =	simm.s32 $_scs_section_size  }
0x9f: {  	s10 =	simm.s32 $_size__tile_overlayer_lowered;
	s11 =	simm.s32 $_tile_overlayer_lowered  }
0xa0: {  	s22 =	simm.s32 $0x1BFF;
	s21 =	sshll.u32 s11, $0x1;
	s8 =	sadd.s32 s9, s19  }
0xa1: {  	s12 =	simm.s32 $0x0;
	s20 =	sshll.u32 s10, $0x1;
	s10 =	sadd.s32 s21, s8  }
0xa2: {  	[timem:s12], [sflag:s22] =	dma.local [hbm:s10], s20  }
0xa3: {  	_ =	swait.ge [sflag:s22], s20  }
0xa4: {  	s9 =	ssub.s32 $0x0, s20;
	[sflag:s22] =	ssyncset.done $0x0  }
0xa5: {  	[sflag:s22] =	ssyncadd.s32 s9;
	_ =	sdelay $0x1  }
0xa6: {  	s23 =	simm.s32 $0x1B8B  }
0xa7: {  	_ =	swait.ge [sflag:s23], $0x1  }
0xa8: {  	[sflag:s23] =	ssyncset.done $0x0  }
0xa9: {  	s25 =	simm.s32 $0x1B8E;
	s24 =	sld [smem:$0x3FFE];
	[sflag:s23] =	ssyncadd.s32 $0xFFFFFFFF  }
0xaa: {  	s26 =	simm.s32 $execute0_lowered;
	[smem:$0x3FD2] =	sst s25  }
0xab: {  	s10 =	sshll.u32 s26, $0x1;
	_ =	strace $0x80000046;
	[dreg:$0x1] =	wrdreg $0xFFFFFFFF  }
0xac: {  	s28 =	simm.s32 $_size_execute0_lowered;
	s8 =	sadd.s32 s8, s10;
	[dreg:$0x0] =	wrdreg $0x0  }
0xad: {  	s10 =	sshll.u32 s28, $0x1;
	[dreg:$0x2] =	wrdreg s8  }
0xae: {  	[dreg:$0x3] =	wrdreg s10  }
0xaf: {  	[dreg:$0x4] =	wrdreg $0xC0  }
0xb0: {  	_ =	task [dreg:s12], $0x5FFFF  }
0xb1: {  	[dreg:$0x1] =	wrdreg $0xFFFFFFFF  }
0xb2: {  	[dreg:$0x0] =	wrdreg $0x60  }
0xb3: {  	[dreg:$0x2] =	wrdreg s24  }
0xb4: {  	[dreg:$0x3] =	wrdreg s7  }
0xb5: {  	[dreg:$0x4] =	wrdreg s2  }
0xb6: {  	[dreg:$0x5] =	wrdreg s18  }
0xb7: {  	[dreg:$0x6] =	wrdreg s4  }
0xb8: {  	[dreg:$0x7] =	wrdreg s5  }
0xb9: {  	[dreg:$0x8] =	wrdreg s6  }
0xba: {  	[dreg:$0x9] =	wrdreg $0x9  }
0xbb: {  	_ =	task.clear_ibuf [dreg:s12], $0xAFFFF;
	_ =	strace $0x90000046  }
0xbc: {  	s29 =	simm.s32 $0x9;
	_ =	strace $0x80000048  }
0xbd: {  	_ =	swait.ge [sflag:s29], $0x1  }
0xbe: {  	[sflag:s29] =	ssyncadd.s32 $0xFFFFFFFF  }
0xbf: {  	_ =	strace $0x90000048  }
0xc0: {  	_ =	sfence  }
0xc1: {  	s30 =	sld [smem:$0x0];
	_ =	sdelay $0x2  }
0xc2: {  	s31 =	sshll.u32 s1, $0xD;
	s1 =	sshrl.u32 s1, $0x2  }
0xc3: {  	s3 =	sand.u32 $0x4000, s31;
	s1 =	sadd.s32 s1, s30  }
0xc4: {  	s0 =	sor.u32 s3, s0;
	s1 =	sshll.u32 s1, $0x11  }
0xc5: {  	s0 =	sor.u32 s1, s0  }
0xc6: {  	s0 =	sadd.s32 $0x8F2B, s0  }
0xc7: {  	[sflag:s0] =	ssyncadd.remote.s32 $0x1  }
0xc8: {  	_ =	sfence.sel $0xFFFF  }
0xc9: {  	[dreg:$0x0] =	wrdreg $0xFFFFFFFF;
	(pc) =	sbr.abs _section_cstart, $3  }
0xca: {  	[dreg:$0x1] =	wrdreg $0xFFFFFFFF  }
0xcb: {  	_ =	task.clear_ibuf [dreg:s12], $0x2FFFF;
	_ =	strace $0x9FFFFFFF  }
0xcc: {  	(tm) =	ssettm $0x7FFFFFFF  }
0xcd: {  	_ =	shalt  }
tec
execute0_lowered:
.L_overlay_start_1:
0x0: {  	(tag) =	ssettag $0x1  }
0x1: {  	s0 =	rddreg [dreg:$0x0]  }
0x2: {  	s1 =	rddreg [dreg:$0x1]  }
0x3: {  	s3 =	rddreg [dreg:$0x2]  }
0x4: {  	s5 =	rddreg [dreg:$0x3]  }
0x5: {  	s6 =	rddreg [dreg:$0x4]  }
0x6: {  	s8 =	rddreg [dreg:$0x5]  }
0x7: {  	s9 =	rddreg [dreg:$0x6];
	s2 =	simm.s32 $0x0;
	s4 =	srdreg.scid  }
0x8: {  	s7 =	stileid.u32;
	s15 =	simm.s32 $0x12580;
	s28 =	simm.s32 $0x17980  }
0x9: {  	s29 =	simm.s32 $0x1A180;
	s30 =	simm.s32 $0x3;
	s31 =	simm.s32 $0x4  }
0xa: {  	[smem:$0x7FF] =	sst s2;
	s4 =	sand.u32 $0x1, s4;
	s7 =	sshll.u32 s7, $0x1  }
0xb: {  	s19 =	sadd.s32 $0xC00, s0;
	_ =	strace $0x80000047;
	s10 =	sor.u32 s4, s7  }
0xc: {  	[dreg:$0x8] =	wrdreg s19;
	s11 =	ssub.s32 $0x2, s4;
	s13 =	sshll.u32 s10, $0xA  }
0xd: {  	s4 =	sadd.s32 $0x2800, s0;
	s23 =	sshll.u32 s10, $0x4;
	s1 =	sadd.s32 s1, s13  }
0xe: {  	s20 =	sshll.u32 s10, $0x6;
	s3 =	sadd.s32 s3, s23;
	[dreg:$0x9] =	wrdreg s1  }
0xf: {  	s12 =	sshrl.u32 s11, $0x1;
	s24 =	sadd.s32 s5, s23;
	[dreg:$0xb] =	wrdreg s3  }
0x10: {  	s7 =	sadd.s32 s20, s0;
	s25 =	sadd.s32 s6, s23;
	[dreg:$0xc] =	wrdreg s24  }
0x11: {  	s21 =	ssub.s32 s11, s12;
	s26 =	sadd.s32 s8, s23;
	[dreg:$0xd] =	wrdreg s25  }
0x12: {  	s22 =	sadd.s32 $0x400, s7;
	s7 =	sshll.u32 s10, $0x7;
	[dreg:$0xe] =	wrdreg s26  }
0x13: {  	v0 =	vlaneseq.u32;
	s1 =	sadd.s32 s9, s23;
	s0 =	smax.u32 s21, $0x1;
	[dreg:$0xa] =	wrdreg s22  }
0x14: {  	v5 =	vimm.s32 $0x1301BC;
	v1 =	vadd.s32 $0x14, v0;
	s23 =	simm.s32 $0xE000;
	s24 =	simm.s32 $0x1;
	[dreg:$0xf] =	wrdreg s1  }
0x15: {  	v2 =	vadd.s32 $0x24, v0;
	v3 =	vadd.s32 $0x34, v0;
	v4 =	vadd.s32 $0x44, v0;
	[dreg:$0x10] =	wrdreg s0;
	s22 =	simm.s32 $0x2;
	s1 =	simm.s32 $0x0  }
.LBB2_1:
0x16: {  	[dreg:$0x11] =	wrdreg s1  }
0x17: {  	s0 =	rddreg [dreg:$0x8]  }
0x18: {  	[tilespmem:s2], [sflag:$0x1] =	stream.linear.gather [hbm4b:s0+s2], $0xE000, $0x38;
	[tilespmem:$0x1C980] =	vst v63  }
0x19: {  	s1 =	rddreg [dreg:$0x9];
	s3 =	simm.s32 $0x10500  }
0x1a: {  	[tilespmem:s3], [sflag:$0x2] =	stream.linear.gather [hbm4b:s1+s2], $0x2000, $0x38;
	[tilespmem:$0x1C980] =	vst v63  }
0x1b: {  	s5 =	rddreg [dreg:$0xa];
	s6 =	simm.s32 $0x5  }
0x1c: {  	[tilespmem:s15], [sflag:$0x5] =	stream.linear.gather [hbm4b:s5+s2], $0x200, $0x38;
	[tilespmem:$0x1C980] =	vst v63  }
0x1d: {  	_ =	swait.ge [sflag:s6], $0x200  }
0x1e: {  	[sflag:s6] =	ssyncset.done $0x0  }
0x1f: {  	s3 =	simm.s32 $0x12500;
	s8 =	rddreg [dreg:$0xb];
	[sflag:s6] =	ssyncadd.s32 $0xFFFFFE00  }
0x20: {  	[tilespmem:s3], [sflag:$0x5] =	stream.linear.gather [hbm4b:s8+s2], $0x80, $0x38;
	[tilespmem:$0x1C980] =	vst v63  }
0x21: {  	_ =	swait.ge [sflag:s6], $0x80  }
0x22: {  	[sflag:s6] =	ssyncset.done $0x0  }
0x23: {  	s10 =	simm.s32 $0x12780;
	s9 =	rddreg [dreg:$0xc];
	[sflag:s6] =	ssyncadd.s32 $0xFFFFFF80  }
0x24: {  	[tilespmem:s10], [sflag:$0x5] =	stream.linear.gather [hbm4b:s9+s2], $0x80, $0x38;
	[tilespmem:$0x1C980] =	vst v63  }
0x25: {  	_ =	swait.ge [sflag:s6], $0x80  }
0x26: {  	[sflag:s6] =	ssyncset.done $0x0  }
0x27: {  	s12 =	simm.s32 $0x12800;
	s11 =	rddreg [dreg:$0xd];
	[sflag:s6] =	ssyncadd.s32 $0xFFFFFF80  }
0x28: {  	[tilespmem:s12], [sflag:$0x5] =	stream.linear.gather [hbm4b:s11+s2], $0x80, $0x38;
	[tilespmem:$0x1C980] =	vst v63  }
0x29: {  	_ =	swait.ge [sflag:s6], $0x80  }
0x2a: {  	[sflag:s6] =	ssyncset.done $0x0  }
0x2b: {  	s14 =	simm.s32 $0x12900;
	s13 =	rddreg [dreg:$0xe];
	[sflag:s6] =	ssyncadd.s32 $0xFFFFFF80  }
0x2c: {  	[tilespmem:s14], [sflag:$0x5] =	stream.linear.gather [hbm4b:s13+s2], $0x80, $0x38;
	[tilespmem:$0x1C980] =	vst v63  }
0x2d: {  	_ =	swait.ge [sflag:s6], $0x80  }
0x2e: {  	[sflag:s6] =	ssyncset.done $0x0  }
0x2f: {  	s17 =	simm.s32 $0x12880;
	s16 =	rddreg [dreg:$0xf];
	[sflag:s6] =	ssyncadd.s32 $0xFFFFFF80  }
0x30: {  	[tilespmem:s17], [sflag:$0x5] =	stream.linear.gather [hbm4b:s16+s2], $0x80, $0x38;
	[tilespmem:$0x1C980] =	vst v63  }
0x31: {  	_ =	swait.ge [sflag:s6], $0x80  }
0x32: {  	[sflag:s6] =	ssyncset.done $0x0  }
0x33: {  	[sflag:s6] =	ssyncadd.s32 $0xFFFFFF80  }
0x34: {  	_ =	swait.ge [sflag:s22], $0x2000  }
0x35: {  	[sflag:s22] =	ssyncset.done $0x0  }
0x36: {  	s9 =	simm.s32 $0x10580;
	[sflag:s22] =	ssyncadd.s32 $0xFFFFE000  }
0x37: {  	v6 =	vld [tilespmem:s9+$0x40];
	_ =	sdelay $0x3  }
0x38: {  	v7 =	vld [tilespmem:s9+$0xFFFFFF80]  }
0x39: {  	v8 =	vld [tilespmem:s9+$0xFFFFFFC0];
	v6 =	vshll.u32 v6, $0x10  }
0x3a: {  	s1 =	simm.s32 $0xE092;
	s8 =	simm.s32 $0xC0;
	v9 =	vld [tilespmem:s9+$0x0];
	v6 =	vor.u32 v1, v6  }
0x3b: {  	s18 =	sor.u32 $0x50, s8;
	[tilespmem:s1+$0x49] =	vst v6  }
0x3c: {  	v6 =	vld [tilespmem:s18+$0x10500]  }
0x3d: {  	v7 =	vshll.u32 v7, $0x10  }
0x3e: {  	v8 =	vshll.u32 v8, $0x10;
	v7 =	vor.u32 v1, v7  }
0x3f: {  	s19 =	simm.s32 $0x40;
	v9 =	vshll.u32 v9, $0x10;
	v8 =	vor.u32 v1, v8;
	[tilespmem:s1+$0xFFFFFF6E] =	vst v7  }
0x40: {  	s20 =	sor.u32 $0x50, s19;
	[tilespmem:s1+$0xFFFFFFB7] =	vst v8;
	v7 =	vor.u32 v1, v9;
	v8 =	vld [tilespmem:s9+$0xFFFFFF90]  }
0x41: {  	v9 =	vld [tilespmem:s20+$0x10500];
	[tilespmem:s1+$0x0] =	vst v7;
	v6 =	vshll.u32 v6, $0x10  }
0x42: {  	s5 =	simm.s32 $0x10680;
	v7 =	vld [tilespmem:s9+$0x10];
	v6 =	vor.u32 v2, v6  }
0x43: {  	s21 =	sor.u32 $0x60, s8;
	[tilespmem:s1+$0x59] =	vst v6;
	v6 =	vld [tilespmem:s5+$0x40]  }
0x44: {  	v10 =	vld [tilespmem:s21+$0x10500]  }
0x45: {  	v11 =	vld [tilespmem:s5+$0xFFFFFFC0];
	v8 =	vshll.u32 v8, $0x10  }
0x46: {  	v12 =	vld [tilespmem:s5+$0x0];
	v9 =	vshll.u32 v9, $0x10;
	v8 =	vor.u32 v2, v8  }
0x47: {  	v9 =	vor.u32 v2, v9;
	v7 =	vshll.u32 v7, $0x10;
	[tilespmem:s1+$0xFFFFFF7E] =	vst v8;
	v8 =	vld [tilespmem:s5+$0xFFFFFF80]  }
0x48: {  	s25 =	sor.u32 $0x60, s19;
	[tilespmem:s1+$0xFFFFFFC7] =	vst v9;
	v7 =	vor.u32 v2, v7;
	v9 =	vld [tilespmem:s9+$0xFFFFFFA0];
	v6 =	vshll.u32 v6, $0x10  }
0x49: {  	s3 =	simm.s32 $0xE1B6;
	s6 =	simm.s32 $0x1C0;
	[tilespmem:s1+$0x10] =	vst v7;
	v7 =	vld [tilespmem:s25+$0x10500];
	v6 =	vor.u32 v1, v6;
	v10 =	vshll.u32 v10, $0x10  }
0x4a: {  	s10 =	sor.u32 $0x50, s6;
	v11 =	vshll.u32 v11, $0x10;
	[tilespmem:s3+$0x49] =	vst v6;
	v6 =	vld [tilespmem:s9+$0x20];
	v10 =	vor.u32 v3, v10  }
0x4b: {  	s8 =	sor.u32 $0x70, s8;
	s11 =	simm.s32 $0x140;
	v12 =	vshll.u32 v12, $0x10;
	v11 =	vor.u32 v1, v11;
	v13 =	vld [tilespmem:s10+$0x10500];
	[tilespmem:s1+$0x69] =	vst v10  }
0x4c: {  	s26 =	sor.u32 $0x50, s11;
	[tilespmem:s3+$0xFFFFFFB7] =	vst v11;
	v8 =	vshll.u32 v8, $0x10;
	v10 =	vor.u32 v1, v12;
	v11 =	vld [tilespmem:s8+$0x10500]  }
0x4d: {  	v8 =	vor.u32 v1, v8;
	v12 =	vld [tilespmem:s26+$0x10500];
	[tilespmem:s3+$0x0] =	vst v10;
	v10 =	vshll.u32 v9, $0x10  }
0x4e: {  	v7 =	vshll.u32 v7, $0x10;
	[tilespmem:s3+$0xFFFFFF6E] =	vst v8;
	v9 =	vld [tilespmem:s5+$0x10];
	v8 =	vor.u32 v3, v10  }
0x4f: {  	v7 =	vor.u32 v3, v7;
	v10 =	vld [tilespmem:s5+$0xFFFFFF90];
	[tilespmem:s1+$0xFFFFFF8E] =	vst v8;
	v8 =	vshll.u32 v6, $0x10  }
0x50: {  	s0 =	sor.u32 $0x70, s19;
	[tilespmem:s1+$0xFFFFFFD7] =	vst v7;
	v6 =	vld [tilespmem:s9+$0xFFFFFFB0];
	v13 =	vshll.u32 v13, $0x10;
	v8 =	vor.u32 v3, v8  }
0x51: {  	s10 =	sor.u32 $0x60, s11;
	s8 =	simm.s32 $0x4;
	v7 =	vld [tilespmem:s0+$0x10500];
	v13 =	vor.u32 v2, v13;
	[tilespmem:s1+$0x20] =	vst v8;
	v11 =	vshll.u32 v11, $0x10  }
0x52: {  	s0 =	sor.u32 $0x70, s11;
	s11 =	simm.s32 $0x10780;
	v12 =	vshll.u32 v12, $0x10;
	[tilespmem:s3+$0x59] =	vst v13;
	v8 =	vld [tilespmem:s9+$0x30];
	v11 =	vor.u32 v4, v11;
	s9 =	simm.s32 $0x1C0  }
.LBB2_2:
0x53: {  	v13 =	vld [tilespmem:s11+$0x40];
	v12 =	vor.u32 v2, v12;
	v9 =	vshll.u32 v9, $0x10;
	s12 =	sor.u32 $0x60, s6;
	[tilespmem:s1+$0x79] =	vst v11  }
0x54: {  	s8 =	sadd.s32 $0x4, s8;
	s13 =	smov.u32 s0;
	v10 =	vshll.u32 v10, $0x10;
	[tilespmem:s3+$0xFFFFFFC7] =	vst v12;
	v9 =	vor.u32 v2, v9;
	v11 =	vld [tilespmem:s12+$0x10500];
	s12 =	smov.u32 s5  }
0x55: {  	p0 =	slt.u32 s8, $0x7C;
	s5 =	smov.u32 s11;
	v12 =	vld [tilespmem:s11+$0xFFFFFFC0];
	v10 =	vor.u32 v2, v10;
	[tilespmem:s3+$0x10] =	vst v9;
	v6 =	vshll.u32 v6, $0x10  }
0x56: {  	v9 =	vld [tilespmem:s11+$0x0];
	[tilespmem:s3+$0xFFFFFF7E] =	vst v10;
	v6 =	vor.u32 v4, v6;
	v7 =	vshll.u32 v7, $0x10  }
0x57: {  	v10 =	vld [tilespmem:s11+$0xFFFFFF80];
	[tilespmem:s1+$0xFFFFFF9E] =	vst v6;
	v6 =	vor.u32 v4, v7;
	v7 =	vshll.u32 v8, $0x10  }
0x58: {  	v8 =	vshll.u32 v13, $0x10;
	v13 =	vld [tilespmem:s12+$0xFFFFFFA0];
	[tilespmem:s1+$0xFFFFFFE7] =	vst v6;
	v6 =	vor.u32 v4, v7  }
0x59: {  	s6 =	sadd.s32 $0x100, s6;
	v7 =	vor.u32 v1, v8;
	v8 =	vld [tilespmem:s10+$0x10500];
	v11 =	vshll.u32 v11, $0x10;
	[tilespmem:s1+$0x30] =	vst v6;
	s1 =	smov.u32 s3;
	s3 =	sadd.s32 $0x124, s3  }
0x5a: {  	s0 =	sadd.s32 $0xFFFFFF80, s6;
	s14 =	sor.u32 $0x50, s6;
	v6 =	vshll.u32 v12, $0x10;
	[tilespmem:s3+$0x49] =	vst v7;
	v7 =	vld [tilespmem:s12+$0x20];
	v11 =	vor.u32 v3, v11  }
0x5b: {  	s9 =	sor.u32 $0x70, s9;
	s17 =	sor.u32 $0x50, s0;
	s10 =	sor.u32 $0x60, s0;
	v6 =	vor.u32 v1, v6;
	v9 =	vshll.u32 v9, $0x10;
	v12 =	vld [tilespmem:s14+$0x10500];
	[tilespmem:s1+$0x69] =	vst v11  }
0x5c: {  	s0 =	sor.u32 $0x70, s0;
	v10 =	vshll.u32 v10, $0x10;
	[tilespmem:s3+$0xFFFFFFB7] =	vst v6;
	v6 =	vor.u32 v1, v9;
	v11 =	vld [tilespmem:s9+$0x10500];
	s9 =	smov.u32 s6  }
0x5d: {  	v9 =	vor.u32 v1, v10;
	v14 =	vld [tilespmem:s17+$0x10500];
	[tilespmem:s3+$0x0] =	vst v6;
	v6 =	vshll.u32 v13, $0x10  }
.Ltmp0:
0x5e: {  	[tilespmem:s3+$0xFFFFFF6E] =	vst v9;
	v9 =	vld [tilespmem:s11+$0x10];
	v6 =	vor.u32 v3, v6;
	v8 =	vshll.u32 v8, $0x10;
	(pc) =	sbr.rel @p0 .LBB2_2-.Ltmp0, $4  }
0x5f: {  	v10 =	vld [tilespmem:s11+$0xFFFFFF90];
	[tilespmem:s1+$0xFFFFFF8E] =	vst v6;
	v8 =	vor.u32 v3, v8;
	v7 =	vshll.u32 v7, $0x10  }
0x60: {  	v12 =	vshll.u32 v12, $0x10;
	v6 =	vld [tilespmem:s12+$0xFFFFFFB0];
	[tilespmem:s1+$0xFFFFFFD7] =	vst v8;
	v8 =	vor.u32 v3, v7  }
0x61: {  	v13 =	vor.u32 v2, v12;
	v7 =	vld [tilespmem:s13+$0x10500];
	[tilespmem:s1+$0x20] =	vst v8;
	v11 =	vshll.u32 v11, $0x10  }
0x62: {  	s11 =	sadd.s32 $0x100, s11;
	v12 =	vshll.u32 v14, $0x10;
	[tilespmem:s3+$0x59] =	vst v13;
	v8 =	vld [tilespmem:s12+$0x30];
	v11 =	vor.u32 v4, v11  }
0x63: {  	_ = 	snop  }
0x64: {  	v10 =	vshll.u32 v10, $0x10  }
0x65: {  	s6 =	sor.u32 $0x60, s6;
	v10 =	vor.u32 v2, v10  }
0x66: {  	v12 =	vor.u32 v2, v12;
	v9 =	vshll.u32 v9, $0x10;
	v13 =	vld [tilespmem:s6+$0x10500];
	[tilespmem:s3+$0xFFFFFF7E] =	vst v10  }
0x67: {  	[tilespmem:s3+$0xFFFFFFC7] =	vst v12;
	v9 =	vor.u32 v2, v9;
	v10 =	vld [tilespmem:s5+$0xFFFFFFA0]  }
0x68: {  	[tilespmem:s3+$0x10] =	vst v9;
	v9 =	vld [tilespmem:s10+$0x10500]  }
0x69: {  	v12 =	vld [tilespmem:s5+$0x20];
	_ =	sdelay $0x1  }
0x6a: {  	v13 =	vshll.u32 v13, $0x10  }
0x6b: {  	v13 =	vor.u32 v3, v13;
	v10 =	vshll.u32 v10, $0x10  }
0x6c: {  	s11 =	sor.u32 $0x70, s9;
	v9 =	vshll.u32 v9, $0x10;
	[tilespmem:s3+$0x69] =	vst v13;
	v10 =	vor.u32 v3, v10  }
0x6d: {  	v9 =	vor.u32 v3, v9;
	v13 =	vld [tilespmem:s11+$0x10500];
	[tilespmem:s3+$0xFFFFFF8E] =	vst v10;
	v10 =	vshll.u32 v12, $0x10  }
0x6e: {  	[tilespmem:s3+$0xFFFFFFD7] =	vst v9;
	v12 =	vld [tilespmem:s5+$0xFFFFFFB0];
	v9 =	vor.u32 v3, v10  }
0x6f: {  	v6 =	vshll.u32 v6, $0x10;
	v10 =	vld [tilespmem:s0+$0x10500];
	[tilespmem:s3+$0x20] =	vst v9  }
0x70: {  	[tilespmem:s1+$0x79] =	vst v11;
	v6 =	vor.u32 v4, v6;
	v7 =	vshll.u32 v7, $0x10;
	v9 =	vld [tilespmem:s5+$0x30]  }
0x71: {  	[tilespmem:s1+$0xFFFFFF9E] =	vst v6;
	v6 =	vor.u32 v4, v7;
	v7 =	vshll.u32 v8, $0x10  }
0x72: {  	[tilespmem:s1+$0xFFFFFFE7] =	vst v6;
	v6 =	vor.u32 v4, v7;
	v7 =	vshll.u32 v13, $0x10  }
0x73: {  	[tilespmem:s1+$0x30] =	vst v6;
	v6 =	vor.u32 v4, v7;
	v7 =	vshll.u32 v12, $0x10  }
0x74: {  	[tilespmem:s3+$0x79] =	vst v6;
	v6 =	vor.u32 v4, v7;
	v7 =	vshll.u32 v10, $0x10  }
0x75: {  	[tilespmem:s3+$0xFFFFFF9E] =	vst v6;
	v6 =	vor.u32 v4, v7;
	v7 =	vshll.u32 v9, $0x10  }
0x76: {  	s12 =	simm.s32 $0x10;
	[tilespmem:s3+$0xFFFFFFE7] =	vst v6;
	v6 =	vor.u32 v4, v7  }
0x77: {  	s13 =	simm.s32 $0x12510;
	[tilespmem:s3+$0x30] =	vst v6;
	v6 =	vor.u32 s12, v0  }
0x78: {  	v14 =	vmul.u32 $0x49, v6;
	v7 =	vld [tilespmem:s13+$0x0];
	_ =	sdelay $0x1  }
0x79: {  	v8 =	vadd.s32 $0x40, v14  }
0x7a: {  	v9 =	vshll.u32 v6, $0x2  }
0x7b: {  	s14 =	simm.s32 $0x0  }
0x7c: {  	v6 =	vor.u32 s14, v0;
	v7 =	vshll.u32 v7, $0x10  }
0x7d: {  	v10 =	vld [tilespmem:s13+$0xFFFFFFF0];
	v15 =	vmul.u32 $0x49, v6;
	v7 =	vadd.s32 $0xD01BC, v7  }
0x7e: {  	[tilespmem:v8+s23+$0x0] =	vst.idx.msk $0xffff, v7  }
0x7f: {  	v7 =	vadd.s32 $0x40, v15;
	v8 =	vld.idx.msk [tilespmem:v9+s15+$0x0], $0xffff  }
0x80: {  	v11 =	vshll.u32 v6, $0x2  }
0x81: {  	v6 =	vadd.s32 $0x41, v14  }
0x82: {  	v12 =	vor.u32 $0x1, v9;
	v10 =	vshll.u32 v10, $0x10  }
0x83: {  	v10 =	vadd.s32 $0xD01BC, v10  }
0x84: {  	[tilespmem:v7+s23+$0x0] =	vst.idx.msk $0xffff, v10;
	vm0 =	vgt.s32 v8, $0x0  }
0x85: {  	v7 =	vld.idx.msk [tilespmem:v11+s15+$0x0], $0xffff;
	v8 =	vsel vm0, $0xF01BC, v5  }
0x86: {  	[tilespmem:v6+s23+$0x0] =	vst.idx.msk $0xffff, v8  }
0x87: {  	v6 =	vadd.s32 $0x41, v15;
	v8 =	vld.idx.msk [tilespmem:v12+s15+$0x0], $0xffff  }
0x88: {  	v10 =	vor.u32 $0x1, v11  }
0x89: {  	v12 =	vadd.s32 $0x42, v14  }
0x8a: {  	s16 =	simm.s32 $0x30;
	vm0 =	vgt.s32 v7, $0x0;
	v7 =	vor.u32 $0x2, v9  }
0x8b: {  	s17 =	simm.s32 $0x12530;
	v16 =	vor.u32 s16, v0;
	v13 =	vsel vm0, $0xF01BC, v5  }
0x8c: {  	[tilespmem:v6+s23+$0x0] =	vst.idx.msk $0xffff, v13;
	v6 =	vmul.u32 $0x49, v16;
	vm0 =	vgt.s32 v8, $0x0;
	v8 =	vld [tilespmem:s17+$0x0]  }
0x8d: {  	v10 =	vld.idx.msk [tilespmem:v10+s15+$0x0], $0xffff;
	v13 =	vsel vm0, $0x1001BC, v5  }
0x8e: {  	[tilespmem:v12+s23+$0x0] =	vst.idx.msk $0xffff, v13;
	v12 =	vadd.s32 $0x40, v6  }
0x8f: {  	v16 =	vshll.u32 v16, $0x2;
	v13 =	vadd.s32 $0x42, v15;
	v7 =	vld.idx.msk [tilespmem:v7+s15+$0x0], $0xffff  }
0x90: {  	v17 =	vor.u32 $0x2, v11  }
0x91: {  	v18 =	vadd.s32 $0x43, v14;
	v8 =	vshll.u32 v8, $0x10  }
0x92: {  	v9 =	vor.u32 $0x3, v9;
	vm0 =	vgt.s32 v10, $0x0;
	v8 =	vadd.s32 $0xD01BC, v8  }
0x93: {  	[tilespmem:v12+s23+$0x0] =	vst.idx.msk $0xffff, v8;
	v8 =	vsel vm0, $0x1001BC, v5  }
0x94: {  	vm0 =	vgt.s32 v7, $0x0;
	v10 =	vld.idx.msk [tilespmem:v16+s15+$0x0], $0xffff;
	[tilespmem:v13+s23+$0x0] =	vst.idx.msk $0xffff, v8  }
0x95: {  	v7 =	vsel vm0, $0x1101BC, v5;
	v8 =	vld.idx.msk [tilespmem:v17+s15+$0x0], $0xffff  }
0x96: {  	s18 =	simm.s32 $0x20;
	v12 =	vadd.s32 $0x41, v6;
	[tilespmem:v18+s23+$0x0] =	vst.idx.msk $0xffff, v7  }
0x97: {  	v13 =	vor.u32 s18, v0;
	v17 =	vor.u32 $0x1, v16;
	v18 =	vadd.s32 $0x43, v15;
	v9 =	vld.idx.msk [tilespmem:v9+s15+$0x0], $0xffff  }
0x98: {  	v19 =	vld [tilespmem:s17+$0xFFFFFFF0];
	v11 =	vor.u32 $0x3, v11;
	v7 =	vmul.u32 $0x49, v13  }
0x99: {  	v20 =	vadd.s32 $0x44, v14;
	vm0 =	vgt.s32 v10, $0x0  }
0x9a: {  	v10 =	vadd.s32 $0x40, v7;
	v21 =	vsel vm0, $0xF01BC, v5;
	vm0 =	vgt.s32 v8, $0x0  }
0x9b: {  	v22 =	vshll.u32 v13, $0x2;
	[tilespmem:v12+s23+$0x0] =	vst.idx.msk $0xffff, v21;
	v8 =	vsel vm0, $0x1101BC, v5  }
0x9c: {  	vm0 =	vgt.s32 v9, $0x0;
	v9 =	vld.idx.msk [tilespmem:v17+s15+$0x0], $0xffff;
	[tilespmem:v18+s23+$0x0] =	vst.idx.msk $0xffff, v8  }
0x9d: {  	v8 =	vshll.u32 v19, $0x10;
	v12 =	vsel vm0, $0x1201BC, v5;
	v11 =	vld.idx.msk [tilespmem:v11+s15+$0x0], $0xffff  }
0x9e: {  	s19 =	simm.s32 $0x12790;
	v8 =	vadd.s32 $0xD01BC, v8;
	[tilespmem:v20+s23+$0x0] =	vst.idx.msk $0xffff, v12;
	v12 =	vadd.s32 $0x42, v6  }
0x9f: {  	v13 =	vadd.s32 $0x44, v15;
	[tilespmem:v10+s23+$0x0] =	vst.idx.msk $0xffff, v8;
	v10 =	vor.u32 $0x2, v16;
	v8 =	vld [tilespmem:s19+$0x0]  }
0xa0: {  	v17 =	vld.idx.msk [tilespmem:v22+s15+$0x0], $0xffff  }
0xa1: {  	vm0 =	vgt.s32 v9, $0x0  }
0xa2: {  	s1 =	simm.s32 $0x12550;
	v9 =	vadd.s32 $0x41, v7;
	v18 =	vsel vm0, $0x1001BC, v5;
	vm0 =	vgt.s32 v11, $0x0  }
0xa3: {  	v19 =	vadd.s32 $0x45, v14;
	v20 =	vld [tilespmem:s1+$0x0];
	v11 =	vor.u32 $0x1, v22;
	[tilespmem:v12+s23+$0x0] =	vst.idx.msk $0xffff, v18;
	v12 =	vsel vm0, $0x1201BC, v5  }
0xa4: {  	s20 =	simm.s32 $0x50;
	vm0 =	vlt.s32 v8, $0x40;
	v10 =	vld.idx.msk [tilespmem:v10+s15+$0x0], $0xffff;
	[tilespmem:v13+s23+$0x0] =	vst.idx.msk $0xffff, v12  }
0xa5: {  	vm1 =	vgt.s32 v17, $0x0;
	v12 =	vor.u32 s20, v0;
	v8 =	vnsel vm0, $0x40, v8;
	v13 =	vld [tilespmem:s19+$0xFFFFFFF0]  }
0xa6: {  	v17 =	vsel vm1, $0xF01BC, v5;
	v18 =	vshll.u32 v8, $0x10;
	v8 =	vmul.u32 $0x49, v12  }
0xa7: {  	s25 =	simm.s32 $0x40;
	[tilespmem:v9+s23+$0x0] =	vst.idx.msk $0xffff, v17;
	v17 =	vadd.s32 $0x43, v6;
	v9 =	vadd.s32 $0x1401BC, v18  }
0xa8: {  	s21 =	simm.s32 $0x12810;
	v23 =	vor.u32 s25, v0;
	v16 =	vor.u32 $0x3, v16;
	v11 =	vld.idx.msk [tilespmem:v11+s15+$0x0], $0xffff;
	[tilespmem:v19+s23+$0x0] =	vst.idx.msk $0xffff, v9;
	v19 =	vadd.s32 $0x40, v8  }
0xa9: {  	v21 =	vadd.s32 $0x42, v7;
	v12 =	vshll.u32 v12, $0x2;
	v18 =	vadd.s32 $0x45, v15;
	v24 =	vld [tilespmem:s21+$0x0]  }
0xaa: {  	v20 =	vshll.u32 v20, $0x10;
	vm1 =	vgt.s32 v10, $0x0;
	vm0 =	vlt.s32 v13, $0x40  }
0xab: {  	v9 =	vmul.u32 $0x49, v23;
	v10 =	vld [tilespmem:s1+$0xFFFFFFF0];
	v25 =	vsel vm1, $0x1101BC, v5;
	v13 =	vnsel vm0, $0x40, v13  }
0xac: {  	v26 =	vor.u32 $0x2, v22;
	v20 =	vadd.s32 $0xD01BC, v20;
	[tilespmem:v17+s23+$0x0] =	vst.idx.msk $0xffff, v25;
	v13 =	vshll.u32 v13, $0x10  }
0xad: {  	v57 =	vadd.s32 $0x40, v9;
	v17 =	vadd.s32 $0x46, v14;
	v16 =	vld.idx.msk [tilespmem:v16+s15+$0x0], $0xffff;
	[tilespmem:v19+s23+$0x0] =	vst.idx.msk $0xffff, v20;
	v19 =	vadd.s32 $0x1401BC, v13  }
0xae: {  	vm0 =	vgt.s32 v11, $0x0;
	v13 =	vshll.u32 v23, $0x2;
	v11 =	vld.idx.msk [tilespmem:v12+s15+$0x0], $0xffff;
	[tilespmem:v18+s23+$0x0] =	vst.idx.msk $0xffff, v19;
	vm1 =	vgt.s32 v24, $0x0  }
0xaf: {  	v18 =	vsel vm0, $0x1001BC, v5;
	v19 =	vld [tilespmem:s21+$0xFFFFFFF0];
	v20 =	vnsel vm1, $0x0, v24  }
0xb0: {  	v58 =	vadd.s32 $0x44, v6;
	v10 =	vshll.u32 v10, $0x10;
	[tilespmem:v21+s23+$0x0] =	vst.idx.msk $0xffff, v18;
	v18 =	vmin.u32 v20, $0x63  }
0xb1: {  	v10 =	vadd.s32 $0xD01BC, v10;
	v21 =	vadd.s32 $0x41, v8;
	v20 =	vld.idx.msk [tilespmem:v26+s15+$0x0], $0xffff;
	v18 =	vshll.u32 v18, $0x10  }
0xb2: {  	v59 =	vadd.s32 $0x43, v7;
	[tilespmem:v57+s23+$0x0] =	vst.idx.msk $0xffff, v10;
	v10 =	vor.u32 $0x1, v12;
	v18 =	vadd.s32 $0x5501BC, v18  }
0xb3: {  	s26 =	simm.s32 $0x12910;
	v63 =	vadd.s32 $0x44, v7;
	v22 =	vor.u32 $0x3, v22;
	v23 =	vadd.s32 $0x46, v15;
	v25 =	vld.idx.msk [tilespmem:v13+s15+$0x0], $0xffff;
	[tilespmem:v17+s23+$0x0] =	vst.idx.msk $0xffff, v18  }
0xb4: {  	vm0 =	vgt.s32 v16, $0x0;
	vm1 =	vgt.s32 v11, $0x0;
	vm2 =	vgt.s32 v19, $0x0;
	v18 =	vld [tilespmem:s26+$0x0]  }
0xb5: {  	v17 =	vadd.s32 $0x41, v9;
	v11 =	vsel vm1, $0xF01BC, v5;
	v16 =	vnsel vm2, $0x0, v19  }
0xb6: {  	[tilespmem:v21+s23+$0x0] =	vst.idx.msk $0xffff, v11;
	vm1 =	vgt.s32 v20, $0x0;
	v11 =	vsel vm0, $0x1201BC, v5;
	v16 =	vmin.u32 v16, $0x63  }
0xb7: {  	s17 =	simm.s32 $0x127B0;
	v27 =	vor.u32 $0x1, v13;
	v19 =	vld.idx.msk [tilespmem:v10+s15+$0x0], $0xffff;
	v20 =	vsel vm1, $0x1101BC, v5;
	[tilespmem:v58+s23+$0x0] =	vst.idx.msk $0xffff, v11;
	v11 =	vshll.u32 v16, $0x10  }
0xb8: {  	v60 =	vadd.s32 $0x42, v8;
	vm0 =	vgt.s32 v25, $0x0;
	[tilespmem:v59+s23+$0x0] =	vst.idx.msk $0xffff, v20;
	v20 =	vld [tilespmem:s17+$0x0];
	v16 =	vadd.s32 $0x5501BC, v11  }
0xb9: {  	v21 =	vsel vm0, $0xF01BC, v5;
	v22 =	vld.idx.msk [tilespmem:v22+s15+$0x0], $0xffff;
	[tilespmem:v23+s23+$0x0] =	vst.idx.msk $0xffff, v16;
	vm0 =	vgt.s32 v18, $0x1;
	v23 =	vadd.s32 $0x47, v14  }
0xba: {  	v10 =	vadd.s32 $0x48, v15;
	v16 =	vadd.s32 $0x47, v15;
	v61 =	vld [tilespmem:s26+$0xFFFFFFF0];
	v15 =	vnsel vm0, $0x1, v18  }
0xbb: {  	v11 =	vadd.s32 $0x48, v14;
	[tilespmem:v17+s23+$0x0] =	vst.idx.msk $0xffff, v21;
	v14 =	vadd.s32 $0x46, v7;
	v17 =	vmin.u32 v15, $0x100  }
0xbc: {  	v18 =	vor.u32 $0x2, v12;
	v62 =	vld.idx.msk [tilespmem:v27+s15+$0x0], $0xffff;
	v15 =	vadd.s32 $0x46, v6;
	v17 =	vshll.u32 v17, $0x10  }
0xbd: {  	vm0 =	vgt.s32 v19, $0x0;
	vm1 =	vlt.s32 v20, $0x40;
	v17 =	vadd.s32 $0xB801BC, v17  }
0xbe: {  	s5 =	simm.s32 $0x12890;
	v19 =	vadd.s32 $0x45, v6;
	v21 =	vsel vm0, $0x1001BC, v5;
	v20 =	vnsel vm1, $0x40, v20;
	[tilespmem:v23+s23+$0x0] =	vst.idx.msk $0xffff, v17  }
0xbf: {  	vm0 =	vgt.s32 v22, $0x0;
	v20 =	vshll.u32 v20, $0x10;
	vm1 =	vgt.s32 v61, $0x1;
	v17 =	vld [tilespmem:s5+$0x0]  }
0xc0: {  	s8 =	simm.s32 $0x4;
	s9 =	simm.s32 $0x60;
	[tilespmem:v60+s23+$0x0] =	vst.idx.msk $0xffff, v21;
	v23 =	vsel vm0, $0x1201BC, v5;
	v21 =	vadd.s32 $0x1401BC, v20;
	v20 =	vnsel vm1, $0x1, v61  }
0xc1: {  	s6 =	simm.s32 $0x12830;
	s3 =	simm.s32 $0x128B0;
	s14 =	simm.s32 $0x12930;
	v22 =	vld.idx.msk [tilespmem:v18+s15+$0x0], $0xffff;
	vm0 =	vgt.s32 v62, $0x0;
	[tilespmem:v63+s23+$0x0] =	vst.idx.msk $0xffff, v23;
	v18 =	vadd.s32 $0x45, v7;
	v20 =	vmin.u32 v20, $0x100  }
.LBB2_4:
0xc2: {  	s0 =	sadd.s32 $0x10, s9;
	s8 =	sadd.s32 $0x2, s8;
	v23 =	vadd.s32 $0x42, v9;
	v24 =	vor.u32 $0x2, v13;
	s1 =	sadd.s32 $0x20, s1;
	v25 =	vld [tilespmem:s17+$0xFFFFFFF0];
	v20 =	vshll.u32 v20, $0x10  }
0xc3: {  	v28 =	vor.u32 $0x3, v12;
	v26 =	vld [tilespmem:s1+$0xFFFFFFF0];
	v27 =	vor.u32 s0, v0;
	p0 =	slt.u32 s8, $0x6;
	v12 =	vadd.s32 $0xB801BC, v20  }
0xc4: {  	v20 =	vor.u32 s9, v0;
	v29 =	vmul.u32 $0x49, v27;
	v30 =	vld [tilespmem:s1+$0x0];
	[tilespmem:v16+s23+$0x0] =	vst.idx.msk $0xffff, v12;
	v16 =	vadd.s32 $0xFFFFFFFF, v17  }
0xc5: {  	v31 =	vadd.s32 $0x43, v8;
	v17 =	vmul.u32 $0x49, v20;
	[tilespmem:v19+s23+$0x0] =	vst.idx.msk $0xffff, v21;
	v19 =	vld [tilespmem:s5+$0xFFFFFFF0];
	vm1 =	vgt.s32 v16, $0x0;
	s5 =	smov.u32 s3  }
0xc6: {  	v12 =	vshll.u32 v27, $0x2;
	v21 =	vadd.s32 $0x40, v29;
	v27 =	vld [tilespmem:s6+$0x0];
	v16 =	vnsel vm1, $0x0, v16  }
0xc7: {  	v32 =	vadd.s32 $0x40, v17;
	vm1 =	vlt.s32 v25, $0x40;
	v16 =	vmin.u32 v16, $0x2  }
0xc8: {  	v20 =	vshll.u32 v20, $0x2;
	vm2 =	vgt.s32 v22, $0x0;
	v22 =	vnsel vm1, $0x40, v25  }
0xc9: {  	v25 =	vshll.u32 v30, $0x10;
	v30 =	vsel vm2, $0x1101BC, v5;
	v22 =	vshll.u32 v22, $0x10  }
0xca: {  	v26 =	vshll.u32 v26, $0x10;
	v25 =	vadd.s32 $0xD01BC, v25;
	[tilespmem:v31+s23+$0x0] =	vst.idx.msk $0xffff, v30;
	v19 =	vadd.s32 $0xFFFFFFFF, v19  }
0xcb: {  	v26 =	vadd.s32 $0xD01BC, v26;
	v22 =	vadd.s32 $0x1401BC, v22;
	[tilespmem:v21+s23+$0x0] =	vst.idx.msk $0xffff, v25;
	v21 =	vld.idx.msk [tilespmem:v28+s15+$0x0], $0xffff;
	vm1 =	vgt.s32 v19, $0x0  }
0xcc: {  	v28 =	vsel vm0, $0x1001BC, v5;
	vm0 =	vgt.s32 v27, $0x0;
	v25 =	vld.idx.msk [tilespmem:v12+s15+$0x0], $0xffff;
	[tilespmem:v18+s23+$0x0] =	vst.idx.msk $0xffff, v22;
	v18 =	vnsel vm1, $0x0, v19  }
0xcd: {  	v16 =	vshll.u32 v16, $0x10;
	v22 =	vnsel vm0, $0x0, v27;
	[tilespmem:v23+s23+$0x0] =	vst.idx.msk $0xffff, v28;
	v19 =	vld [tilespmem:s6+$0xFFFFFFF0];
	v18 =	vmin.u32 v18, $0x2  }
0xce: {  	v16 =	vadd.s32 $0x1B901BC, v16;
	v22 =	vmin.u32 v22, $0x63;
	[tilespmem:v32+s23+$0x0] =	vst.idx.msk $0xffff, v26;
	v23 =	vld.idx.msk [tilespmem:v24+s15+$0x0], $0xffff;
	v18 =	vshll.u32 v18, $0x10  }
0xcf: {  	v24 =	vadd.s32 $0x41, v29;
	v22 =	vshll.u32 v22, $0x10;
	v18 =	vadd.s32 $0x1B901BC, v18;
	[tilespmem:v11+s23+$0x0] =	vst.idx.msk $0xffff, v16  }
0xd0: {  	v26 =	vadd.s32 $0x44, v8;
	v16 =	vor.u32 $0x1, v12;
	v22 =	vadd.s32 $0x5501BC, v22;
	v11 =	vld.idx.msk [tilespmem:v20+s15+$0x0], $0xffff;
	[tilespmem:v10+s23+$0x0] =	vst.idx.msk $0xffff, v18  }
0xd1: {  	s17 =	sadd.s32 $0x20, s17;
	v27 =	vor.u32 $0x3, v13;
	v13 =	vmovc v20;
	v18 =	vadd.s32 $0x43, v9;
	vm0 =	vgt.s32 v21, $0x0;
	[tilespmem:v15+s23+$0x0] =	vst.idx.msk $0xffff, v22  }
0xd2: {  	v15 =	vadd.s32 $0x41, v17;
	vm1 =	vgt.s32 v25, $0x0;
	vm2 =	vgt.s32 v19, $0x0;
	v20 =	vld [tilespmem:s14+$0x0]  }
0xd3: {  	v21 =	vor.u32 $0x1, v13;
	v10 =	vsel vm1, $0xF01BC, v5;
	v19 =	vnsel vm2, $0x0, v19  }
0xd4: {  	vm1 =	vgt.s32 v23, $0x0;
	[tilespmem:v24+s23+$0x0] =	vst.idx.msk $0xffff, v10;
	v10 =	vsel vm0, $0x1201BC, v5;
	v19 =	vmin.u32 v19, $0x63  }
0xd5: {  	v22 =	vld.idx.msk [tilespmem:v16+s15+$0x0], $0xffff;
	v16 =	vsel vm1, $0x1101BC, v5;
	[tilespmem:v26+s23+$0x0] =	vst.idx.msk $0xffff, v10;
	v19 =	vshll.u32 v19, $0x10;
	v10 =	vadd.s32 $0x48, v7  }
0xd6: {  	vm0 =	vgt.s32 v11, $0x0;
	v11 =	vadd.s32 $0x48, v6;
	[tilespmem:v18+s23+$0x0] =	vst.idx.msk $0xffff, v16;
	v18 =	vld [tilespmem:s17+$0x0];
	v16 =	vadd.s32 $0x5501BC, v19  }
0xd7: {  	v24 =	vadd.s32 $0x47, v6;
	v6 =	vmovc v8;
	v19 =	vsel vm0, $0xF01BC, v5;
	v23 =	vld.idx.msk [tilespmem:v27+s15+$0x0], $0xffff;
	[tilespmem:v14+s23+$0x0] =	vst.idx.msk $0xffff, v16;
	vm0 =	vgt.s32 v20, $0x1  }
0xd8: {  	v25 =	vadd.s32 $0x42, v29;
	v8 =	vmovc v29;
	v16 =	vadd.s32 $0x47, v7;
	v7 =	vmovc v9;
	[tilespmem:v15+s23+$0x0] =	vst.idx.msk $0xffff, v19;
	v26 =	vld [tilespmem:s14+$0xFFFFFFF0];
	v15 =	vnsel vm0, $0x1, v20  }
0xd9: {  	v9 =	vmovc v17;
	v14 =	vadd.s32 $0x46, v7;
	v20 =	vld.idx.msk [tilespmem:v21+s15+$0x0], $0xffff;
	v21 =	vor.u32 $0x2, v12;
	v19 =	vmin.u32 v15, $0x100  }
0xda: {  	v27 =	vadd.s32 $0x44, v7;
	v15 =	vadd.s32 $0x46, v6;
	v17 =	vshll.u32 v19, $0x10  }
.Ltmp1:
0xdb: {  	s6 =	sadd.s32 $0x20, s6;
	vm0 =	vgt.s32 v22, $0x0;
	vm1 =	vlt.s32 v18, $0x40;
	v17 =	vadd.s32 $0xB801BC, v17;
	(pc) =	sbr.rel @p0 .LBB2_4-.Ltmp1, $4  }
0xdc: {  	v19 =	vadd.s32 $0x45, v6;
	v22 =	vsel vm0, $0x1001BC, v5;
	v18 =	vnsel vm1, $0x40, v18;
	[tilespmem:v24+s23+$0x0] =	vst.idx.msk $0xffff, v17  }
0xdd: {  	vm0 =	vgt.s32 v23, $0x0;
	[tilespmem:v25+s23+$0x0] =	vst.idx.msk $0xffff, v22;
	v18 =	vshll.u32 v18, $0x10;
	vm1 =	vgt.s32 v26, $0x1;
	v17 =	vld [tilespmem:s3+$0x0]  }
0xde: {  	v23 =	vsel vm0, $0x1201BC, v5;
	v22 =	vld.idx.msk [tilespmem:v21+s15+$0x0], $0xffff;
	v21 =	vadd.s32 $0x1401BC, v18;
	v24 =	vnsel vm1, $0x1, v26  }
0xdf: {  	s9 =	sadd.s32 $0x20, s9;
	s14 =	sadd.s32 $0x20, s14;
	s3 =	sadd.s32 $0x20, s3;
	vm0 =	vgt.s32 v20, $0x0;
	v18 =	vadd.s32 $0x45, v7;
	[tilespmem:v27+s23+$0x0] =	vst.idx.msk $0xffff, v23;
	v20 =	vmin.u32 v24, $0x100  }
0xe0: {  	v23 =	vadd.s32 $0x42, v9  }
0xe1: {  	v24 =	vor.u32 $0x2, v13;
	_ =	sdelay $0x2  }
0xe2: {  	v25 =	vsel vm0, $0x1001BC, v5  }
0xe3: {  	[tilespmem:v23+s23+$0x0] =	vst.idx.msk $0xffff, v25  }
0xe4: {  	v23 =	vld.idx.msk [tilespmem:v24+s15+$0x0], $0xffff  }
0xe5: {  	v55 =	vadd.s32 $0x43, v8  }
0xe6: {  	v12 =	vor.u32 $0x3, v12;
	v56 =	vadd.s32 $0x43, v9  }
0xe7: {  	v57 =	vor.u32 $0x3, v13  }
0xe8: {  	vm8 =	vgt.s32 v22, $0x0  }
0xe9: {  	v22 =	vsel vm8, $0x1101BC, v5;
	vm9 =	vgt.s32 v23, $0x0  }
0xea: {  	[tilespmem:v55+s23+$0x0] =	vst.idx.msk $0xffff, v22;
	v58 =	vsel vm9, $0x1101BC, v5  }
0xeb: {  	v12 =	vld.idx.msk [tilespmem:v12+s15+$0x0], $0xffff;
	[tilespmem:v56+s23+$0x0] =	vst.idx.msk $0xffff, v58  }
0xec: {  	v13 =	vld.idx.msk [tilespmem:v57+s15+$0x0], $0xffff  }
0xed: {  	v59 =	vadd.s32 $0x44, v8  }
0xee: {  	v60 =	vadd.s32 $0x44, v9;
	v61 =	vld [tilespmem:s17+$0xFFFFFFF0];
	_ =	sdelay $0x1  }
0xef: {  	vm10 =	vgt.s32 v12, $0x0  }
0xf0: {  	v12 =	vsel vm10, $0x1201BC, v5;
	vm11 =	vgt.s32 v13, $0x0  }
0xf1: {  	s0 =	sadd.s32 $0x20, s17;
	[tilespmem:v59+s23+$0x0] =	vst.idx.msk $0xffff, v12;
	v62 =	vsel vm11, $0x1201BC, v5  }
0xf2: {  	vm12 =	vlt.s32 v61, $0x40;
	v63 =	vld [tilespmem:s0+$0x0];
	[tilespmem:v60+s23+$0x0] =	vst.idx.msk $0xffff, v62  }
0xf3: {  	v25 =	vnsel vm12, $0x40, v61;
	v12 =	vld [tilespmem:s0+$0xFFFFFFF0]  }
0xf4: {  	v22 =	vshll.u32 v25, $0x10  }
0xf5: {  	v26 =	vadd.s32 $0x1401BC, v22  }
0xf6: {  	v27 =	vadd.s32 $0x45, v8;
	[tilespmem:v18+s23+$0x0] =	vst.idx.msk $0xffff, v26  }
0xf7: {  	[tilespmem:v19+s23+$0x0] =	vst.idx.msk $0xffff, v21;
	v29 =	vadd.s32 $0x45, v9;
	v19 =	vld [tilespmem:s6+$0xFFFFFFF0];
	vm13 =	vlt.s32 v63, $0x40  }
0xf8: {  	v13 =	vnsel vm13, $0x40, v63;
	vm14 =	vlt.s32 v12, $0x40  }
0xf9: {  	v28 =	vld [tilespmem:s6+$0x0];
	v13 =	vshll.u32 v13, $0x10;
	v12 =	vnsel vm14, $0x40, v12  }
0xfa: {  	v13 =	vadd.s32 $0x1401BC, v13;
	v12 =	vshll.u32 v12, $0x10  }
0xfb: {  	s21 =	sadd.s32 $0x20, s6;
	[tilespmem:v27+s23+$0x0] =	vst.idx.msk $0xffff, v13;
	v12 =	vadd.s32 $0x1401BC, v12  }
0xfc: {  	vm4 =	vgt.s32 v19, $0x0;
	v13 =	vld [tilespmem:s21+$0x0];
	[tilespmem:v29+s23+$0x0] =	vst.idx.msk $0xffff, v12  }
0xfd: {  	v19 =	vnsel vm4, $0x0, v19;
	v18 =	vld [tilespmem:s21+$0xFFFFFFF0]  }
0xfe: {  	vm15 =	vgt.s32 v28, $0x0;
	v19 =	vmin.u32 v19, $0x63  }
0xff: {  	v30 =	vnsel vm15, $0x0, v28;
	v19 =	vshll.u32 v19, $0x10  }
0x100: {  	v32 =	vadd.s32 $0x46, v8;
	v31 =	vadd.s32 $0x5501BC, v19;
	v12 =	vmin.u32 v30, $0x63  }
0x101: {  	v34 =	vadd.s32 $0x46, v9;
	[tilespmem:v14+s23+$0x0] =	vst.idx.msk $0xffff, v31;
	vm5 =	vgt.s32 v13, $0x0;
	v12 =	vshll.u32 v12, $0x10  }
0x102: {  	v14 =	vld [tilespmem:s14+$0xFFFFFFF0];
	v13 =	vnsel vm5, $0x0, v13;
	v12 =	vadd.s32 $0x5501BC, v12;
	vm6 =	vgt.s32 v18, $0x0  }
0x103: {  	v13 =	vmin.u32 v13, $0x63;
	[tilespmem:v15+s23+$0x0] =	vst.idx.msk $0xffff, v12;
	v18 =	vnsel vm6, $0x0, v18  }
0x104: {  	v13 =	vshll.u32 v13, $0x10;
	v33 =	vld [tilespmem:s14+$0x0];
	v18 =	vmin.u32 v18, $0x63  }
0x105: {  	v13 =	vadd.s32 $0x5501BC, v13;
	v18 =	vshll.u32 v18, $0x10  }
0x106: {  	v20 =	vshll.u32 v20, $0x10;
	s25 =	sadd.s32 $0x20, s14;
	[tilespmem:v32+s23+$0x0] =	vst.idx.msk $0xffff, v13;
	v35 =	vadd.s32 $0x5501BC, v18  }
0x107: {  	v39 =	vadd.s32 $0x47, v7;
	v36 =	vadd.s32 $0xB801BC, v20;
	vm8 =	vgt.s32 v14, $0x1;
	v38 =	vld [tilespmem:s25+$0x0];
	[tilespmem:v34+s23+$0x0] =	vst.idx.msk $0xffff, v35  }
0x108: {  	v37 =	vadd.s32 $0x47, v6;
	[tilespmem:v16+s23+$0x0] =	vst.idx.msk $0xffff, v36;
	v14 =	vnsel vm8, $0x1, v14;
	v41 =	vld [tilespmem:s25+$0xFFFFFFF0]  }
0x109: {  	v45 =	vadd.s32 $0x47, v8;
	v43 =	vld [tilespmem:s5+$0xFFFFFFF0];
	v14 =	vmin.u32 v14, $0x100;
	vm7 =	vgt.s32 v33, $0x1  }
0x10a: {  	v46 =	vadd.s32 $0x47, v9;
	v14 =	vshll.u32 v14, $0x10;
	v40 =	vnsel vm7, $0x1, v33  }
0x10b: {  	v7 =	vadd.s32 $0x48, v7;
	v44 =	vadd.s32 $0xB801BC, v14;
	v13 =	vmin.u32 v40, $0x100  }
0x10c: {  	v42 =	vadd.s32 $0xFFFFFFFF, v17;
	[tilespmem:v39+s23+$0x0] =	vst.idx.msk $0xffff, v44;
	vm10 =	vgt.s32 v38, $0x1;
	v13 =	vshll.u32 v13, $0x10  }
0x10d: {  	v48 =	vld [tilespmem:s3+$0xFFFFFFF0];
	v47 =	vnsel vm10, $0x1, v38;
	v13 =	vadd.s32 $0xB801BC, v13;
	vm11 =	vgt.s32 v41, $0x1  }
0x10e: {  	v17 =	vadd.s32 $0xFFFFFFFF, v43;
	[tilespmem:v37+s23+$0x0] =	vst.idx.msk $0xffff, v13;
	v13 =	vmin.u32 v47, $0x100;
	v15 =	vnsel vm11, $0x1, v41  }
0x10f: {  	vm12 =	vgt.s32 v17, $0x0;
	v13 =	vshll.u32 v13, $0x10;
	v15 =	vmin.u32 v15, $0x100  }
0x110: {  	v17 =	vnsel vm12, $0x0, v17;
	v18 =	vld [tilespmem:s3+$0x0];
	v13 =	vadd.s32 $0xB801BC, v13;
	v15 =	vshll.u32 v15, $0x10  }
0x111: {  	s26 =	sadd.s32 $0x20, s3;
	v6 =	vadd.s32 $0x48, v6;
	v17 =	vmin.u32 v17, $0x2;
	[tilespmem:v45+s23+$0x0] =	vst.idx.msk $0xffff, v13;
	v49 =	vadd.s32 $0xB801BC, v15  }
0x112: {  	vm9 =	vgt.s32 v42, $0x0;
	v51 =	vshll.u32 v17, $0x10;
	v55 =	vadd.s32 $0xFFFFFFFF, v48;
	v52 =	vld [tilespmem:s26+$0x0];
	[tilespmem:v46+s23+$0x0] =	vst.idx.msk $0xffff, v49  }
0x113: {  	v16 =	vnsel vm9, $0x0, v42;
	v58 =	vadd.s32 $0x48, v9;
	vm1 =	vgt.s32 v55, $0x0;
	v56 =	vld [tilespmem:s26+$0xFFFFFFF0]  }
0x114: {  	v16 =	vmin.u32 v16, $0x2;
	v57 =	vadd.s32 $0x48, v8;
	v14 =	vnsel vm1, $0x0, v55  }
0x115: {  	v50 =	vshll.u32 v16, $0x10;
	v14 =	vmin.u32 v14, $0x2;
	v54 =	vadd.s32 $0xFFFFFFFF, v18  }
0x116: {  	v53 =	vadd.s32 $0x1B901BC, v50;
	v14 =	vshll.u32 v14, $0x10;
	vm13 =	vgt.s32 v54, $0x0  }
0x117: {  	v62 =	vadd.s32 $0x1B901BC, v14;
	v13 =	vnsel vm13, $0x0, v54;
	v16 =	vadd.s32 $0xFFFFFFFF, v52  }
0x118: {  	v13 =	vmin.u32 v13, $0x2;
	vm14 =	vgt.s32 v16, $0x0;
	v17 =	vadd.s32 $0xFFFFFFFF, v56  }
0x119: {  	[tilespmem:v11+s23+$0x0] =	vst.idx.msk $0xffff, v53;
	v13 =	vshll.u32 v13, $0x10;
	v59 =	vnsel vm14, $0x0, v16;
	vm15 =	vgt.s32 v17, $0x0  }
0x11a: {  	[tilespmem:v7+s23+$0x0] =	vst.idx.msk $0xffff, v62;
	v60 =	vadd.s32 $0x1B901BC, v13;
	v11 =	vmin.u32 v59, $0x2;
	v61 =	vnsel vm15, $0x0, v17  }
0x11b: {  	v15 =	vadd.s32 $0x1B901BC, v51;
	[tilespmem:v6+s23+$0x0] =	vst.idx.msk $0xffff, v60;
	v63 =	vshll.u32 v11, $0x10;
	v6 =	vmin.u32 v61, $0x2  }
0x11c: {  	[tilespmem:v10+s23+$0x0] =	vst.idx.msk $0xffff, v15;
	v7 =	vadd.s32 $0x1B901BC, v63;
	v6 =	vshll.u32 v6, $0x10  }
0x11d: {  	[tilespmem:v57+s23+$0x0] =	vst.idx.msk $0xffff, v7;
	v6 =	vadd.s32 $0x1B901BC, v6  }
0x11e: {  	[tilespmem:v58+s23+$0x0] =	vst.idx.msk $0xffff, v6  }
0x11f: {  	s1 =	simm.s32 $0x0;
	_ =	swait.ge [sflag:s24], $0xE000  }
0x120: {  	s17 =	simm.s32 $0xE04C;
	s18 =	simm.s32 $0xE095;
	[sflag:s24] =	ssyncset.done $0x0  }
0x121: {  	s19 =	simm.s32 $0xE0DE;
	s14 =	simm.s32 $0xE002;
	[sflag:s24] =	ssyncadd.s32 $0xFFFF2000  }
.LBB2_6:
0x122: {  	v6 =	vld [tilespmem:s14+$0x1];
	_ =	sdelay $0x4  }
0x123: {  	(v2sf) =	vpush v6, $0x0;
	_ =	sdelay $0xa  }
0x124: {  	v6 =	vld [tilespmem:s14+$0xFFFFFFFF];
	_ =	sdelay $0x2  }
0x125: {  	v7 =	vld [tilespmem:s14+$0x0]  }
0x126: {  	v8 =	vld [tilespmem:s14+$0xFFFFFFFE];
	s0 =	spop (v2sf)  }
0x127: {  	(v2sf) =	vpush v6, $0x0;
	s3 =	sshra.s32 s0, $0x9  }
0x128: {  	s0 =	sshll.u32 s0, $0x7;
	s3 =	sand.u32 $0xFFFFFF80, s3  }
0x129: {  	s5 =	sand.u32 $0x7FFF80, s0;
	v6 =	vld [tilespmem:s3+$0x0]  }
0x12a: {  	(v2sf) =	vpush v7, $0x0;
	v7 =	vld [tilespmem:s5+$0x0]  }
0x12b: {  	(v2sf) =	vpush v8, $0x0;
	v8 =	vld [tilespmem:s3+$0x10]  }
0x12c: {  	v9 =	vld [tilespmem:s5+$0x10]  }
0x12d: {  	v10 =	vld [tilespmem:s3+$0x20]  }
0x12e: {  	v11 =	vld [tilespmem:s5+$0x20]  }
0x12f: {  	v12 =	vld [tilespmem:s3+$0x30]  }
0x130: {  	v13 =	vld [tilespmem:s3+$0x70]  }
0x131: {  	v14 =	vld [tilespmem:s5+$0x70]  }
0x132: {  	v15 =	vld [tilespmem:s5+$0x30]  }
0x133: {  	v16 =	vld [tilespmem:s3+$0x40]  }
0x134: {  	v17 =	vld [tilespmem:s5+$0x40]  }
0x135: {  	v18 =	vld [tilespmem:s3+$0x50]  }
0x136: {  	v19 =	vld [tilespmem:s5+$0x50];
	s6 =	spop (v2sf)  }
0x137: {  	v20 =	vld [tilespmem:s3+$0x60];
	s21 =	sshra.s32 s6, $0x9;
	s6 =	sshll.u32 s6, $0x7  }
0x138: {  	v21 =	vld [tilespmem:s5+$0x60];
	s10 =	sand.u32 $0x7FFF80, s6  }
0x139: {  	s11 =	sand.u32 $0xFFFFFF80, s21;
	v10 =	vadd.f32 v11, v10;
	v11 =	vadd.f32 v15, v12;
	v15 =	vld [tilespmem:s10+$0x0]  }
0x13a: {  	v57 =	vld [tilespmem:s11+$0x10]  }
0x13b: {  	s12 =	spop (v2sf);
	v58 =	vld [tilespmem:s10+$0x10]  }
0x13c: {  	v59 =	vld [tilespmem:s11+$0x20];
	s8 =	spop (v2sf)  }
0x13d: {  	v60 =	vld [tilespmem:s10+$0x20];
	s9 =	sshra.s32 s8, $0x9  }
0x13e: {  	v61 =	vld [tilespmem:s11+$0x30];
	s13 =	sshll.u32 s8, $0x7;
	s16 =	sand.u32 $0xFFFFFF80, s9  }
0x13f: {  	s20 =	sand.u32 $0x7FFF80, s13;
	v22 =	vld [tilespmem:s16+$0x0]  }
0x140: {  	v23 =	vld [tilespmem:s20+$0x0]  }
0x141: {  	v24 =	vld [tilespmem:s16+$0x10]  }
0x142: {  	v25 =	vld [tilespmem:s20+$0x10]  }
0x143: {  	v26 =	vld [tilespmem:s16+$0x20]  }
0x144: {  	v13 =	vadd.f32 v14, v13;
	v27 =	vld [tilespmem:s20+$0x20]  }
0x145: {  	s3 =	simm.s32 $0x12A80;
	v6 =	vadd.f32 v7, v6;
	v28 =	vld [tilespmem:s16+$0x30]  }
0x146: {  	v8 =	vadd.f32 v9, v8;
	[tilespmem:s3+$0xF0] =	vst v13;
	v29 =	vld [tilespmem:s20+$0x30]  }
0x147: {  	[tilespmem:s3+$0x80] =	vst v6;
	v30 =	vld [tilespmem:s16+$0x40]  }
0x148: {  	[tilespmem:s3+$0x90] =	vst v8;
	v31 =	vld [tilespmem:s20+$0x40]  }
0x149: {  	v12 =	vadd.f32 v17, v16;
	[tilespmem:s3+$0xA0] =	vst v10;
	v32 =	vld [tilespmem:s16+$0x50]  }
0x14a: {  	v13 =	vadd.f32 v19, v18;
	[tilespmem:s3+$0xB0] =	vst v11;
	v14 =	vld [tilespmem:s20+$0x50]  }
0x14b: {  	v11 =	vadd.f32 v21, v20;
	[tilespmem:s3+$0xC0] =	vst v12;
	v7 =	vld [tilespmem:s16+$0x60]  }
0x14c: {  	[tilespmem:s3+$0xD0] =	vst v13;
	v9 =	vld [tilespmem:s20+$0x60];
	v12 =	vadd.f32 v23, v22  }
0x14d: {  	[tilespmem:s3+$0xE0] =	vst v11;
	v6 =	vld [tilespmem:s16+$0x70];
	v11 =	vadd.f32 v25, v24  }
0x14e: {  	v8 =	vld [tilespmem:s20+$0x70];
	v13 =	vadd.f32 v27, v26;
	[tilespmem:s3+$0xFFFFFF00] =	vst v12  }
0x14f: {  	v10 =	vld [tilespmem:s11+$0x0];
	v62 =	vadd.f32 v31, v30;
	[tilespmem:s3+$0xFFFFFF10] =	vst v11  }
0x150: {  	v63 =	vld [tilespmem:s10+$0x30];
	v14 =	vadd.f32 v14, v32;
	[tilespmem:s3+$0xFFFFFF20] =	vst v13  }
0x151: {  	v7 =	vadd.f32 v9, v7;
	v11 =	vld [tilespmem:s11+$0x40];
	[tilespmem:s3+$0xFFFFFF40] =	vst v62  }
0x152: {  	v12 =	vadd.f32 v29, v28;
	v13 =	vld [tilespmem:s10+$0x40];
	[tilespmem:s3+$0xFFFFFF50] =	vst v14  }
0x153: {  	s25 =	smul.u32 $0x490, s1;
	s0 =	sshll.u32 s12, $0x7;
	v8 =	vadd.f32 v8, v6;
	[tilespmem:s3+$0xFFFFFF60] =	vst v7;
	v14 =	vld [tilespmem:s10+$0x50]  }
0x154: {  	s5 =	simm.s32 $0x0;
	s26 =	sshra.s32 s12, $0x9;
	s6 =	sand.u32 $0x7FFF80, s0;
	v6 =	vadd.f32 v15, v10;
	v10 =	vadd.f32 v60, v59;
	[tilespmem:s3+$0xFFFFFF30] =	vst v12;
	v12 =	vld [tilespmem:s11+$0x50]  }
0x155: {  	s8 =	sand.u32 $0xFFFFFF80, s26;
	s9 =	sadd.s32 $0x4, s14;
	s20 =	sshra.s32 s25, $0x2;
	v9 =	vld [tilespmem:s11+$0x60];
	v7 =	vadd.f32 v58, v57;
	[tilespmem:s3+$0xFFFFFF70] =	vst v8;
	v8 =	vadd.f32 v63, v61  }
.LBB2_7:
0x156: {  	v15 =	vld [tilespmem:s9+$0x1]  }
0x157: {  	v16 =	vld [tilespmem:s9+$0xFFFFFFFF];
	v11 =	vadd.f32 v13, v11  }
0x158: {  	v13 =	vld [tilespmem:s9+$0x0]  }
0x159: {  	v17 =	vld [tilespmem:s9+$0xFFFFFFFE];
	v12 =	vadd.f32 v14, v12  }
0x15a: {  	v14 =	vld [tilespmem:s10+$0x60]  }
0x15b: {  	(v2sf) =	vpush v15, $0x0;
	v15 =	vld [tilespmem:s11+$0x70]  }
0x15c: {  	(v2sf) =	vpush v16, $0x0;
	v16 =	vld [tilespmem:s10+$0x70];
	[tilespmem:s3+$0xFFFFFF80] =	vst v6  }
0x15d: {  	(v2sf) =	vpush v13, $0x0;
	[tilespmem:s3+$0xFFFFFF90] =	vst v7;
	v6 =	vld [tilespmem:s8+$0x0]  }
0x15e: {  	s5 =	sadd.s32 $0x4, s5;
	(v2sf) =	vpush v17, $0x0;
	[tilespmem:s3+$0xFFFFFFA0] =	vst v10;
	v7 =	vld [tilespmem:s6+$0x0]  }
0x15f: {  	p0 =	slt.u32 s5, $0x44;
	v9 =	vadd.f32 v14, v9;
	[tilespmem:s3+$0xFFFFFFB0] =	vst v8;
	v8 =	vld [tilespmem:s8+$0x10]  }
0x160: {  	[tilespmem:s3+$0xFFFFFFC0] =	vst v11;
	v10 =	vld [tilespmem:s6+$0x10]  }
0x161: {  	v11 =	vadd.f32 v16, v15;
	[tilespmem:s3+$0xFFFFFFD0] =	vst v12;
	v12 =	vld [tilespmem:s8+$0x20]  }
0x162: {  	[tilespmem:s3+$0xFFFFFFE0] =	vst v9;
	v9 =	vld [tilespmem:s6+$0x20]  }
0x163: {  	[tilespmem:s3+$0xFFFFFFF0] =	vst v11;
	v6 =	vadd.f32 v7, v6;
	v7 =	vld [tilespmem:s8+$0x30]  }
0x164: {  	v11 =	vld [tilespmem:s6+$0x30]  }
0x165: {  	v8 =	vadd.f32 v10, v8;
	v10 =	vld [tilespmem:s8+$0x40]  }
0x166: {  	v13 =	vld [tilespmem:s6+$0x40]  }
0x167: {  	v9 =	vadd.f32 v9, v12;
	v12 =	vld [tilespmem:s8+$0x50]  }
0x168: {  	v14 =	vld [tilespmem:s6+$0x50]  }
0x169: {  	v7 =	vadd.f32 v11, v7;
	v11 =	vld [tilespmem:s8+$0x60]  }
0x16a: {  	s0 =	spop (v2sf);
	v15 =	vld [tilespmem:s6+$0x60]  }
0x16b: {  	s10 =	sshra.s32 s0, $0x9;
	s11 =	spop (v2sf);
	v10 =	vadd.f32 v13, v10;
	v13 =	vld [tilespmem:s8+$0x70]  }
0x16c: {  	s0 =	sshll.u32 s0, $0x7;
	s21 =	sand.u32 $0xFFFFFF80, s10;
	s8 =	spop (v2sf);
	v16 =	vld [tilespmem:s6+$0x70];
	[tilespmem:s3+$0x0] =	vst v6  }
0x16d: {  	s6 =	sshra.s32 s11, $0x9;
	s0 =	sand.u32 $0x7FFF80, s0;
	v6 =	vld [tilespmem:s21+$0x0];
	s10 =	spop (v2sf);
	v12 =	vadd.f32 v14, v12;
	[tilespmem:s3+$0x10] =	vst v8  }
0x16e: {  	s11 =	sshll.u32 s11, $0x7;
	s13 =	sshra.s32 s10, $0x9;
	s10 =	sshll.u32 s10, $0x7;
	v8 =	vld [tilespmem:s0+$0x0];
	[tilespmem:s3+$0x20] =	vst v9  }
0x16f: {  	s16 =	sshra.s32 s8, $0x9;
	s8 =	sshll.u32 s8, $0x7;
	s12 =	sand.u32 $0x7FFF80, s10;
	v9 =	vld [tilespmem:s21+$0x10];
	v11 =	vadd.f32 v15, v11;
	[tilespmem:s3+$0x30] =	vst v7  }
0x170: {  	s13 =	sand.u32 $0xFFFFFF80, s13;
	s10 =	sand.u32 $0x7FFF80, s11;
	s11 =	sand.u32 $0xFFFFFF80, s6;
	v7 =	vld [tilespmem:s0+$0x10];
	[tilespmem:s3+$0x40] =	vst v10  }
0x171: {  	s6 =	sand.u32 $0x7FFF80, s8;
	s8 =	sand.u32 $0xFFFFFF80, s16;
	v10 =	vld [tilespmem:s21+$0x20];
	v13 =	vadd.f32 v16, v13;
	[tilespmem:s3+$0x50] =	vst v12  }
0x172: {  	v12 =	vld [tilespmem:s0+$0x20];
	[tilespmem:s3+$0x60] =	vst v11  }
0x173: {  	v6 =	vadd.f32 v8, v6;
	v8 =	vld [tilespmem:s21+$0x30];
	[tilespmem:s3+$0x70] =	vst v13  }
0x174: {  	v11 =	vld [tilespmem:s21+$0x70]  }
0x175: {  	v7 =	vadd.f32 v7, v9;
	v9 =	vld [tilespmem:s0+$0x70]  }
0x176: {  	v13 =	vld [tilespmem:s0+$0x30]  }
0x177: {  	v10 =	vadd.f32 v12, v10;
	v12 =	vld [tilespmem:s21+$0x40]  }
0x178: {  	v14 =	vld [tilespmem:s0+$0x40]  }
0x179: {  	v15 =	vld [tilespmem:s21+$0x50]  }
0x17a: {  	v16 =	vld [tilespmem:s0+$0x50];
	v9 =	vadd.f32 v9, v11  }
0x17b: {  	s3 =	sadd.s32 $0x200, s3;
	v8 =	vadd.f32 v13, v8;
	v11 =	vld [tilespmem:s21+$0x60]  }
0x17c: {  	v13 =	vld [tilespmem:s0+$0x60];
	[tilespmem:s3+$0xF0] =	vst v9  }
0x17d: {  	v9 =	vld [tilespmem:s13+$0x0];
	v12 =	vadd.f32 v14, v12;
	[tilespmem:s3+$0x80] =	vst v6  }
0x17e: {  	v6 =	vld [tilespmem:s12+$0x0];
	[tilespmem:s3+$0x90] =	vst v7  }
0x17f: {  	v7 =	vld [tilespmem:s13+$0x10];
	v14 =	vadd.f32 v16, v15;
	[tilespmem:s3+$0xA0] =	vst v10  }
0x180: {  	v10 =	vld [tilespmem:s12+$0x10];
	[tilespmem:s3+$0xB0] =	vst v8  }
0x181: {  	v8 =	vld [tilespmem:s13+$0x20];
	v11 =	vadd.f32 v13, v11;
	[tilespmem:s3+$0xC0] =	vst v12  }
0x182: {  	v12 =	vld [tilespmem:s12+$0x20];
	[tilespmem:s3+$0xD0] =	vst v14  }
0x183: {  	v6 =	vadd.f32 v6, v9;
	v9 =	vld [tilespmem:s13+$0x30];
	[tilespmem:s3+$0xE0] =	vst v11  }
0x184: {  	v11 =	vld [tilespmem:s12+$0x30]  }
0x185: {  	v7 =	vadd.f32 v10, v7;
	v10 =	vld [tilespmem:s13+$0x40]  }
0x186: {  	v13 =	vld [tilespmem:s12+$0x40]  }
0x187: {  	v8 =	vadd.f32 v12, v8;
	v12 =	vld [tilespmem:s13+$0x50]  }
0x188: {  	v14 =	vld [tilespmem:s12+$0x50]  }
0x189: {  	v9 =	vadd.f32 v11, v9;
	v11 =	vld [tilespmem:s13+$0x60]  }
0x18a: {  	v15 =	vld [tilespmem:s12+$0x60]  }
0x18b: {  	v10 =	vadd.f32 v13, v10;
	v13 =	vld [tilespmem:s13+$0x70]  }
0x18c: {  	v16 =	vld [tilespmem:s12+$0x70];
	[tilespmem:s3+$0xFFFFFF00] =	vst v6  }
0x18d: {  	v6 =	vadd.f32 v14, v12;
	[tilespmem:s3+$0xFFFFFF10] =	vst v7;
	v7 =	vld [tilespmem:s11+$0x0]  }
0x18e: {  	[tilespmem:s3+$0xFFFFFF20] =	vst v8;
	v8 =	vld [tilespmem:s10+$0x0]  }
0x18f: {  	v11 =	vadd.f32 v15, v11;
	[tilespmem:s3+$0xFFFFFF30] =	vst v9;
	v9 =	vld [tilespmem:s11+$0x10]  }
0x190: {  	[tilespmem:s3+$0xFFFFFF40] =	vst v10;
	v10 =	vld [tilespmem:s10+$0x10]  }
0x191: {  	v12 =	vadd.f32 v16, v13;
	[tilespmem:s3+$0xFFFFFF50] =	vst v6;
	v14 =	vld [tilespmem:s11+$0x20]  }
0x192: {  	[tilespmem:s3+$0xFFFFFF60] =	vst v11;
	v15 =	vld [tilespmem:s10+$0x20]  }
0x193: {  	[tilespmem:s3+$0xFFFFFF70] =	vst v12;
	v6 =	vadd.f32 v8, v7;
	v8 =	vld [tilespmem:s11+$0x30]  }
0x194: {  	v16 =	vld [tilespmem:s10+$0x30]  }
.Ltmp2:
0x195: {  	v7 =	vadd.f32 v10, v9;
	v11 =	vld [tilespmem:s11+$0x40];
	(pc) =	sbr.rel @p0 .LBB2_7-.Ltmp2, $4  }
0x196: {  	v13 =	vld [tilespmem:s10+$0x40]  }
0x197: {  	v10 =	vadd.f32 v15, v14;
	v12 =	vld [tilespmem:s11+$0x50]  }
0x198: {  	v14 =	vld [tilespmem:s10+$0x50]  }
0x199: {  	s9 =	sadd.s32 $0x4, s9;
	v8 =	vadd.f32 v16, v8;
	v9 =	vld [tilespmem:s11+$0x60]  }
0x19a: {  	v15 =	vld [tilespmem:s10+$0x60]  }
0x19b: {  	v16 =	vld [tilespmem:s11+$0x70]  }
0x19c: {  	v17 =	vld [tilespmem:s10+$0x70]  }
0x19d: {  	v18 =	vld [tilespmem:s8+$0x0]  }
0x19e: {  	v19 =	vld [tilespmem:s6+$0x0]  }
0x19f: {  	v20 =	vld [tilespmem:s8+$0x10]  }
0x1a0: {  	v21 =	vld [tilespmem:s6+$0x10]  }
0x1a1: {  	v22 =	vld [tilespmem:s8+$0x20]  }
0x1a2: {  	v23 =	vld [tilespmem:s6+$0x20]  }
0x1a3: {  	v24 =	vld [tilespmem:s8+$0x30]  }
0x1a4: {  	[tilespmem:s3+$0xFFFFFF80] =	vst v6;
	v6 =	vld [tilespmem:s8+$0x40]  }
0x1a5: {  	[tilespmem:s3+$0xFFFFFF90] =	vst v7;
	v7 =	vld [tilespmem:s6+$0x40]  }
0x1a6: {  	[tilespmem:s3+$0xFFFFFFA0] =	vst v10;
	v10 =	vld [tilespmem:s8+$0x50];
	v11 =	vadd.f32 v13, v11  }
0x1a7: {  	[tilespmem:s3+$0xFFFFFFB0] =	vst v8;
	v8 =	vld [tilespmem:s6+$0x50];
	v12 =	vadd.f32 v14, v12  }
0x1a8: {  	v25 =	vld [tilespmem:s6+$0x30];
	[tilespmem:s3+$0xFFFFFFC0] =	vst v11;
	v9 =	vadd.f32 v15, v9  }
0x1a9: {  	v11 =	vld [tilespmem:s8+$0x60];
	v13 =	vadd.f32 v17, v16;
	[tilespmem:s3+$0xFFFFFFD0] =	vst v12  }
0x1aa: {  	v14 =	vld [tilespmem:s8+$0x70];
	v43 =	vadd.f32 v23, v22;
	[tilespmem:s3+$0xFFFFFFE0] =	vst v9  }
0x1ab: {  	v12 =	vld [tilespmem:s6+$0x60];
	v6 =	vadd.f32 v7, v6;
	[tilespmem:s3+$0xFFFFFFF0] =	vst v13  }
0x1ac: {  	v15 =	vld [tilespmem:s6+$0x70];
	v7 =	vadd.f32 v8, v10;
	[tilespmem:s3+$0x20] =	vst v43  }
0x1ad: {  	v9 =	vadd.f32 v19, v18;
	[tilespmem:s3+$0x40] =	vst v6  }
0x1ae: {  	v13 =	vadd.f32 v21, v20;
	[tilespmem:s3+$0x50] =	vst v7  }
0x1af: {  	[tilespmem:s3+$0x0] =	vst v9;
	v9 =	vadd.f32 v25, v24  }
0x1b0: {  	[tilespmem:s3+$0x10] =	vst v13;
	v8 =	vadd.f32 v12, v11  }
0x1b1: {  	v6 =	vadd.f32 v15, v14;
	[tilespmem:s3+$0x30] =	vst v9  }
0x1b2: {  	[tilespmem:s3+$0x60] =	vst v8  }
0x1b3: {  	[tilespmem:s3+$0x70] =	vst v6  }
0x1b4: {  	v6 =	vld [tilespmem:s20+$0xE048];
	_ =	sdelay $0x4  }
0x1b5: {  	(v2sf) =	vpush v6, $0x0;
	_ =	sdelay $0xe  }
0x1b6: {  	s0 =	spop (v2sf)  }
0x1b7: {  	s13 =	sshra.s32 s0, $0x9  }
0x1b8: {  	s0 =	sshll.u32 s0, $0x7;
	s3 =	sand.u32 $0xFFFFFF80, s13  }
0x1b9: {  	s0 =	sand.u32 $0x7FFF80, s0;
	v6 =	vld [tilespmem:s3+$0x0]  }
0x1ba: {  	v7 =	vld [tilespmem:s0+$0x0]  }
0x1bb: {  	v8 =	vld [tilespmem:s3+$0x10]  }
0x1bc: {  	v9 =	vld [tilespmem:s0+$0x10]  }
0x1bd: {  	v10 =	vld [tilespmem:s3+$0x20]  }
0x1be: {  	v11 =	vld [tilespmem:s0+$0x20]  }
0x1bf: {  	v12 =	vld [tilespmem:s3+$0x30]  }
0x1c0: {  	v13 =	vld [tilespmem:s0+$0x30]  }
0x1c1: {  	v14 =	vld [tilespmem:s3+$0x40]  }
0x1c2: {  	v15 =	vld [tilespmem:s0+$0x40]  }
0x1c3: {  	v16 =	vld [tilespmem:s3+$0x50]  }
0x1c4: {  	v44 =	vld [tilespmem:s0+$0x50]  }
0x1c5: {  	v45 =	vld [tilespmem:s3+$0x60]  }
0x1c6: {  	v46 =	vld [tilespmem:s0+$0x60];
	v6 =	vadd.f32 v7, v6  }
0x1c7: {  	v7 =	vld [tilespmem:s3+$0x70];
	v8 =	vadd.f32 v9, v8  }
0x1c8: {  	v9 =	vld [tilespmem:s0+$0x70];
	v10 =	vadd.f32 v11, v10;
	[tilespmem:$0x14D80] =	vst v6  }
0x1c9: {  	v6 =	vadd.f32 v13, v12;
	[tilespmem:$0x14D90] =	vst v8  }
0x1ca: {  	v8 =	vadd.f32 v15, v14;
	[tilespmem:$0x14DA0] =	vst v10  }
0x1cb: {  	s20 =	sshll.u32 s1, $0x2;
	v10 =	vadd.f32 v44, v16;
	[tilespmem:$0x14DB0] =	vst v6  }
0x1cc: {  	s16 =	sadd.s32 s7, s20;
	v6 =	vadd.f32 v46, v45;
	[tilespmem:$0x14DC0] =	vst v8  }
0x1cd: {  	s0 =	smul.u32 $0x500, s16;
	[tilespmem:$0x14DD0] =	vst v10;
	v7 =	vadd.f32 v9, v7  }
0x1ce: {  	[tilespmem:$0x14DE0] =	vst v6  }
0x1cf: {  	s21 =	simm.s32 $0x12980;
	s0 =	sadd.s32 s4, s0;
	[tilespmem:$0x14DF0] =	vst v7  }
0x1d0: {  	[hbm4b:s0+s2] =	stream.linear.scatter [tilespmem:s21], [sflag:$0x1], $0x2480, $0x38;
	[tilespmem:$0x1C980] =	vst v63  }
0x1d1: {  	v6 =	vld [tilespmem:s17+$0x0];
	_ =	sdelay $0x4  }
0x1d2: {  	(v2sf) =	vpush v6, $0x0;
	_ =	sdelay $0x9  }
0x1d3: {  	v6 =	vld [tilespmem:s17+$0xFFFFFFFE]  }
0x1d4: {  	v7 =	vld [tilespmem:s17+$0xFFFFFFFF]  }
0x1d5: {  	v8 =	vld [tilespmem:s17+$0xFFFFFFFD];
	_ =	sdelay $0x2  }
0x1d6: {  	(v2sf) =	vpush v6, $0x0;
	s25 =	spop (v2sf)  }
0x1d7: {  	(v2sf) =	vpush v7, $0x0;
	s26 =	sshra.s32 s25, $0x9  }
0x1d8: {  	(v2sf) =	vpush v8, $0x0;
	s0 =	sshll.u32 s25, $0x7;
	s3 =	sand.u32 $0xFFFFFF80, s26  }
0x1d9: {  	s5 =	sand.u32 $0x7FFF80, s0;
	v6 =	vld [tilespmem:s3+$0x0]  }
0x1da: {  	v7 =	vld [tilespmem:s5+$0x0]  }
0x1db: {  	v8 =	vld [tilespmem:s3+$0x10]  }
0x1dc: {  	v9 =	vld [tilespmem:s5+$0x10]  }
0x1dd: {  	v10 =	vld [tilespmem:s3+$0x20]  }
0x1de: {  	v11 =	vld [tilespmem:s5+$0x20]  }
0x1df: {  	v12 =	vld [tilespmem:s3+$0x30]  }
0x1e0: {  	v13 =	vld [tilespmem:s3+$0x70]  }
0x1e1: {  	v14 =	vld [tilespmem:s5+$0x70]  }
0x1e2: {  	v15 =	vld [tilespmem:s5+$0x30]  }
0x1e3: {  	v47 =	vld [tilespmem:s3+$0x40]  }
0x1e4: {  	v48 =	vld [tilespmem:s5+$0x40]  }
0x1e5: {  	v49 =	vld [tilespmem:s3+$0x50];
	s0 =	spop (v2sf)  }
0x1e6: {  	v50 =	vld [tilespmem:s5+$0x50];
	s10 =	spop (v2sf)  }
0x1e7: {  	v51 =	vld [tilespmem:s3+$0x60];
	s6 =	sshll.u32 s0, $0x7;
	s11 =	spop (v2sf)  }
0x1e8: {  	v52 =	vld [tilespmem:s5+$0x60];
	s9 =	sshra.s32 s11, $0x9;
	s12 =	sshll.u32 s11, $0x7;
	s11 =	sand.u32 $0x7FFF80, s6  }
0x1e9: {  	v10 =	vadd.f32 v11, v10;
	v11 =	vadd.f32 v15, v12;
	v15 =	vld [tilespmem:s11+$0x0]  }
0x1ea: {  	v58 =	vld [tilespmem:s11+$0x10]  }
0x1eb: {  	v60 =	vld [tilespmem:s11+$0x20]  }
0x1ec: {  	s13 =	sand.u32 $0xFFFFFF80, s9;
	v63 =	vld [tilespmem:s11+$0x30]  }
0x1ed: {  	s3 =	sand.u32 $0x7FFF80, s12;
	v53 =	vld [tilespmem:s13+$0x0]  }
0x1ee: {  	v54 =	vld [tilespmem:s3+$0x0]  }
0x1ef: {  	v55 =	vld [tilespmem:s13+$0x10]  }
0x1f0: {  	v56 =	vld [tilespmem:s3+$0x10]  }
0x1f1: {  	v26 =	vld [tilespmem:s13+$0x20]  }
0x1f2: {  	v27 =	vld [tilespmem:s3+$0x20]  }
0x1f3: {  	v28 =	vld [tilespmem:s13+$0x30]  }
0x1f4: {  	v13 =	vadd.f32 v14, v13;
	v29 =	vld [tilespmem:s3+$0x30]  }
0x1f5: {  	s21 =	simm.s32 $0x15280;
	v6 =	vadd.f32 v7, v6;
	v30 =	vld [tilespmem:s13+$0x40]  }
0x1f6: {  	v8 =	vadd.f32 v9, v8;
	[tilespmem:s21+$0xF0] =	vst v13;
	v31 =	vld [tilespmem:s3+$0x40]  }
0x1f7: {  	[tilespmem:s21+$0x80] =	vst v6;
	v32 =	vld [tilespmem:s13+$0x50]  }
0x1f8: {  	[tilespmem:s21+$0x90] =	vst v8;
	v14 =	vld [tilespmem:s3+$0x50]  }
0x1f9: {  	v12 =	vadd.f32 v48, v47;
	[tilespmem:s21+$0xA0] =	vst v10;
	v7 =	vld [tilespmem:s13+$0x60]  }
0x1fa: {  	v13 =	vadd.f32 v50, v49;
	[tilespmem:s21+$0xB0] =	vst v11;
	v9 =	vld [tilespmem:s3+$0x60]  }
0x1fb: {  	s16 =	sshra.s32 s0, $0x9;
	v11 =	vadd.f32 v52, v51;
	[tilespmem:s21+$0xC0] =	vst v12;
	v6 =	vld [tilespmem:s13+$0x70]  }
0x1fc: {  	[tilespmem:s21+$0xD0] =	vst v13;
	s12 =	sand.u32 $0xFFFFFF80, s16;
	v8 =	vld [tilespmem:s3+$0x70];
	v12 =	vadd.f32 v54, v53  }
0x1fd: {  	[tilespmem:s21+$0xE0] =	vst v11;
	v10 =	vld [tilespmem:s12+$0x0];
	v11 =	vadd.f32 v56, v55  }
0x1fe: {  	v57 =	vld [tilespmem:s12+$0x10];
	v13 =	vadd.f32 v27, v26;
	[tilespmem:s21+$0xFFFFFF00] =	vst v12  }
0x1ff: {  	v59 =	vld [tilespmem:s12+$0x20];
	v62 =	vadd.f32 v31, v30;
	[tilespmem:s21+$0xFFFFFF10] =	vst v11  }
0x200: {  	v61 =	vld [tilespmem:s12+$0x30];
	v14 =	vadd.f32 v14, v32;
	[tilespmem:s21+$0xFFFFFF20] =	vst v13  }
0x201: {  	v7 =	vadd.f32 v9, v7;
	v11 =	vld [tilespmem:s12+$0x40];
	[tilespmem:s21+$0xFFFFFF40] =	vst v62  }
0x202: {  	s3 =	sor.u32 $0x1, s20;
	v12 =	vadd.f32 v29, v28;
	v13 =	vld [tilespmem:s11+$0x40];
	[tilespmem:s21+$0xFFFFFF50] =	vst v14  }
0x203: {  	s0 =	sshll.u32 s10, $0x7;
	s25 =	smul.u32 $0x124, s3;
	v8 =	vadd.f32 v8, v6;
	[tilespmem:s21+$0xFFFFFF60] =	vst v7;
	v14 =	vld [tilespmem:s11+$0x50]  }
0x204: {  	s26 =	sshra.s32 s10, $0x9;
	s10 =	sadd.s32 $0x4, s17;
	s8 =	sand.u32 $0x7FFF80, s0;
	v6 =	vadd.f32 v15, v10;
	v10 =	vadd.f32 v60, v59;
	[tilespmem:s21+$0xFFFFFF30] =	vst v12;
	v12 =	vld [tilespmem:s12+$0x50]  }
0x205: {  	s6 =	simm.s32 $0x0;
	s9 =	sand.u32 $0xFFFFFF80, s26;
	s5 =	sshra.s32 s25, $0x2;
	v9 =	vld [tilespmem:s12+$0x60];
	v7 =	vadd.f32 v58, v57;
	[tilespmem:s21+$0xFFFFFF70] =	vst v8;
	v8 =	vadd.f32 v63, v61  }
.LBB2_9:
0x206: {  	v15 =	vld [tilespmem:s10+$0x0]  }
0x207: {  	v16 =	vld [tilespmem:s10+$0xFFFFFFFE];
	v11 =	vadd.f32 v13, v11  }
0x208: {  	v13 =	vld [tilespmem:s10+$0xFFFFFFFF]  }
0x209: {  	v17 =	vld [tilespmem:s10+$0xFFFFFFFD];
	v12 =	vadd.f32 v14, v12  }
0x20a: {  	v14 =	vld [tilespmem:s11+$0x60]  }
0x20b: {  	(v2sf) =	vpush v15, $0x0;
	v15 =	vld [tilespmem:s12+$0x70]  }
0x20c: {  	(v2sf) =	vpush v16, $0x0;
	v16 =	vld [tilespmem:s11+$0x70];
	[tilespmem:s21+$0xFFFFFF80] =	vst v6  }
0x20d: {  	(v2sf) =	vpush v13, $0x0;
	[tilespmem:s21+$0xFFFFFF90] =	vst v7;
	v6 =	vld [tilespmem:s9+$0x0]  }
0x20e: {  	s6 =	sadd.s32 $0x4, s6;
	(v2sf) =	vpush v17, $0x0;
	[tilespmem:s21+$0xFFFFFFA0] =	vst v10;
	v7 =	vld [tilespmem:s8+$0x0]  }
0x20f: {  	p0 =	slt.u32 s6, $0x44;
	v9 =	vadd.f32 v14, v9;
	[tilespmem:s21+$0xFFFFFFB0] =	vst v8;
	v8 =	vld [tilespmem:s9+$0x10]  }
0x210: {  	[tilespmem:s21+$0xFFFFFFC0] =	vst v11;
	v10 =	vld [tilespmem:s8+$0x10]  }
0x211: {  	v11 =	vadd.f32 v16, v15;
	[tilespmem:s21+$0xFFFFFFD0] =	vst v12;
	v12 =	vld [tilespmem:s9+$0x20]  }
0x212: {  	[tilespmem:s21+$0xFFFFFFE0] =	vst v9;
	v9 =	vld [tilespmem:s8+$0x20]  }
0x213: {  	[tilespmem:s21+$0xFFFFFFF0] =	vst v11;
	v6 =	vadd.f32 v7, v6;
	v7 =	vld [tilespmem:s9+$0x30]  }
0x214: {  	v11 =	vld [tilespmem:s8+$0x30]  }
0x215: {  	v8 =	vadd.f32 v10, v8;
	v10 =	vld [tilespmem:s9+$0x40]  }
0x216: {  	v13 =	vld [tilespmem:s8+$0x40]  }
0x217: {  	v9 =	vadd.f32 v9, v12;
	v12 =	vld [tilespmem:s9+$0x50]  }
0x218: {  	v14 =	vld [tilespmem:s8+$0x50]  }
0x219: {  	v7 =	vadd.f32 v11, v7;
	v11 =	vld [tilespmem:s9+$0x60]  }
0x21a: {  	s0 =	spop (v2sf);
	v15 =	vld [tilespmem:s8+$0x60]  }
0x21b: {  	s11 =	sshra.s32 s0, $0x9;
	s12 =	spop (v2sf);
	v10 =	vadd.f32 v13, v10;
	v13 =	vld [tilespmem:s9+$0x70]  }
0x21c: {  	s0 =	sshll.u32 s0, $0x7;
	s16 =	sand.u32 $0xFFFFFF80, s11;
	s9 =	spop (v2sf);
	v16 =	vld [tilespmem:s8+$0x70];
	[tilespmem:s21+$0x0] =	vst v6  }
0x21d: {  	s8 =	sshra.s32 s12, $0x9;
	s25 =	sand.u32 $0x7FFF80, s0;
	v6 =	vld [tilespmem:s16+$0x0];
	s0 =	spop (v2sf);
	v12 =	vadd.f32 v14, v12;
	[tilespmem:s21+$0x10] =	vst v8  }
0x21e: {  	s12 =	sshll.u32 s12, $0x7;
	s11 =	sshra.s32 s0, $0x9;
	s0 =	sshll.u32 s0, $0x7;
	v8 =	vld [tilespmem:s25+$0x0];
	[tilespmem:s21+$0x20] =	vst v9  }
0x21f: {  	s26 =	sshra.s32 s9, $0x9;
	s9 =	sshll.u32 s9, $0x7;
	s13 =	sand.u32 $0x7FFF80, s0;
	v9 =	vld [tilespmem:s16+$0x10];
	v11 =	vadd.f32 v15, v11;
	[tilespmem:s21+$0x30] =	vst v7  }
0x220: {  	s0 =	sand.u32 $0xFFFFFF80, s11;
	s11 =	sand.u32 $0x7FFF80, s12;
	s12 =	sand.u32 $0xFFFFFF80, s8;
	v7 =	vld [tilespmem:s25+$0x10];
	[tilespmem:s21+$0x40] =	vst v10  }
0x221: {  	s8 =	sand.u32 $0x7FFF80, s9;
	s9 =	sand.u32 $0xFFFFFF80, s26;
	v10 =	vld [tilespmem:s16+$0x20];
	v13 =	vadd.f32 v16, v13;
	[tilespmem:s21+$0x50] =	vst v12  }
0x222: {  	v12 =	vld [tilespmem:s25+$0x20];
	[tilespmem:s21+$0x60] =	vst v11  }
0x223: {  	v6 =	vadd.f32 v8, v6;
	v8 =	vld [tilespmem:s16+$0x30];
	[tilespmem:s21+$0x70] =	vst v13  }
0x224: {  	v11 =	vld [tilespmem:s16+$0x70]  }
0x225: {  	v7 =	vadd.f32 v7, v9;
	v9 =	vld [tilespmem:s25+$0x70]  }
0x226: {  	v13 =	vld [tilespmem:s25+$0x30]  }
0x227: {  	v10 =	vadd.f32 v12, v10;
	v12 =	vld [tilespmem:s16+$0x40]  }
0x228: {  	v14 =	vld [tilespmem:s25+$0x40]  }
0x229: {  	v15 =	vld [tilespmem:s16+$0x50]  }
0x22a: {  	v16 =	vld [tilespmem:s25+$0x50];
	v9 =	vadd.f32 v9, v11  }
0x22b: {  	s21 =	sadd.s32 $0x200, s21;
	v8 =	vadd.f32 v13, v8;
	v11 =	vld [tilespmem:s16+$0x60]  }
0x22c: {  	v13 =	vld [tilespmem:s25+$0x60];
	[tilespmem:s21+$0xF0] =	vst v9  }
0x22d: {  	v9 =	vld [tilespmem:s0+$0x0];
	v12 =	vadd.f32 v14, v12;
	[tilespmem:s21+$0x80] =	vst v6  }
0x22e: {  	v6 =	vld [tilespmem:s13+$0x0];
	[tilespmem:s21+$0x90] =	vst v7  }
0x22f: {  	v7 =	vld [tilespmem:s0+$0x10];
	v14 =	vadd.f32 v16, v15;
	[tilespmem:s21+$0xA0] =	vst v10  }
0x230: {  	v10 =	vld [tilespmem:s13+$0x10];
	[tilespmem:s21+$0xB0] =	vst v8  }
0x231: {  	v8 =	vld [tilespmem:s0+$0x20];
	v11 =	vadd.f32 v13, v11;
	[tilespmem:s21+$0xC0] =	vst v12  }
0x232: {  	v12 =	vld [tilespmem:s13+$0x20];
	[tilespmem:s21+$0xD0] =	vst v14  }
0x233: {  	v6 =	vadd.f32 v6, v9;
	v9 =	vld [tilespmem:s0+$0x30];
	[tilespmem:s21+$0xE0] =	vst v11  }
0x234: {  	v11 =	vld [tilespmem:s13+$0x30]  }
0x235: {  	v7 =	vadd.f32 v10, v7;
	v10 =	vld [tilespmem:s0+$0x40]  }
0x236: {  	v13 =	vld [tilespmem:s13+$0x40]  }
0x237: {  	v8 =	vadd.f32 v12, v8;
	v12 =	vld [tilespmem:s0+$0x50]  }
0x238: {  	v14 =	vld [tilespmem:s13+$0x50]  }
0x239: {  	v9 =	vadd.f32 v11, v9;
	v11 =	vld [tilespmem:s0+$0x60]  }
0x23a: {  	v15 =	vld [tilespmem:s13+$0x60]  }
0x23b: {  	v10 =	vadd.f32 v13, v10;
	v13 =	vld [tilespmem:s0+$0x70]  }
0x23c: {  	v16 =	vld [tilespmem:s13+$0x70];
	[tilespmem:s21+$0xFFFFFF00] =	vst v6  }
0x23d: {  	v6 =	vadd.f32 v14, v12;
	[tilespmem:s21+$0xFFFFFF10] =	vst v7;
	v7 =	vld [tilespmem:s12+$0x0]  }
0x23e: {  	[tilespmem:s21+$0xFFFFFF20] =	vst v8;
	v8 =	vld [tilespmem:s11+$0x0]  }
0x23f: {  	v11 =	vadd.f32 v15, v11;
	[tilespmem:s21+$0xFFFFFF30] =	vst v9;
	v9 =	vld [tilespmem:s12+$0x10]  }
0x240: {  	[tilespmem:s21+$0xFFFFFF40] =	vst v10;
	v10 =	vld [tilespmem:s11+$0x10]  }
0x241: {  	v12 =	vadd.f32 v16, v13;
	[tilespmem:s21+$0xFFFFFF50] =	vst v6;
	v14 =	vld [tilespmem:s12+$0x20]  }
0x242: {  	[tilespmem:s21+$0xFFFFFF60] =	vst v11;
	v15 =	vld [tilespmem:s11+$0x20]  }
0x243: {  	[tilespmem:s21+$0xFFFFFF70] =	vst v12;
	v6 =	vadd.f32 v8, v7;
	v8 =	vld [tilespmem:s12+$0x30]  }
0x244: {  	v16 =	vld [tilespmem:s11+$0x30]  }
.Ltmp3:
0x245: {  	v7 =	vadd.f32 v10, v9;
	v11 =	vld [tilespmem:s12+$0x40];
	(pc) =	sbr.rel @p0 .LBB2_9-.Ltmp3, $4  }
0x246: {  	v13 =	vld [tilespmem:s11+$0x40]  }
0x247: {  	v10 =	vadd.f32 v15, v14;
	v12 =	vld [tilespmem:s12+$0x50]  }
0x248: {  	v14 =	vld [tilespmem:s11+$0x50]  }
0x249: {  	s10 =	sadd.s32 $0x4, s10;
	v8 =	vadd.f32 v16, v8;
	v9 =	vld [tilespmem:s12+$0x60]  }
0x24a: {  	v15 =	vld [tilespmem:s11+$0x60]  }
0x24b: {  	v16 =	vld [tilespmem:s12+$0x70]  }
0x24c: {  	v17 =	vld [tilespmem:s11+$0x70]  }
0x24d: {  	v18 =	vld [tilespmem:s9+$0x0]  }
0x24e: {  	v19 =	vld [tilespmem:s8+$0x0]  }
0x24f: {  	v20 =	vld [tilespmem:s9+$0x10]  }
0x250: {  	v21 =	vld [tilespmem:s8+$0x10]  }
0x251: {  	v22 =	vld [tilespmem:s9+$0x20]  }
0x252: {  	v23 =	vld [tilespmem:s8+$0x20]  }
0x253: {  	v24 =	vld [tilespmem:s9+$0x30]  }
0x254: {  	[tilespmem:s21+$0xFFFFFF80] =	vst v6;
	v6 =	vld [tilespmem:s9+$0x40]  }
0x255: {  	[tilespmem:s21+$0xFFFFFF90] =	vst v7;
	v7 =	vld [tilespmem:s8+$0x40]  }
0x256: {  	[tilespmem:s21+$0xFFFFFFA0] =	vst v10;
	v10 =	vld [tilespmem:s9+$0x50];
	v11 =	vadd.f32 v13, v11  }
0x257: {  	[tilespmem:s21+$0xFFFFFFB0] =	vst v8;
	v8 =	vld [tilespmem:s8+$0x50];
	v12 =	vadd.f32 v14, v12  }
0x258: {  	v25 =	vld [tilespmem:s8+$0x30];
	[tilespmem:s21+$0xFFFFFFC0] =	vst v11;
	v9 =	vadd.f32 v15, v9  }
0x259: {  	v11 =	vld [tilespmem:s9+$0x60];
	v13 =	vadd.f32 v17, v16;
	[tilespmem:s21+$0xFFFFFFD0] =	vst v12  }
0x25a: {  	v14 =	vld [tilespmem:s9+$0x70];
	v43 =	vadd.f32 v23, v22;
	[tilespmem:s21+$0xFFFFFFE0] =	vst v9  }
0x25b: {  	v12 =	vld [tilespmem:s8+$0x60];
	v6 =	vadd.f32 v7, v6;
	[tilespmem:s21+$0xFFFFFFF0] =	vst v13  }
0x25c: {  	v15 =	vld [tilespmem:s8+$0x70];
	v7 =	vadd.f32 v8, v10;
	[tilespmem:s21+$0x20] =	vst v43  }
0x25d: {  	v9 =	vadd.f32 v19, v18;
	[tilespmem:s21+$0x40] =	vst v6  }
0x25e: {  	v13 =	vadd.f32 v21, v20;
	[tilespmem:s21+$0x50] =	vst v7  }
0x25f: {  	[tilespmem:s21+$0x0] =	vst v9;
	v9 =	vadd.f32 v25, v24  }
0x260: {  	[tilespmem:s21+$0x10] =	vst v13;
	v8 =	vadd.f32 v12, v11  }
0x261: {  	v6 =	vadd.f32 v15, v14;
	[tilespmem:s21+$0x30] =	vst v9  }
0x262: {  	[tilespmem:s21+$0x60] =	vst v8  }
0x263: {  	[tilespmem:s21+$0x70] =	vst v6  }
0x264: {  	v6 =	vld [tilespmem:s5+$0xE048];
	_ =	sdelay $0x4  }
0x265: {  	(v2sf) =	vpush v6, $0x0;
	_ =	sdelay $0xe  }
0x266: {  	s0 =	spop (v2sf)  }
0x267: {  	s12 =	sshra.s32 s0, $0x9  }
0x268: {  	s0 =	sshll.u32 s0, $0x7;
	s5 =	sand.u32 $0xFFFFFF80, s12  }
0x269: {  	s0 =	sand.u32 $0x7FFF80, s0;
	v6 =	vld [tilespmem:s5+$0x0]  }
0x26a: {  	v7 =	vld [tilespmem:s0+$0x0]  }
0x26b: {  	v8 =	vld [tilespmem:s5+$0x10]  }
0x26c: {  	v9 =	vld [tilespmem:s0+$0x10]  }
0x26d: {  	v10 =	vld [tilespmem:s5+$0x20]  }
0x26e: {  	v11 =	vld [tilespmem:s0+$0x20]  }
0x26f: {  	v12 =	vld [tilespmem:s5+$0x30]  }
0x270: {  	v13 =	vld [tilespmem:s0+$0x30]  }
0x271: {  	v14 =	vld [tilespmem:s5+$0x40]  }
0x272: {  	v15 =	vld [tilespmem:s0+$0x40]  }
0x273: {  	v16 =	vld [tilespmem:s5+$0x50]  }
0x274: {  	v44 =	vld [tilespmem:s0+$0x50]  }
0x275: {  	v45 =	vld [tilespmem:s5+$0x60]  }
0x276: {  	v46 =	vld [tilespmem:s0+$0x60];
	v6 =	vadd.f32 v7, v6  }
0x277: {  	v7 =	vld [tilespmem:s5+$0x70];
	v8 =	vadd.f32 v9, v8  }
0x278: {  	v9 =	vld [tilespmem:s0+$0x70];
	v10 =	vadd.f32 v11, v10;
	[tilespmem:$0x17580] =	vst v6  }
0x279: {  	v6 =	vadd.f32 v13, v12;
	[tilespmem:$0x17590] =	vst v8  }
0x27a: {  	v8 =	vadd.f32 v15, v14;
	[tilespmem:$0x175A0] =	vst v10  }
0x27b: {  	v10 =	vadd.f32 v44, v16;
	[tilespmem:$0x175B0] =	vst v6  }
0x27c: {  	s13 =	sadd.s32 s7, s3;
	v6 =	vadd.f32 v46, v45;
	[tilespmem:$0x175C0] =	vst v8  }
0x27d: {  	s0 =	smul.u32 $0x500, s13;
	[tilespmem:$0x175D0] =	vst v10;
	v7 =	vadd.f32 v9, v7  }
0x27e: {  	[tilespmem:$0x175E0] =	vst v6  }
0x27f: {  	s16 =	simm.s32 $0x15180;
	s0 =	sadd.s32 s4, s0;
	[tilespmem:$0x175F0] =	vst v7  }
0x280: {  	[hbm4b:s0+s2] =	stream.linear.scatter [tilespmem:s16], [sflag:$0x2], $0x2480, $0x38;
	[tilespmem:$0x1C980] =	vst v63  }
0x281: {  	v6 =	vld [tilespmem:s18+$0x0];
	_ =	sdelay $0x4  }
0x282: {  	(v2sf) =	vpush v6, $0x0;
	_ =	sdelay $0x8  }
0x283: {  	v6 =	vld [tilespmem:s18+$0xFFFFFFFE]  }
0x284: {  	v7 =	vld [tilespmem:s18+$0xFFFFFFFF]  }
0x285: {  	v8 =	vld [tilespmem:s18+$0xFFFFFFFD];
	_ =	sdelay $0x2  }
0x286: {  	(v2sf) =	vpush v6, $0x0  }
0x287: {  	(v2sf) =	vpush v7, $0x0;
	s21 =	spop (v2sf)  }
0x288: {  	(v2sf) =	vpush v8, $0x0;
	s25 =	sshra.s32 s21, $0x9  }
0x289: {  	s0 =	sshll.u32 s21, $0x7;
	s3 =	sand.u32 $0xFFFFFF80, s25  }
0x28a: {  	s26 =	sand.u32 $0x7FFF80, s0;
	v6 =	vld [tilespmem:s3+$0x0]  }
0x28b: {  	v7 =	vld [tilespmem:s26+$0x0]  }
0x28c: {  	v8 =	vld [tilespmem:s3+$0x10]  }
0x28d: {  	v9 =	vld [tilespmem:s26+$0x10]  }
0x28e: {  	v10 =	vld [tilespmem:s3+$0x20]  }
0x28f: {  	v11 =	vld [tilespmem:s26+$0x20]  }
0x290: {  	v12 =	vld [tilespmem:s3+$0x30]  }
0x291: {  	v13 =	vld [tilespmem:s3+$0x70]  }
0x292: {  	v14 =	vld [tilespmem:s26+$0x70]  }
0x293: {  	v15 =	vld [tilespmem:s26+$0x30]  }
0x294: {  	v47 =	vld [tilespmem:s3+$0x40]  }
0x295: {  	v48 =	vld [tilespmem:s26+$0x40];
	s6 =	spop (v2sf)  }
0x296: {  	v49 =	vld [tilespmem:s3+$0x50];
	s0 =	spop (v2sf)  }
0x297: {  	v50 =	vld [tilespmem:s26+$0x50];
	s10 =	spop (v2sf)  }
0x298: {  	v51 =	vld [tilespmem:s3+$0x60];
	s11 =	sshra.s32 s10, $0x9  }
0x299: {  	v52 =	vld [tilespmem:s26+$0x60];
	s12 =	sshll.u32 s10, $0x7;
	s13 =	sand.u32 $0xFFFFFF80, s11  }
0x29a: {  	s16 =	sand.u32 $0x7FFF80, s12;
	v53 =	vld [tilespmem:s13+$0x0]  }
0x29b: {  	v54 =	vld [tilespmem:s16+$0x0]  }
0x29c: {  	v55 =	vld [tilespmem:s13+$0x10]  }
0x29d: {  	v56 =	vld [tilespmem:s16+$0x10]  }
0x29e: {  	v26 =	vld [tilespmem:s13+$0x20]  }
0x29f: {  	v27 =	vld [tilespmem:s16+$0x20]  }
0x2a0: {  	v28 =	vld [tilespmem:s13+$0x30]  }
0x2a1: {  	v29 =	vld [tilespmem:s16+$0x30]  }
0x2a2: {  	v30 =	vld [tilespmem:s13+$0x40]  }
0x2a3: {  	v31 =	vld [tilespmem:s16+$0x40]  }
0x2a4: {  	v32 =	vld [tilespmem:s13+$0x50]  }
0x2a5: {  	v13 =	vadd.f32 v14, v13;
	v14 =	vld [tilespmem:s16+$0x50]  }
0x2a6: {  	s3 =	simm.s32 $0x17A80;
	v6 =	vadd.f32 v7, v6;
	v7 =	vld [tilespmem:s13+$0x60]  }
0x2a7: {  	v8 =	vadd.f32 v9, v8;
	[tilespmem:s3+$0xF0] =	vst v13;
	v9 =	vld [tilespmem:s16+$0x60]  }
0x2a8: {  	s21 =	sshra.s32 s6, $0x9;
	v10 =	vadd.f32 v11, v10;
	[tilespmem:s3+$0x80] =	vst v6;
	v6 =	vld [tilespmem:s13+$0x70]  }
0x2a9: {  	s6 =	sshll.u32 s6, $0x7;
	v11 =	vadd.f32 v15, v12;
	[tilespmem:s3+$0x90] =	vst v8;
	s12 =	sand.u32 $0xFFFFFF80, s21;
	v8 =	vld [tilespmem:s16+$0x70]  }
0x2aa: {  	v12 =	vadd.f32 v48, v47;
	[tilespmem:s3+$0xA0] =	vst v10;
	s11 =	sand.u32 $0x7FFF80, s6;
	v10 =	vld [tilespmem:s12+$0x0]  }
0x2ab: {  	v13 =	vadd.f32 v50, v49;
	[tilespmem:s3+$0xB0] =	vst v11;
	v15 =	vld [tilespmem:s11+$0x0]  }
0x2ac: {  	v11 =	vadd.f32 v52, v51;
	[tilespmem:s3+$0xC0] =	vst v12;
	v57 =	vld [tilespmem:s12+$0x10]  }
0x2ad: {  	[tilespmem:s3+$0xD0] =	vst v13;
	v58 =	vld [tilespmem:s11+$0x10];
	v12 =	vadd.f32 v54, v53  }
0x2ae: {  	[tilespmem:s3+$0xE0] =	vst v11;
	v59 =	vld [tilespmem:s12+$0x20];
	v11 =	vadd.f32 v56, v55  }
0x2af: {  	v60 =	vld [tilespmem:s11+$0x20];
	v13 =	vadd.f32 v27, v26;
	[tilespmem:s3+$0xFFFFFF00] =	vst v12  }
0x2b0: {  	v61 =	vld [tilespmem:s12+$0x30];
	v62 =	vadd.f32 v31, v30;
	[tilespmem:s3+$0xFFFFFF10] =	vst v11  }
0x2b1: {  	v63 =	vld [tilespmem:s11+$0x30];
	v14 =	vadd.f32 v14, v32;
	[tilespmem:s3+$0xFFFFFF20] =	vst v13  }
0x2b2: {  	v7 =	vadd.f32 v9, v7;
	v11 =	vld [tilespmem:s12+$0x40];
	[tilespmem:s3+$0xFFFFFF40] =	vst v62  }
0x2b3: {  	s21 =	sor.u32 $0x2, s20;
	v12 =	vadd.f32 v29, v28;
	v13 =	vld [tilespmem:s11+$0x40];
	[tilespmem:s3+$0xFFFFFF50] =	vst v14  }
0x2b4: {  	s26 =	sshra.s32 s0, $0x9;
	s0 =	sshll.u32 s0, $0x7;
	s25 =	smul.u32 $0x124, s21;
	v8 =	vadd.f32 v8, v6;
	[tilespmem:s3+$0xFFFFFF60] =	vst v7;
	v14 =	vld [tilespmem:s11+$0x50]  }
0x2b5: {  	s8 =	sand.u32 $0x7FFF80, s0;
	s9 =	sand.u32 $0xFFFFFF80, s26;
	v6 =	vadd.f32 v15, v10;
	v10 =	vadd.f32 v60, v59;
	[tilespmem:s3+$0xFFFFFF30] =	vst v12;
	v12 =	vld [tilespmem:s12+$0x50]  }
0x2b6: {  	s10 =	sadd.s32 $0x4, s18;
	s6 =	simm.s32 $0x0;
	s5 =	sshra.s32 s25, $0x2;
	v9 =	vld [tilespmem:s12+$0x60];
	v7 =	vadd.f32 v58, v57;
	[tilespmem:s3+$0xFFFFFF70] =	vst v8;
	v8 =	vadd.f32 v63, v61  }
.LBB2_11:
0x2b7: {  	v15 =	vld [tilespmem:s10+$0x0]  }
0x2b8: {  	v16 =	vld [tilespmem:s10+$0xFFFFFFFE];
	v11 =	vadd.f32 v13, v11  }
0x2b9: {  	v13 =	vld [tilespmem:s10+$0xFFFFFFFF]  }
0x2ba: {  	v17 =	vld [tilespmem:s10+$0xFFFFFFFD];
	v12 =	vadd.f32 v14, v12  }
0x2bb: {  	v14 =	vld [tilespmem:s11+$0x60]  }
0x2bc: {  	(v2sf) =	vpush v15, $0x0;
	v15 =	vld [tilespmem:s12+$0x70]  }
0x2bd: {  	(v2sf) =	vpush v16, $0x0;
	v16 =	vld [tilespmem:s11+$0x70];
	[tilespmem:s3+$0xFFFFFF80] =	vst v6  }
0x2be: {  	(v2sf) =	vpush v13, $0x0;
	[tilespmem:s3+$0xFFFFFF90] =	vst v7;
	v6 =	vld [tilespmem:s9+$0x0]  }
0x2bf: {  	s6 =	sadd.s32 $0x4, s6;
	(v2sf) =	vpush v17, $0x0;
	[tilespmem:s3+$0xFFFFFFA0] =	vst v10;
	v7 =	vld [tilespmem:s8+$0x0]  }
0x2c0: {  	p0 =	slt.u32 s6, $0x44;
	v9 =	vadd.f32 v14, v9;
	[tilespmem:s3+$0xFFFFFFB0] =	vst v8;
	v8 =	vld [tilespmem:s9+$0x10]  }
0x2c1: {  	[tilespmem:s3+$0xFFFFFFC0] =	vst v11;
	v10 =	vld [tilespmem:s8+$0x10]  }
0x2c2: {  	v11 =	vadd.f32 v16, v15;
	[tilespmem:s3+$0xFFFFFFD0] =	vst v12;
	v12 =	vld [tilespmem:s9+$0x20]  }
0x2c3: {  	[tilespmem:s3+$0xFFFFFFE0] =	vst v9;
	v9 =	vld [tilespmem:s8+$0x20]  }
0x2c4: {  	[tilespmem:s3+$0xFFFFFFF0] =	vst v11;
	v6 =	vadd.f32 v7, v6;
	v7 =	vld [tilespmem:s9+$0x30]  }
0x2c5: {  	v11 =	vld [tilespmem:s8+$0x30]  }
0x2c6: {  	v8 =	vadd.f32 v10, v8;
	v10 =	vld [tilespmem:s9+$0x40]  }
0x2c7: {  	v13 =	vld [tilespmem:s8+$0x40]  }
0x2c8: {  	v9 =	vadd.f32 v9, v12;
	v12 =	vld [tilespmem:s9+$0x50]  }
0x2c9: {  	v14 =	vld [tilespmem:s8+$0x50]  }
0x2ca: {  	v7 =	vadd.f32 v11, v7;
	v11 =	vld [tilespmem:s9+$0x60]  }
0x2cb: {  	s0 =	spop (v2sf);
	v15 =	vld [tilespmem:s8+$0x60]  }
0x2cc: {  	s11 =	sshra.s32 s0, $0x9;
	s12 =	spop (v2sf);
	v10 =	vadd.f32 v13, v10;
	v13 =	vld [tilespmem:s9+$0x70]  }
0x2cd: {  	s0 =	sshll.u32 s0, $0x7;
	s16 =	sand.u32 $0xFFFFFF80, s11;
	s9 =	spop (v2sf);
	v16 =	vld [tilespmem:s8+$0x70];
	[tilespmem:s3+$0x0] =	vst v6  }
0x2ce: {  	s8 =	sshra.s32 s12, $0x9;
	s25 =	sand.u32 $0x7FFF80, s0;
	v6 =	vld [tilespmem:s16+$0x0];
	s0 =	spop (v2sf);
	v12 =	vadd.f32 v14, v12;
	[tilespmem:s3+$0x10] =	vst v8  }
0x2cf: {  	s12 =	sshll.u32 s12, $0x7;
	s11 =	sshra.s32 s0, $0x9;
	s0 =	sshll.u32 s0, $0x7;
	v8 =	vld [tilespmem:s25+$0x0];
	[tilespmem:s3+$0x20] =	vst v9  }
0x2d0: {  	s26 =	sshra.s32 s9, $0x9;
	s9 =	sshll.u32 s9, $0x7;
	s13 =	sand.u32 $0x7FFF80, s0;
	v9 =	vld [tilespmem:s16+$0x10];
	v11 =	vadd.f32 v15, v11;
	[tilespmem:s3+$0x30] =	vst v7  }
0x2d1: {  	s0 =	sand.u32 $0xFFFFFF80, s11;
	s11 =	sand.u32 $0x7FFF80, s12;
	s12 =	sand.u32 $0xFFFFFF80, s8;
	v7 =	vld [tilespmem:s25+$0x10];
	[tilespmem:s3+$0x40] =	vst v10  }
0x2d2: {  	s8 =	sand.u32 $0x7FFF80, s9;
	s9 =	sand.u32 $0xFFFFFF80, s26;
	v10 =	vld [tilespmem:s16+$0x20];
	v13 =	vadd.f32 v16, v13;
	[tilespmem:s3+$0x50] =	vst v12  }
0x2d3: {  	v12 =	vld [tilespmem:s25+$0x20];
	[tilespmem:s3+$0x60] =	vst v11  }
0x2d4: {  	v6 =	vadd.f32 v8, v6;
	v8 =	vld [tilespmem:s16+$0x30];
	[tilespmem:s3+$0x70] =	vst v13  }
0x2d5: {  	v11 =	vld [tilespmem:s16+$0x70]  }
0x2d6: {  	v7 =	vadd.f32 v7, v9;
	v9 =	vld [tilespmem:s25+$0x70]  }
0x2d7: {  	v13 =	vld [tilespmem:s25+$0x30]  }
0x2d8: {  	v10 =	vadd.f32 v12, v10;
	v12 =	vld [tilespmem:s16+$0x40]  }
0x2d9: {  	v14 =	vld [tilespmem:s25+$0x40]  }
0x2da: {  	v15 =	vld [tilespmem:s16+$0x50]  }
0x2db: {  	v16 =	vld [tilespmem:s25+$0x50];
	v9 =	vadd.f32 v9, v11  }
0x2dc: {  	s3 =	sadd.s32 $0x200, s3;
	v8 =	vadd.f32 v13, v8;
	v11 =	vld [tilespmem:s16+$0x60]  }
0x2dd: {  	v13 =	vld [tilespmem:s25+$0x60];
	[tilespmem:s3+$0xF0] =	vst v9  }
0x2de: {  	v9 =	vld [tilespmem:s0+$0x0];
	v12 =	vadd.f32 v14, v12;
	[tilespmem:s3+$0x80] =	vst v6  }
0x2df: {  	v6 =	vld [tilespmem:s13+$0x0];
	[tilespmem:s3+$0x90] =	vst v7  }
0x2e0: {  	v7 =	vld [tilespmem:s0+$0x10];
	v14 =	vadd.f32 v16, v15;
	[tilespmem:s3+$0xA0] =	vst v10  }
0x2e1: {  	v10 =	vld [tilespmem:s13+$0x10];
	[tilespmem:s3+$0xB0] =	vst v8  }
0x2e2: {  	v8 =	vld [tilespmem:s0+$0x20];
	v11 =	vadd.f32 v13, v11;
	[tilespmem:s3+$0xC0] =	vst v12  }
0x2e3: {  	v12 =	vld [tilespmem:s13+$0x20];
	[tilespmem:s3+$0xD0] =	vst v14  }
0x2e4: {  	v6 =	vadd.f32 v6, v9;
	v9 =	vld [tilespmem:s0+$0x30];
	[tilespmem:s3+$0xE0] =	vst v11  }
0x2e5: {  	v11 =	vld [tilespmem:s13+$0x30]  }
0x2e6: {  	v7 =	vadd.f32 v10, v7;
	v10 =	vld [tilespmem:s0+$0x40]  }
0x2e7: {  	v13 =	vld [tilespmem:s13+$0x40]  }
0x2e8: {  	v8 =	vadd.f32 v12, v8;
	v12 =	vld [tilespmem:s0+$0x50]  }
0x2e9: {  	v14 =	vld [tilespmem:s13+$0x50]  }
0x2ea: {  	v9 =	vadd.f32 v11, v9;
	v11 =	vld [tilespmem:s0+$0x60]  }
0x2eb: {  	v15 =	vld [tilespmem:s13+$0x60]  }
0x2ec: {  	v10 =	vadd.f32 v13, v10;
	v13 =	vld [tilespmem:s0+$0x70]  }
0x2ed: {  	v16 =	vld [tilespmem:s13+$0x70];
	[tilespmem:s3+$0xFFFFFF00] =	vst v6  }
0x2ee: {  	v6 =	vadd.f32 v14, v12;
	[tilespmem:s3+$0xFFFFFF10] =	vst v7;
	v7 =	vld [tilespmem:s12+$0x0]  }
0x2ef: {  	[tilespmem:s3+$0xFFFFFF20] =	vst v8;
	v8 =	vld [tilespmem:s11+$0x0]  }
0x2f0: {  	v11 =	vadd.f32 v15, v11;
	[tilespmem:s3+$0xFFFFFF30] =	vst v9;
	v9 =	vld [tilespmem:s12+$0x10]  }
0x2f1: {  	[tilespmem:s3+$0xFFFFFF40] =	vst v10;
	v10 =	vld [tilespmem:s11+$0x10]  }
0x2f2: {  	v12 =	vadd.f32 v16, v13;
	[tilespmem:s3+$0xFFFFFF50] =	vst v6;
	v14 =	vld [tilespmem:s12+$0x20]  }
0x2f3: {  	[tilespmem:s3+$0xFFFFFF60] =	vst v11;
	v15 =	vld [tilespmem:s11+$0x20]  }
0x2f4: {  	[tilespmem:s3+$0xFFFFFF70] =	vst v12;
	v6 =	vadd.f32 v8, v7;
	v8 =	vld [tilespmem:s12+$0x30]  }
0x2f5: {  	v16 =	vld [tilespmem:s11+$0x30]  }
.Ltmp4:
0x2f6: {  	v7 =	vadd.f32 v10, v9;
	v11 =	vld [tilespmem:s12+$0x40];
	(pc) =	sbr.rel @p0 .LBB2_11-.Ltmp4, $4  }
0x2f7: {  	v13 =	vld [tilespmem:s11+$0x40]  }
0x2f8: {  	v10 =	vadd.f32 v15, v14;
	v12 =	vld [tilespmem:s12+$0x50]  }
0x2f9: {  	v14 =	vld [tilespmem:s11+$0x50]  }
0x2fa: {  	s10 =	sadd.s32 $0x4, s10;
	v8 =	vadd.f32 v16, v8;
	v9 =	vld [tilespmem:s12+$0x60]  }
0x2fb: {  	v15 =	vld [tilespmem:s11+$0x60]  }
0x2fc: {  	v16 =	vld [tilespmem:s12+$0x70]  }
0x2fd: {  	v17 =	vld [tilespmem:s11+$0x70]  }
0x2fe: {  	v18 =	vld [tilespmem:s9+$0x0]  }
0x2ff: {  	v19 =	vld [tilespmem:s8+$0x0]  }
0x300: {  	v20 =	vld [tilespmem:s9+$0x10]  }
0x301: {  	v21 =	vld [tilespmem:s8+$0x10]  }
0x302: {  	v22 =	vld [tilespmem:s9+$0x20]  }
0x303: {  	v23 =	vld [tilespmem:s8+$0x20]  }
0x304: {  	v24 =	vld [tilespmem:s9+$0x30]  }
0x305: {  	[tilespmem:s3+$0xFFFFFF80] =	vst v6;
	v6 =	vld [tilespmem:s9+$0x40]  }
0x306: {  	[tilespmem:s3+$0xFFFFFF90] =	vst v7;
	v7 =	vld [tilespmem:s8+$0x40]  }
0x307: {  	[tilespmem:s3+$0xFFFFFFA0] =	vst v10;
	v10 =	vld [tilespmem:s9+$0x50];
	v11 =	vadd.f32 v13, v11  }
0x308: {  	[tilespmem:s3+$0xFFFFFFB0] =	vst v8;
	v8 =	vld [tilespmem:s8+$0x50];
	v12 =	vadd.f32 v14, v12  }
0x309: {  	v25 =	vld [tilespmem:s8+$0x30];
	[tilespmem:s3+$0xFFFFFFC0] =	vst v11;
	v9 =	vadd.f32 v15, v9  }
0x30a: {  	v11 =	vld [tilespmem:s9+$0x60];
	v13 =	vadd.f32 v17, v16;
	[tilespmem:s3+$0xFFFFFFD0] =	vst v12  }
0x30b: {  	v14 =	vld [tilespmem:s9+$0x70];
	v43 =	vadd.f32 v23, v22;
	[tilespmem:s3+$0xFFFFFFE0] =	vst v9  }
0x30c: {  	v12 =	vld [tilespmem:s8+$0x60];
	v6 =	vadd.f32 v7, v6;
	[tilespmem:s3+$0xFFFFFFF0] =	vst v13  }
0x30d: {  	v15 =	vld [tilespmem:s8+$0x70];
	v7 =	vadd.f32 v8, v10;
	[tilespmem:s3+$0x20] =	vst v43  }
0x30e: {  	v9 =	vadd.f32 v19, v18;
	[tilespmem:s3+$0x40] =	vst v6  }
0x30f: {  	v13 =	vadd.f32 v21, v20;
	[tilespmem:s3+$0x50] =	vst v7  }
0x310: {  	[tilespmem:s3+$0x0] =	vst v9;
	v9 =	vadd.f32 v25, v24  }
0x311: {  	[tilespmem:s3+$0x10] =	vst v13;
	v8 =	vadd.f32 v12, v11  }
0x312: {  	v6 =	vadd.f32 v15, v14;
	[tilespmem:s3+$0x30] =	vst v9  }
0x313: {  	[tilespmem:s3+$0x60] =	vst v8  }
0x314: {  	[tilespmem:s3+$0x70] =	vst v6  }
0x315: {  	v6 =	vld [tilespmem:s5+$0xE048];
	_ =	sdelay $0x4  }
0x316: {  	(v2sf) =	vpush v6, $0x0;
	_ =	sdelay $0xe  }
0x317: {  	s0 =	spop (v2sf)  }
0x318: {  	s13 =	sshra.s32 s0, $0x9  }
0x319: {  	s0 =	sshll.u32 s0, $0x7;
	s3 =	sand.u32 $0xFFFFFF80, s13  }
0x31a: {  	s0 =	sand.u32 $0x7FFF80, s0;
	v6 =	vld [tilespmem:s3+$0x0]  }
0x31b: {  	v7 =	vld [tilespmem:s0+$0x0]  }
0x31c: {  	v8 =	vld [tilespmem:s3+$0x10]  }
0x31d: {  	v9 =	vld [tilespmem:s0+$0x10]  }
0x31e: {  	v10 =	vld [tilespmem:s3+$0x20]  }
0x31f: {  	v11 =	vld [tilespmem:s0+$0x20]  }
0x320: {  	v12 =	vld [tilespmem:s3+$0x30]  }
0x321: {  	v13 =	vld [tilespmem:s0+$0x30]  }
0x322: {  	v14 =	vld [tilespmem:s3+$0x40]  }
0x323: {  	v15 =	vld [tilespmem:s0+$0x40]  }
0x324: {  	v16 =	vld [tilespmem:s3+$0x50]  }
0x325: {  	v44 =	vld [tilespmem:s0+$0x50]  }
0x326: {  	v45 =	vld [tilespmem:s3+$0x60]  }
0x327: {  	v46 =	vld [tilespmem:s0+$0x60];
	v6 =	vadd.f32 v7, v6  }
0x328: {  	v7 =	vld [tilespmem:s3+$0x70];
	v8 =	vadd.f32 v9, v8  }
0x329: {  	v9 =	vld [tilespmem:s0+$0x70];
	v10 =	vadd.f32 v11, v10;
	[tilespmem:$0x19D80] =	vst v6  }
0x32a: {  	v6 =	vadd.f32 v13, v12;
	[tilespmem:$0x19D90] =	vst v8  }
0x32b: {  	v8 =	vadd.f32 v15, v14;
	[tilespmem:$0x19DA0] =	vst v10  }
0x32c: {  	v10 =	vadd.f32 v44, v16;
	[tilespmem:$0x19DB0] =	vst v6  }
0x32d: {  	v6 =	vadd.f32 v46, v45;
	[tilespmem:$0x19DC0] =	vst v8  }
0x32e: {  	[tilespmem:$0x19DD0] =	vst v10;
	v7 =	vadd.f32 v9, v7  }
0x32f: {  	[tilespmem:$0x19DE0] =	vst v6  }
0x330: {  	s16 =	sadd.s32 s7, s21;
	[tilespmem:$0x19DF0] =	vst v7  }
0x331: {  	s0 =	smul.u32 $0x500, s16;
	_ =	swait.ge [sflag:s24], $0x2480  }
0x332: {  	[sflag:s24] =	ssyncset.done $0x0  }
0x333: {  	s0 =	sadd.s32 s4, s0;
	[sflag:s24] =	ssyncadd.s32 $0xFFFFDB80  }
0x334: {  	[hbm4b:s0+s2] =	stream.linear.scatter [tilespmem:s28], [sflag:$0x3], $0x2480, $0x38;
	[tilespmem:$0x1C980] =	vst v63  }
0x335: {  	v6 =	vld [tilespmem:s19+$0x0];
	_ =	sdelay $0x4  }
0x336: {  	(v2sf) =	vpush v6, $0x0;
	_ =	sdelay $0x8  }
0x337: {  	v6 =	vld [tilespmem:s19+$0xFFFFFFFE]  }
0x338: {  	v7 =	vld [tilespmem:s19+$0xFFFFFFFF]  }
0x339: {  	v8 =	vld [tilespmem:s19+$0xFFFFFFFD];
	_ =	sdelay $0x2  }
0x33a: {  	(v2sf) =	vpush v6, $0x0  }
0x33b: {  	(v2sf) =	vpush v7, $0x0;
	s21 =	spop (v2sf)  }
0x33c: {  	(v2sf) =	vpush v8, $0x0;
	s25 =	sshra.s32 s21, $0x9  }
0x33d: {  	s0 =	sshll.u32 s21, $0x7;
	s3 =	sand.u32 $0xFFFFFF80, s25  }
0x33e: {  	s26 =	sand.u32 $0x7FFF80, s0;
	v6 =	vld [tilespmem:s3+$0x0]  }
0x33f: {  	v7 =	vld [tilespmem:s26+$0x0]  }
0x340: {  	v8 =	vld [tilespmem:s3+$0x10]  }
0x341: {  	v9 =	vld [tilespmem:s26+$0x10]  }
0x342: {  	v10 =	vld [tilespmem:s3+$0x20]  }
0x343: {  	v11 =	vld [tilespmem:s26+$0x20]  }
0x344: {  	v12 =	vld [tilespmem:s3+$0x30]  }
0x345: {  	v13 =	vld [tilespmem:s3+$0x70]  }
0x346: {  	v14 =	vld [tilespmem:s26+$0x70]  }
0x347: {  	v15 =	vld [tilespmem:s26+$0x30]  }
0x348: {  	v47 =	vld [tilespmem:s3+$0x40]  }
0x349: {  	v48 =	vld [tilespmem:s26+$0x40];
	s6 =	spop (v2sf)  }
0x34a: {  	v49 =	vld [tilespmem:s3+$0x50];
	s0 =	spop (v2sf)  }
0x34b: {  	v50 =	vld [tilespmem:s26+$0x50];
	s10 =	spop (v2sf)  }
0x34c: {  	v51 =	vld [tilespmem:s3+$0x60];
	s11 =	sshra.s32 s10, $0x9  }
0x34d: {  	v52 =	vld [tilespmem:s26+$0x60];
	s12 =	sshll.u32 s10, $0x7;
	s13 =	sand.u32 $0xFFFFFF80, s11  }
0x34e: {  	s16 =	sand.u32 $0x7FFF80, s12;
	v53 =	vld [tilespmem:s13+$0x0]  }
0x34f: {  	v54 =	vld [tilespmem:s16+$0x0]  }
0x350: {  	v55 =	vld [tilespmem:s13+$0x10]  }
0x351: {  	v56 =	vld [tilespmem:s16+$0x10]  }
0x352: {  	v26 =	vld [tilespmem:s13+$0x20]  }
0x353: {  	v27 =	vld [tilespmem:s16+$0x20]  }
0x354: {  	v28 =	vld [tilespmem:s13+$0x30]  }
0x355: {  	v29 =	vld [tilespmem:s16+$0x30]  }
0x356: {  	v30 =	vld [tilespmem:s13+$0x40]  }
0x357: {  	v31 =	vld [tilespmem:s16+$0x40]  }
0x358: {  	v32 =	vld [tilespmem:s13+$0x50]  }
0x359: {  	v13 =	vadd.f32 v14, v13;
	v14 =	vld [tilespmem:s16+$0x50]  }
0x35a: {  	s3 =	simm.s32 $0x1A280;
	v6 =	vadd.f32 v7, v6;
	v7 =	vld [tilespmem:s13+$0x60]  }
0x35b: {  	v8 =	vadd.f32 v9, v8;
	[tilespmem:s3+$0xF0] =	vst v13;
	v9 =	vld [tilespmem:s16+$0x60]  }
0x35c: {  	s21 =	sshra.s32 s6, $0x9;
	v10 =	vadd.f32 v11, v10;
	[tilespmem:s3+$0x80] =	vst v6;
	v6 =	vld [tilespmem:s13+$0x70]  }
0x35d: {  	s6 =	sshll.u32 s6, $0x7;
	v11 =	vadd.f32 v15, v12;
	[tilespmem:s3+$0x90] =	vst v8;
	s12 =	sand.u32 $0xFFFFFF80, s21;
	v8 =	vld [tilespmem:s16+$0x70]  }
0x35e: {  	v12 =	vadd.f32 v48, v47;
	[tilespmem:s3+$0xA0] =	vst v10;
	s11 =	sand.u32 $0x7FFF80, s6;
	v10 =	vld [tilespmem:s12+$0x0]  }
0x35f: {  	v13 =	vadd.f32 v50, v49;
	[tilespmem:s3+$0xB0] =	vst v11;
	v15 =	vld [tilespmem:s11+$0x0]  }
0x360: {  	v11 =	vadd.f32 v52, v51;
	[tilespmem:s3+$0xC0] =	vst v12;
	v57 =	vld [tilespmem:s12+$0x10]  }
0x361: {  	[tilespmem:s3+$0xD0] =	vst v13;
	v58 =	vld [tilespmem:s11+$0x10];
	v12 =	vadd.f32 v54, v53  }
0x362: {  	[tilespmem:s3+$0xE0] =	vst v11;
	v59 =	vld [tilespmem:s12+$0x20];
	v11 =	vadd.f32 v56, v55  }
0x363: {  	v60 =	vld [tilespmem:s11+$0x20];
	v13 =	vadd.f32 v27, v26;
	[tilespmem:s3+$0xFFFFFF00] =	vst v12  }
0x364: {  	v61 =	vld [tilespmem:s12+$0x30];
	v62 =	vadd.f32 v31, v30;
	[tilespmem:s3+$0xFFFFFF10] =	vst v11  }
0x365: {  	v63 =	vld [tilespmem:s11+$0x30];
	v14 =	vadd.f32 v14, v32;
	[tilespmem:s3+$0xFFFFFF20] =	vst v13  }
0x366: {  	s20 =	sor.u32 $0x3, s20;
	v7 =	vadd.f32 v9, v7;
	v11 =	vld [tilespmem:s12+$0x40];
	[tilespmem:s3+$0xFFFFFF40] =	vst v62  }
0x367: {  	s25 =	smul.u32 $0x124, s20;
	v12 =	vadd.f32 v29, v28;
	v13 =	vld [tilespmem:s11+$0x40];
	[tilespmem:s3+$0xFFFFFF50] =	vst v14  }
0x368: {  	s26 =	sshra.s32 s0, $0x9;
	s0 =	sshll.u32 s0, $0x7;
	v8 =	vadd.f32 v8, v6;
	[tilespmem:s3+$0xFFFFFF60] =	vst v7;
	v14 =	vld [tilespmem:s11+$0x50]  }
0x369: {  	s5 =	sshra.s32 s25, $0x2;
	s8 =	sand.u32 $0x7FFF80, s0;
	v6 =	vadd.f32 v15, v10;
	v10 =	vadd.f32 v60, v59;
	[tilespmem:s3+$0xFFFFFF30] =	vst v12;
	v12 =	vld [tilespmem:s12+$0x50]  }
0x36a: {  	s9 =	sand.u32 $0xFFFFFF80, s26;
	s10 =	sadd.s32 $0x4, s19;
	s6 =	simm.s32 $0x0;
	v9 =	vld [tilespmem:s12+$0x60];
	v7 =	vadd.f32 v58, v57;
	[tilespmem:s3+$0xFFFFFF70] =	vst v8;
	v8 =	vadd.f32 v63, v61  }
.LBB2_13:
0x36b: {  	v15 =	vld [tilespmem:s10+$0x0]  }
0x36c: {  	v16 =	vld [tilespmem:s10+$0xFFFFFFFE];
	v11 =	vadd.f32 v13, v11  }
0x36d: {  	v13 =	vld [tilespmem:s10+$0xFFFFFFFF]  }
0x36e: {  	v17 =	vld [tilespmem:s10+$0xFFFFFFFD];
	v12 =	vadd.f32 v14, v12  }
0x36f: {  	v14 =	vld [tilespmem:s11+$0x60]  }
0x370: {  	(v2sf) =	vpush v15, $0x0;
	v15 =	vld [tilespmem:s12+$0x70]  }
0x371: {  	(v2sf) =	vpush v16, $0x0;
	v16 =	vld [tilespmem:s11+$0x70];
	[tilespmem:s3+$0xFFFFFF80] =	vst v6  }
0x372: {  	(v2sf) =	vpush v13, $0x0;
	[tilespmem:s3+$0xFFFFFF90] =	vst v7;
	v6 =	vld [tilespmem:s9+$0x0]  }
0x373: {  	s6 =	sadd.s32 $0x4, s6;
	(v2sf) =	vpush v17, $0x0;
	[tilespmem:s3+$0xFFFFFFA0] =	vst v10;
	v7 =	vld [tilespmem:s8+$0x0]  }
0x374: {  	p0 =	slt.u32 s6, $0x44;
	v9 =	vadd.f32 v14, v9;
	[tilespmem:s3+$0xFFFFFFB0] =	vst v8;
	v8 =	vld [tilespmem:s9+$0x10]  }
0x375: {  	[tilespmem:s3+$0xFFFFFFC0] =	vst v11;
	v10 =	vld [tilespmem:s8+$0x10]  }
0x376: {  	v11 =	vadd.f32 v16, v15;
	[tilespmem:s3+$0xFFFFFFD0] =	vst v12;
	v12 =	vld [tilespmem:s9+$0x20]  }
0x377: {  	[tilespmem:s3+$0xFFFFFFE0] =	vst v9;
	v9 =	vld [tilespmem:s8+$0x20]  }
0x378: {  	[tilespmem:s3+$0xFFFFFFF0] =	vst v11;
	v6 =	vadd.f32 v7, v6;
	v7 =	vld [tilespmem:s9+$0x30]  }
0x379: {  	v11 =	vld [tilespmem:s8+$0x30]  }
0x37a: {  	v8 =	vadd.f32 v10, v8;
	v10 =	vld [tilespmem:s9+$0x40]  }
0x37b: {  	v13 =	vld [tilespmem:s8+$0x40]  }
0x37c: {  	v9 =	vadd.f32 v9, v12;
	v12 =	vld [tilespmem:s9+$0x50]  }
0x37d: {  	v14 =	vld [tilespmem:s8+$0x50]  }
0x37e: {  	v7 =	vadd.f32 v11, v7;
	v11 =	vld [tilespmem:s9+$0x60]  }
0x37f: {  	s0 =	spop (v2sf);
	v15 =	vld [tilespmem:s8+$0x60]  }
0x380: {  	s11 =	sshra.s32 s0, $0x9;
	s12 =	spop (v2sf);
	v10 =	vadd.f32 v13, v10;
	v13 =	vld [tilespmem:s9+$0x70]  }
0x381: {  	s0 =	sshll.u32 s0, $0x7;
	s16 =	sand.u32 $0xFFFFFF80, s11;
	s9 =	spop (v2sf);
	v16 =	vld [tilespmem:s8+$0x70];
	[tilespmem:s3+$0x0] =	vst v6  }
0x382: {  	s8 =	sshra.s32 s12, $0x9;
	s21 =	sand.u32 $0x7FFF80, s0;
	v6 =	vld [tilespmem:s16+$0x0];
	s0 =	spop (v2sf);
	v12 =	vadd.f32 v14, v12;
	[tilespmem:s3+$0x10] =	vst v8  }
0x383: {  	s12 =	sshll.u32 s12, $0x7;
	s11 =	sshra.s32 s0, $0x9;
	s0 =	sshll.u32 s0, $0x7;
	v8 =	vld [tilespmem:s21+$0x0];
	[tilespmem:s3+$0x20] =	vst v9  }
0x384: {  	s25 =	sshra.s32 s9, $0x9;
	s9 =	sshll.u32 s9, $0x7;
	s13 =	sand.u32 $0x7FFF80, s0;
	v9 =	vld [tilespmem:s16+$0x10];
	v11 =	vadd.f32 v15, v11;
	[tilespmem:s3+$0x30] =	vst v7  }
0x385: {  	s0 =	sand.u32 $0xFFFFFF80, s11;
	s11 =	sand.u32 $0x7FFF80, s12;
	s12 =	sand.u32 $0xFFFFFF80, s8;
	v7 =	vld [tilespmem:s21+$0x10];
	[tilespmem:s3+$0x40] =	vst v10  }
0x386: {  	s8 =	sand.u32 $0x7FFF80, s9;
	s9 =	sand.u32 $0xFFFFFF80, s25;
	v10 =	vld [tilespmem:s16+$0x20];
	v13 =	vadd.f32 v16, v13;
	[tilespmem:s3+$0x50] =	vst v12  }
0x387: {  	v12 =	vld [tilespmem:s21+$0x20];
	[tilespmem:s3+$0x60] =	vst v11  }
0x388: {  	v6 =	vadd.f32 v8, v6;
	v8 =	vld [tilespmem:s16+$0x30];
	[tilespmem:s3+$0x70] =	vst v13  }
0x389: {  	v11 =	vld [tilespmem:s16+$0x70]  }
0x38a: {  	v7 =	vadd.f32 v7, v9;
	v9 =	vld [tilespmem:s21+$0x70]  }
0x38b: {  	v13 =	vld [tilespmem:s21+$0x30]  }
0x38c: {  	v10 =	vadd.f32 v12, v10;
	v12 =	vld [tilespmem:s16+$0x40]  }
0x38d: {  	v14 =	vld [tilespmem:s21+$0x40]  }
0x38e: {  	v15 =	vld [tilespmem:s16+$0x50]  }
0x38f: {  	v16 =	vld [tilespmem:s21+$0x50];
	v9 =	vadd.f32 v9, v11  }
0x390: {  	s3 =	sadd.s32 $0x200, s3;
	v8 =	vadd.f32 v13, v8;
	v11 =	vld [tilespmem:s16+$0x60]  }
0x391: {  	v13 =	vld [tilespmem:s21+$0x60];
	[tilespmem:s3+$0xF0] =	vst v9  }
0x392: {  	v9 =	vld [tilespmem:s0+$0x0];
	v12 =	vadd.f32 v14, v12;
	[tilespmem:s3+$0x80] =	vst v6  }
0x393: {  	v6 =	vld [tilespmem:s13+$0x0];
	[tilespmem:s3+$0x90] =	vst v7  }
0x394: {  	v7 =	vld [tilespmem:s0+$0x10];
	v14 =	vadd.f32 v16, v15;
	[tilespmem:s3+$0xA0] =	vst v10  }
0x395: {  	v10 =	vld [tilespmem:s13+$0x10];
	[tilespmem:s3+$0xB0] =	vst v8  }
0x396: {  	v8 =	vld [tilespmem:s0+$0x20];
	v11 =	vadd.f32 v13, v11;
	[tilespmem:s3+$0xC0] =	vst v12  }
0x397: {  	v12 =	vld [tilespmem:s13+$0x20];
	[tilespmem:s3+$0xD0] =	vst v14  }
0x398: {  	v6 =	vadd.f32 v6, v9;
	v9 =	vld [tilespmem:s0+$0x30];
	[tilespmem:s3+$0xE0] =	vst v11  }
0x399: {  	v11 =	vld [tilespmem:s13+$0x30]  }
0x39a: {  	v7 =	vadd.f32 v10, v7;
	v10 =	vld [tilespmem:s0+$0x40]  }
0x39b: {  	v13 =	vld [tilespmem:s13+$0x40]  }
0x39c: {  	v8 =	vadd.f32 v12, v8;
	v12 =	vld [tilespmem:s0+$0x50]  }
0x39d: {  	v14 =	vld [tilespmem:s13+$0x50]  }
0x39e: {  	v9 =	vadd.f32 v11, v9;
	v11 =	vld [tilespmem:s0+$0x60]  }
0x39f: {  	v15 =	vld [tilespmem:s13+$0x60]  }
0x3a0: {  	v10 =	vadd.f32 v13, v10;
	v13 =	vld [tilespmem:s0+$0x70]  }
0x3a1: {  	v16 =	vld [tilespmem:s13+$0x70];
	[tilespmem:s3+$0xFFFFFF00] =	vst v6  }
0x3a2: {  	v6 =	vadd.f32 v14, v12;
	[tilespmem:s3+$0xFFFFFF10] =	vst v7;
	v7 =	vld [tilespmem:s12+$0x0]  }
0x3a3: {  	[tilespmem:s3+$0xFFFFFF20] =	vst v8;
	v8 =	vld [tilespmem:s11+$0x0]  }
0x3a4: {  	v11 =	vadd.f32 v15, v11;
	[tilespmem:s3+$0xFFFFFF30] =	vst v9;
	v9 =	vld [tilespmem:s12+$0x10]  }
0x3a5: {  	[tilespmem:s3+$0xFFFFFF40] =	vst v10;
	v10 =	vld [tilespmem:s11+$0x10]  }
0x3a6: {  	v12 =	vadd.f32 v16, v13;
	[tilespmem:s3+$0xFFFFFF50] =	vst v6;
	v14 =	vld [tilespmem:s12+$0x20]  }
0x3a7: {  	[tilespmem:s3+$0xFFFFFF60] =	vst v11;
	v15 =	vld [tilespmem:s11+$0x20]  }
0x3a8: {  	[tilespmem:s3+$0xFFFFFF70] =	vst v12;
	v6 =	vadd.f32 v8, v7;
	v8 =	vld [tilespmem:s12+$0x30]  }
0x3a9: {  	v16 =	vld [tilespmem:s11+$0x30]  }
.Ltmp5:
0x3aa: {  	v7 =	vadd.f32 v10, v9;
	v11 =	vld [tilespmem:s12+$0x40];
	(pc) =	sbr.rel @p0 .LBB2_13-.Ltmp5, $4  }
0x3ab: {  	v13 =	vld [tilespmem:s11+$0x40]  }
0x3ac: {  	v10 =	vadd.f32 v15, v14;
	v12 =	vld [tilespmem:s12+$0x50]  }
0x3ad: {  	v14 =	vld [tilespmem:s11+$0x50]  }
0x3ae: {  	s10 =	sadd.s32 $0x4, s10;
	v8 =	vadd.f32 v16, v8;
	v9 =	vld [tilespmem:s12+$0x60]  }
0x3af: {  	v15 =	vld [tilespmem:s11+$0x60]  }
0x3b0: {  	v16 =	vld [tilespmem:s12+$0x70]  }
0x3b1: {  	v17 =	vld [tilespmem:s11+$0x70]  }
0x3b2: {  	v18 =	vld [tilespmem:s9+$0x0]  }
0x3b3: {  	v19 =	vld [tilespmem:s8+$0x0]  }
0x3b4: {  	v20 =	vld [tilespmem:s9+$0x10]  }
0x3b5: {  	v21 =	vld [tilespmem:s8+$0x10]  }
0x3b6: {  	v22 =	vld [tilespmem:s9+$0x20]  }
0x3b7: {  	v23 =	vld [tilespmem:s8+$0x20]  }
0x3b8: {  	v24 =	vld [tilespmem:s9+$0x30]  }
0x3b9: {  	v25 =	vld [tilespmem:s8+$0x30];
	[tilespmem:s3+$0xFFFFFF80] =	vst v6  }
0x3ba: {  	v6 =	vld [tilespmem:s9+$0x40];
	[tilespmem:s3+$0xFFFFFF90] =	vst v7  }
0x3bb: {  	v7 =	vld [tilespmem:s8+$0x40];
	[tilespmem:s3+$0xFFFFFFA0] =	vst v10;
	v11 =	vadd.f32 v13, v11  }
0x3bc: {  	v41 =	vld [tilespmem:s9+$0x50];
	[tilespmem:s3+$0xFFFFFFB0] =	vst v8;
	v12 =	vadd.f32 v14, v12  }
0x3bd: {  	v42 =	vld [tilespmem:s8+$0x50];
	[tilespmem:s3+$0xFFFFFFC0] =	vst v11;
	v9 =	vadd.f32 v15, v9  }
0x3be: {  	v43 =	vld [tilespmem:s9+$0x60];
	v44 =	vadd.f32 v17, v16;
	[tilespmem:s3+$0xFFFFFFD0] =	vst v12  }
0x3bf: {  	v45 =	vld [tilespmem:s8+$0x60];
	v46 =	vadd.f32 v19, v18;
	[tilespmem:s3+$0xFFFFFFE0] =	vst v9  }
0x3c0: {  	v47 =	vld [tilespmem:s9+$0x70];
	v48 =	vadd.f32 v21, v20;
	[tilespmem:s3+$0xFFFFFFF0] =	vst v44  }
0x3c1: {  	v49 =	vld [tilespmem:s8+$0x70];
	v50 =	vadd.f32 v23, v22;
	[tilespmem:s3+$0x0] =	vst v46  }
0x3c2: {  	v51 =	vadd.f32 v25, v24;
	[tilespmem:s3+$0x10] =	vst v48  }
0x3c3: {  	v6 =	vadd.f32 v7, v6;
	[tilespmem:s3+$0x20] =	vst v50  }
0x3c4: {  	v7 =	vadd.f32 v42, v41;
	[tilespmem:s3+$0x30] =	vst v51  }
0x3c5: {  	v52 =	vadd.f32 v45, v43;
	[tilespmem:s3+$0x40] =	vst v6  }
0x3c6: {  	v6 =	vadd.f32 v49, v47;
	[tilespmem:s3+$0x50] =	vst v7  }
0x3c7: {  	[tilespmem:s3+$0x60] =	vst v52  }
0x3c8: {  	[tilespmem:s3+$0x70] =	vst v6  }
0x3c9: {  	v6 =	vld [tilespmem:s5+$0xE048];
	_ =	sdelay $0x4  }
0x3ca: {  	(v2sf) =	vpush v6, $0x0;
	_ =	sdelay $0xe  }
0x3cb: {  	s0 =	spop (v2sf)  }
0x3cc: {  	s25 =	sshra.s32 s0, $0x9  }
0x3cd: {  	s0 =	sshll.u32 s0, $0x7;
	s3 =	sand.u32 $0xFFFFFF80, s25  }
0x3ce: {  	s0 =	sand.u32 $0x7FFF80, s0;
	v6 =	vld [tilespmem:s3+$0x0]  }
0x3cf: {  	v7 =	vld [tilespmem:s0+$0x0]  }
0x3d0: {  	v8 =	vld [tilespmem:s3+$0x10]  }
0x3d1: {  	v9 =	vld [tilespmem:s0+$0x10]  }
0x3d2: {  	v53 =	vld [tilespmem:s3+$0x20]  }
0x3d3: {  	v54 =	vld [tilespmem:s0+$0x20]  }
0x3d4: {  	v55 =	vld [tilespmem:s3+$0x30]  }
0x3d5: {  	v13 =	vld [tilespmem:s0+$0x30]  }
0x3d6: {  	v56 =	vld [tilespmem:s3+$0x40]  }
0x3d7: {  	v57 =	vld [tilespmem:s0+$0x40]  }
0x3d8: {  	v16 =	vld [tilespmem:s3+$0x50]  }
0x3d9: {  	v58 =	vld [tilespmem:s0+$0x50]  }
0x3da: {  	v59 =	vld [tilespmem:s3+$0x60]  }
0x3db: {  	v60 =	vld [tilespmem:s0+$0x60];
	v6 =	vadd.f32 v7, v6  }
0x3dc: {  	v61 =	vld [tilespmem:s0+$0x70];
	v8 =	vadd.f32 v9, v8  }
0x3dd: {  	v7 =	vld [tilespmem:s3+$0x70];
	v10 =	vadd.f32 v54, v53;
	[tilespmem:$0x1C580] =	vst v6  }
0x3de: {  	v62 =	vadd.f32 v57, v56;
	[tilespmem:$0x1C590] =	vst v8  }
0x3df: {  	v6 =	vadd.f32 v13, v55;
	[tilespmem:$0x1C5A0] =	vst v10  }
0x3e0: {  	v63 =	vadd.f32 v58, v16;
	[tilespmem:$0x1C5C0] =	vst v62  }
0x3e1: {  	[tilespmem:$0x1C5B0] =	vst v6;
	v6 =	vadd.f32 v60, v59  }
0x3e2: {  	[tilespmem:$0x1C5D0] =	vst v63;
	v7 =	vadd.f32 v61, v7  }
0x3e3: {  	[tilespmem:$0x1C5E0] =	vst v6  }
0x3e4: {  	s26 =	sadd.s32 s7, s20;
	[tilespmem:$0x1C5F0] =	vst v7  }
0x3e5: {  	s0 =	smul.u32 $0x500, s26;
	_ =	swait.ge [sflag:s22], $0x2480  }
0x3e6: {  	[sflag:s22] =	ssyncset.done $0x0  }
0x3e7: {  	s1 =	sadd.s32 $0x1, s1;
	s0 =	sadd.s32 s4, s0;
	[sflag:s22] =	ssyncadd.s32 $0xFFFFDB80  }
0x3e8: {  	[hbm4b:s0+s2] =	stream.linear.scatter [tilespmem:s29], [sflag:$0x4], $0x2480, $0x38;
	[tilespmem:$0x1C980] =	vst v63  }
0x3e9: {  	p0 =	sne.s32 s1, $0x20;
	_ =	swait.ge [sflag:s30], $0x2480  }
.Ltmp6:
0x3ea: {  	[sflag:s30] =	ssyncset.done $0x0;
	(pc) =	sbr.rel @p0 .LBB2_6-.Ltmp6, $4  }
0x3eb: {  	[sflag:s30] =	ssyncadd.s32 $0xFFFFDB80  }
0x3ec: {  	_ =	swait.ge [sflag:s31], $0x2480  }
0x3ed: {  	s14 =	sadd.s32 $0x124, s14;
	s17 =	sadd.s32 $0x124, s17;
	[sflag:s31] =	ssyncset.done $0x0  }
0x3ee: {  	s18 =	sadd.s32 $0x124, s18;
	s19 =	sadd.s32 $0x124, s19;
	[sflag:s31] =	ssyncadd.s32 $0xFFFFDB80  }
0x3ef: {  	s1 =	rddreg [dreg:$0x11]  }
0x3f0: {  	s0 =	rddreg [dreg:$0x10];
	s1 =	sadd.s32 $0x1, s1  }
0x3f1: {  	p0 =	sne.s32 s1, s0  }
.Ltmp7:
0x3f2: {  	_ = 	snop;
	(pc) =	sbr.rel @p0 .LBB2_1-.Ltmp7, $1  }
0x3f3: {  	_ =	sdelay $0x3  }
0x3f4: {  	_ =	sfence.sel $0x180000  }
0x3f5: {  	[bflag:$0x0] =	sbarrier.arrive $0xFFFF  }
0x3f6: {  	_ =	strace $0x90000047  }
0x3f7: {  	s0 =	stileid.u32;
	[bflag:$0x2] =	sbarrier.arrive $0xFFFF  }
0x3f8: {  	p0 =	sne.s32 s0, $0x0;
	s0 =	rddreg [dreg:$0x7]  }
0x3f9: {  	s0 =	sadd.s32 @!p0 $0x100000, s0  }
0x3fa: {  	[sflag:s0] =	ssyncadd.tile.s32 @!p0 $0x1;
	_ =	shalt  }
.Lfunc_end2:
_tile_overlayer_lowered:
.L_overlay_start_2:
0x3fb: {  	(tag) =	ssettag $0x2  }
0x3fc: {  	s0 =	rddreg [dreg:$0x0];
	s2 =	stileid.u32  }
0x3fd: {  	s1 =	rddreg [dreg:$0x1];
	p0 =	sne.s32 s2, $0x0  }
0x3fe: {  	s3 =	rddreg [dreg:$0x2];
	[bflag:$0x3] =	sbarrier.arrive $0xFFFF;
	s2 =	simm.s32 @!p0 $0x1C05  }
0x3ff: {  	[timem:s3], [sflag:s2] =	dma.local @!p0 [hbm:s0], s1  }
0x400: {  	s0 =	simm.s32 @!p0 $0x5  }
0x401: {  	_ =	swait.ge @!p0 [sflag:s0], s1  }
0x402: {  	s1 =	ssub.s32 @!p0 $0x0, s1;
	[sflag:s0] =	ssyncset.done @!p0 $0x0  }
0x403: {  	[sflag:s0] =	ssyncadd.s32 @!p0 s1  }
0x404: {  	[bflag:$0x3] =	sbarrier.arrive $0xFFFF  }
0x405: {  	_ =	shalt  }

</sc_bundles>
